<compile_context>
chip_gen: v7x
topology: tpu7x:2x2x1
jax: 0.10.2.dev20260603
libtpu: 0.0.44.dev20260713+nightly
codegen_flags: <defaults>
</compile_context>

<pallas_src>
import functools

import jax
import jax.numpy as jnp
from jax import lax
from jax.experimental import pallas as pl
from jax.experimental.pallas import tpu as pltpu
from jax.experimental.pallas import tpu_sc as plsc

_BETA = 0.1
_C_MIN = 0.5
_RW = _C_MIN - _BETA
_ALPHA = 1.0 - _RW - _BETA

_NC = 2
_NS = 16
_LANES = 16
_NW = _NC * _NS
_CHUNK = 128
_DUMP = 128


def _ceil_div(a, b):
    return -(-a // b)


@functools.lru_cache(maxsize=None)
def _make_sc_scatter(n_pad, cpw, d, shift):
    half = n_pad // 2
    acc_rows = half + _DUMP
    rpt_acc = acc_rows // _NS
    rpt_out = half // _NS
    mask = (1 << shift) - 1
    mesh = plsc.VectorSubcoreMesh(core_axis_name="c", subcore_axis_name="s")

    @functools.partial(
        pl.kernel,
        out_type=jax.ShapeDtypeStruct((_NC, n_pad, d), jnp.float32),
        mesh=mesh,
        scratch_types=[
            pltpu.VMEM((cpw, _CHUNK), jnp.int32),
            pltpu.VMEM((cpw, _CHUNK), jnp.int32),
            pltpu.VMEM((cpw, _CHUNK), jnp.int32),
            pltpu.VMEM((cpw, _CHUNK), jnp.int32),
            pltpu.VMEM((_CHUNK, d), jnp.float32),
            pltpu.VMEM((_CHUNK, d), jnp.float32),
            pltpu.VMEM_SHARED((acc_rows, d), jnp.float32),
            pltpu.SemaphoreType.DMA,
            pltpu.SemaphoreType.DMA,
            pltpu.SemaphoreType.DMA,
        ],
    )
    def sc_scatter(pk_hbm, g_hbm, z_hbm, out_hbm,
                   pk_v, src_v, dst0_v, dst1_v, rows0, rows1, acc,
                   sem0, sem1, sem2):
        cid = lax.axis_index("c")
        sid = lax.axis_index("s")
        pltpu.sync_copy(pk_hbm.at[cid, sid], pk_v)

        def urow(j, carry):
            for c0 in range(_CHUNK // _LANES):
                sl = pl.ds(c0 * _LANES, _LANES)
                v = pk_v[j, sl]
                dst = jnp.right_shift(v, shift)
                dump = half + jnp.bitwise_and(dst, _DUMP - 1)
                rel1 = dst - half
                src_v[j, sl] = jnp.bitwise_and(v, mask)
                dst0_v[j, sl] = jnp.where(dst < half, dst, dump)
                dst1_v[j, sl] = jnp.where(rel1 >= 0, rel1, dump)
            return carry

        lax.fori_loop(0, cpw, urow, 0)

        for phase, dstp_v in ((0, dst0_v), (1, dst1_v)):

            def zcp(i, carry):
                pltpu.sync_copy(
                    z_hbm, acc.at[pl.ds(sid * rpt_acc + i * _CHUNK, _CHUNK)])
                return carry

            nfull = rpt_acc // _CHUNK
            lax.fori_loop(0, nfull, zcp, 0)
            rem = rpt_acc - nfull * _CHUNK
            if rem:
                pltpu.sync_copy(
                    z_hbm.at[pl.ds(0, rem)],
                    acc.at[pl.ds(sid * rpt_acc + nfull * _CHUNK, rem)])
            plsc.subcore_barrier()

            def pair(i, carry):
                j0 = 2 * i
                h0 = pltpu.async_copy(g_hbm.at[src_v.at[j0]], rows0, sem0)
                h1 = pltpu.async_copy(g_hbm.at[src_v.at[j0 + 1]], rows1,
                                      sem1)
                h0.wait()
                hs = pltpu.async_copy(rows0, acc.at[dstp_v.at[j0]], sem2,
                                      add=True)
                h1.wait()
                pltpu.sync_copy(rows1, acc.at[dstp_v.at[j0 + 1]], add=True)
                hs.wait()
                return carry

            lax.fori_loop(0, cpw // 2, pair, 0)
            plsc.subcore_barrier()
            pltpu.sync_copy(
                acc.at[pl.ds(sid * rpt_out, rpt_out)],
                out_hbm.at[cid,
                           pl.ds(phase * half + sid * rpt_out, rpt_out)])
            plsc.subcore_barrier()

    return sc_scatter


def _enc_body(x_ref, w_ref, degp_ref, h_ref, g_ref, dinv_ref, *, n):
    t = jnp.dot(x_ref[...], w_ref[...], preferred_element_type=jnp.float32)
    t = jnp.maximum(t, 0.0)
    deg = degp_ref[0, :n, 0:1] + degp_ref[1, :n, 0:1] + 1.0
    dv = lax.rsqrt(deg)
    h_ref[...] = t
    g_ref[...] = t * dv
    dinv_ref[...] = dv


def _layer_body(pa_ref, h_ref, x0_ref, dinv_ref, w_ref,
                gam_ref, bet_ref, sb_ref, hn_ref, gn_ref, *, n):
    agg = pa_ref[0, :n, :] + pa_ref[1, :n, :]
    dv = dinv_ref[...]
    h = h_ref[...]
    hi = agg * dv + h * (dv * dv)
    sup = _ALPHA * hi + _RW * h + _BETA * x0_ref[...]
    t = jnp.dot(sup, w_ref[...], preferred_element_type=jnp.float32)
    mean = jnp.mean(t, axis=0, keepdims=True)
    cm = t - mean
    var = jnp.mean(cm * cm, axis=0, keepdims=True)
    hbn = cm * lax.rsqrt(var + 1e-5) * gam_ref[...] + bet_ref[...]
    sb = sb_ref[...]
    hn = jnp.maximum(hbn - sb, 0.0) + sb
    hn_ref[...] = hn
    gn_ref[...] = hn * dv


def _head_body(h_ref, wh_ref, out_ref):
    out_ref[...] = jnp.dot(h_ref[...], wh_ref[...],
                           preferred_element_type=jnp.float32)


def kernel(x, edge_index, W_enc, conv_w, bn_gamma, bn_beta, srelu_bias,
           W_head):
    n, d = x.shape
    e = edge_index.shape[1]
    num_layers = conv_w.shape[0]
    cpw = 2 * _ceil_div(e, 2 * _NW * _CHUNK)
    e_pad = _NW * cpw * _CHUNK
    n_pad = 2 * _NS * _CHUNK * _ceil_div(n + 1, 2 * _NS * _CHUNK)
    shift = max(int(n_pad - 1).bit_length(), 1)
    assert 2 * shift <= 31, "packed src/dst index exceeds int32"

    src = edge_index[0].astype(jnp.int32)
    dst = edge_index[1].astype(jnp.int32)
    padn = e_pad - e
    padi = jnp.arange(padn, dtype=jnp.int32)
    src_p = jnp.concatenate([src, padi % n])
    dst_p = jnp.concatenate([dst, n + padi % (n_pad - n)])
    packed = (src_p | (dst_p << shift)).reshape(_NC, _NS, cpw, _CHUNK)

    sc_scatter = _make_sc_scatter(n_pad, cpw, d, shift)

    zrows = jnp.zeros((_CHUNK, d), jnp.float32)
    deg_parts = sc_scatter(packed, jnp.ones((n, d), jnp.float32), zrows)

    enc = pl.pallas_call(
        functools.partial(_enc_body, n=n),
        out_shape=[
            jax.ShapeDtypeStruct((n, d), jnp.float32),
            jax.ShapeDtypeStruct((n, d), jnp.float32),
            jax.ShapeDtypeStruct((n, 1), jnp.float32),
        ],
    )
    h0, g, dinv = enc(x, W_enc, deg_parts)

    layer = pl.pallas_call(
        functools.partial(_layer_body, n=n),
        out_shape=[
            jax.ShapeDtypeStruct((n, d), jnp.float32),
            jax.ShapeDtypeStruct((n, d), jnp.float32),
        ],
    )

    def body(carry, win):
        hc, gc = carry
        wl, gam, bet, sb = win
        parts = sc_scatter(packed, gc, zrows)
        hc, gc = layer(parts, hc, h0, dinv, wl, gam, bet, sb)
        return (hc, gc), None

    (h, _), _ = lax.scan(
        body, (h0, g),
        (conv_w, bn_gamma.reshape(num_layers, 1, d),
         bn_beta.reshape(num_layers, 1, d),
         srelu_bias.reshape(num_layers, 1, d)))

    head = pl.pallas_call(
        _head_body,
        out_shape=jax.ShapeDtypeStruct((n, d), jnp.float32),
    )
    return head(h, W_head)

# --- scband reference (transcript-rebuilt; emitter-appended) ---
"""Pipeline reference for scband-egnn-32023276159563 (READ-ONLY COPY).

The authoritative reference and input builder live on the scoring server;
editing this copy changes nothing except your own understanding.
"""

import jax, jax.numpy as jnp
import numpy as np

N = 10000
E = 320000
D = 128
L = 4
BETA = 0.1
C_MIN = 0.5
RESIDUAL_WEIGHT = C_MIN - BETA
SRELU_BIAS = -10.0


def setup_inputs(seed: int = 0) -> dict:
    key = jax.random.key(seed)
    ks = jax.random.split(key, 8)
    x = jax.random.normal(ks[0], (N, D), dtype=jnp.float32)
    edge_index = jax.random.randint(ks[1], (2, E), 0, N)
    W_enc = jax.random.normal(ks[2], (D, D), dtype=jnp.float32) / np.sqrt(D)
    conv_w = jax.random.normal(ks[3], (L, D, D), dtype=jnp.float32) / np.sqrt(D)
    bn_gamma = jnp.ones((L, D), dtype=jnp.float32)
    bn_beta = jnp.zeros((L, D), dtype=jnp.float32)
    srelu_bias = jnp.full((L, D), SRELU_BIAS, dtype=jnp.float32)
    W_head = jax.random.normal(ks[4], (D, D), dtype=jnp.float32) / np.sqrt(D)
    return {"x": x, "edge_index": edge_index, "W_enc": W_enc, "conv_w": conv_w,
            "bn_gamma": bn_gamma, "bn_beta": bn_beta, "srelu_bias": srelu_bias,
            "W_head": W_head}


def reference(x, edge_index, W_enc, conv_w, bn_gamma, bn_beta, srelu_bias, W_head):
    src = edge_index[0]
    dst = edge_index[1]
    n = x.shape[0]
    # GCN-style symmetric normalization with self loops
    deg = jax.ops.segment_sum(jnp.ones((E,), dtype=x.dtype), dst, num_segments=n) + 1.0
    dinv = jax.lax.rsqrt(deg)

    def gcn_propagate(h):
        coef = (dinv[src] * dinv[dst])[:, None]
        msg = h[src] * coef
        agg = jax.ops.segment_sum(msg, dst, num_segments=n)
        # self-loop contribution
        return agg + h * (dinv * dinv)[:, None]

    # encoder (FeatureEncoder approximated as linear projection to dim_inner)
    h = x @ W_enc
    h = jax.nn.relu(h)
    x0 = h  # original_x after encoder+relu, as in the torch forward
    for l in range(L):
        # dropout is identity in eval mode
        hi = gcn_propagate(h)
        # EGNNConv: lower-bounded residual combination with initial features x0
        sup = (1.0 - RESIDUAL_WEIGHT - BETA) * hi + RESIDUAL_WEIGHT * h + BETA * x0
        h = sup @ conv_w[l]
        # BatchNorm1d over nodes (batch statistics, training-style)
        mean = jnp.mean(h, axis=0, keepdims=True)
        var = jnp.var(h, axis=0, keepdims=True)
        h = (h - mean) * jax.lax.rsqrt(var + 1e-5) * bn_gamma[l] + bn_beta[l]
        # SReLU: relu(x - b) + b
        h = jax.nn.relu(h - srelu_bias[l]) + srelu_bias[l]
    # post_mp head (node-level linear head)
    out = h @ W_head
    return out

if __name__ == "__main__":
    import jax
    _d = setup_inputs()
    print(jax.jit(kernel)(*tuple(_d.values())))

</pallas_src>

<mosaic_0001>
#map = affine_map<(d0, d1) -> (0, 0, 0, 0)>
#map1 = affine_map<(d0, d1) -> (0, 0)>
#map2 = affine_map<(d0, d1) -> (0, 0, 0)>
module attributes {stable_mosaic.version = 14 : i64} {
  func.func @sc_scatter(%arg0: i32, %arg1: i32, %arg2: memref<2x16x80x128xi32, #tpu.memory_space<hbm>>, %arg3: memref<10000x128xf32, #tpu.memory_space<hbm>>, %arg4: memref<128x128xf32, #tpu.memory_space<hbm>>, %arg5: memref<2x12288x128xf32, #tpu.memory_space<hbm>>, %arg6: memref<80x128xi32, #tpu.memory_space<vmem>>, %arg7: memref<80x128xi32, #tpu.memory_space<vmem>>, %arg8: memref<80x128xi32, #tpu.memory_space<vmem>>, %arg9: memref<80x128xi32, #tpu.memory_space<vmem>>, %arg10: memref<128x128xf32, #tpu.memory_space<vmem>>, %arg11: memref<128x128xf32, #tpu.memory_space<vmem>>, %arg12: memref<6272x128xf32, #tpu.memory_space<vmem_shared>>, %arg13: memref<!tpu.dma_semaphore, #tpu.memory_space<semaphore_mem>>, %arg14: memref<!tpu.dma_semaphore, #tpu.memory_space<semaphore_mem>>, %arg15: memref<!tpu.dma_semaphore, #tpu.memory_space<semaphore_mem>>) attributes {dimension_semantics = [#tpu.dimension_semantics<core_parallel>, #tpu.dimension_semantics<subcore_parallel>], iteration_bounds = array<i64: 2, 16>, scalar_prefetch = 0 : i64, scratch_operands = 10 : i64, tpu.core_type = #tpu.core_type<sc_vector_subcore>, window_params = [{transform_indices = #map}, {transform_indices = #map1}, {transform_indices = #map1}, {transform_indices = #map2}]} {
    "tpu.region"() ({
      %run_scoped3A = tpu.sem_alloc : memref<!tpu.dma_semaphore, #tpu.memory_space<semaphore_mem>>
      %dma_start3A = arith.constant 0 : i32
      %dma_start3A_52 = arith.constant 0 : i32
      %dma_start3A_53 = tpu.memref_slice %arg2[%arg0, %arg1, %dma_start3A, %dma_start3A_52] : memref<2x16x80x128xi32, #tpu.memory_space<hbm>> -> memref<1x1x80x128xi32, #tpu.memory_space<hbm>>
      %dma_start3A_54 = tpu.memref_squeeze %dma_start3A_53 : memref<1x1x80x128xi32, #tpu.memory_space<hbm>> -> memref<80x128xi32, #tpu.memory_space<hbm>>
      %dma_start3A_55 = arith.constant 0 : i32
      %dma_start3A_56 = arith.constant 0 : i32
      %dma_start3A_57 = tpu.memref_slice %arg2[%arg0, %arg1, %dma_start3A_55, %dma_start3A_56] : memref<2x16x80x128xi32, #tpu.memory_space<hbm>> -> memref<1x1x80x128xi32, #tpu.memory_space<hbm>>
      %dma_start3A_58 = tpu.memref_squeeze %dma_start3A_57 : memref<1x1x80x128xi32, #tpu.memory_space<hbm>> -> memref<80x128xi32, #tpu.memory_space<hbm>>
      tpu.enqueue_dma source(%dma_start3A_58 : memref<80x128xi32, #tpu.memory_space<hbm>>) target(%arg6 : memref<80x128xi32, #tpu.memory_space<vmem>>) target_semaphore(%run_scoped3A : memref<!tpu.dma_semaphore, #tpu.memory_space<semaphore_mem>>)
      %dma_wait3A = arith.constant 0 : i32
      %dma_wait3A_59 = arith.constant 0 : i32
      %dma_wait3A_60 = tpu.memref_slice %arg2[%arg0, %arg1, %dma_wait3A, %dma_wait3A_59] : memref<2x16x80x128xi32, #tpu.memory_space<hbm>> -> memref<1x1x80x128xi32, #tpu.memory_space<hbm>>
      %dma_wait3A_61 = tpu.memref_squeeze %dma_wait3A_60 : memref<1x1x80x128xi32, #tpu.memory_space<hbm>> -> memref<80x128xi32, #tpu.memory_space<hbm>>
      %dma_wait3A_62 = arith.constant 0 : i32
      %dma_wait3A_63 = arith.constant 0 : i32
      %dma_wait3A_64 = tpu.memref_slice %arg2[%arg0, %arg1, %dma_wait3A_62, %dma_wait3A_63] : memref<2x16x80x128xi32, #tpu.memory_space<hbm>> -> memref<1x1x80x128xi32, #tpu.memory_space<hbm>>
      %dma_wait3A_65 = tpu.memref_squeeze %dma_wait3A_64 : memref<1x1x80x128xi32, #tpu.memory_space<hbm>> -> memref<80x128xi32, #tpu.memory_space<hbm>>
      tpu.wait_dma2 semaphore(%run_scoped3A : memref<!tpu.dma_semaphore, #tpu.memory_space<semaphore_mem>>) src(%dma_wait3A_65 : memref<80x128xi32, #tpu.memory_space<hbm>>) dst(%arg6 : memref<80x128xi32, #tpu.memory_space<vmem>>)
      tpu.yield
    }) : () -> ()
    %scan3A = arith.constant 0 : i32
    %scan3A_0 = arith.constant 0 : i32
    %scan3A_1 = arith.constant 80 : i32
    %scan3A_2 = arith.addi %scan3A_0, %scan3A_1 : i32
    %scan3A_3 = arith.constant 1 : i32
    scf.for %scan3A_52 = %scan3A_0 to %scan3A_2 step %scan3A_3  : i32 {
      %get3A = arith.index_cast %scan3A_52 : i32 to index
      %get3A_53 = arith.constant 0 : index
      %get3A_54 = tpu.vector_load %arg6[%get3A, %get3A_53] {strides = array<i32>} : memref<80x128xi32, #tpu.memory_space<vmem>>, vector<1x16xi32>,
      %get3A_55 = vector.shape_cast %get3A_54 : vector<1x16xi32> to vector<16xi32>
      %shift_right_arithmetic3A = arith.constant 14 : i32
      %shift_right_arithmetic3A_56 = vector.broadcast %shift_right_arithmetic3A : i32 to vector<16xi32>
      %shift_right_arithmetic3A_57 = arith.shrsi %get3A_55, %shift_right_arithmetic3A_56 : vector<16xi32>
      %and3A = arith.constant 127 : i32
      %and3A_58 = vector.broadcast %and3A : i32 to vector<16xi32>
      %and3A_59 = arith.andi %shift_right_arithmetic3A_57, %and3A_58 : vector<16xi32>
      %add3A_60 = arith.constant 6144 : i32
      %add3A_61 = vector.broadcast %add3A_60 : i32 to vector<16xi32>
      %add3A_62 = arith.addi %add3A_61, %and3A_59 : vector<16xi32>
      %sub3A = arith.constant 6144 : i32
      %sub3A_63 = vector.broadcast %sub3A : i32 to vector<16xi32>
      %sub3A_64 = arith.subi %shift_right_arithmetic3A_57, %sub3A_63 : vector<16xi32>
      %and3A_65 = arith.constant 16383 : i32
      %and3A_66 = vector.broadcast %and3A_65 : i32 to vector<16xi32>
      %and3A_67 = arith.andi %get3A_55, %and3A_66 : vector<16xi32>
      %swap3A = arith.index_cast %scan3A_52 : i32 to index
      %swap3A_68 = arith.constant 0 : index
      %swap3A_69 = tpu.vector_load %arg7[%swap3A, %swap3A_68] {strides = array<i32>} : memref<80x128xi32, #tpu.memory_space<vmem>>, vector<1x16xi32>,
      %swap3A_70 = vector.shape_cast %swap3A_69 : vector<1x16xi32> to vector<16xi32>
      %swap3A_71 = vector.shape_cast %and3A_67 : vector<16xi32> to vector<1x16xi32>
      tpu.vector_store %arg7[%swap3A, %swap3A_68], %swap3A_71 {strides = array<i32>} : memref<80x128xi32, #tpu.memory_space<vmem>>, vector<1x16xi32>,
      %lt3A = arith.constant 6144 : i32
      %lt3A_72 = vector.broadcast %lt3A : i32 to vector<16xi32>
      %lt3A_73 = arith.cmpi slt, %shift_right_arithmetic3A_57, %lt3A_72 : vector<16xi32>
      %select_n3A = arith.select %lt3A_73, %shift_right_arithmetic3A_57, %add3A_62 : vector<16xi1>, vector<16xi32>
      %swap3A_74 = arith.index_cast %scan3A_52 : i32 to index
      %swap3A_75 = arith.constant 0 : index
      %swap3A_76 = tpu.vector_load %arg8[%swap3A_74, %swap3A_75] {strides = array<i32>} : memref<80x128xi32, #tpu.memory_space<vmem>>, vector<1x16xi32>,
      %swap3A_77 = vector.shape_cast %swap3A_76 : vector<1x16xi32> to vector<16xi32>
      %swap3A_78 = vector.shape_cast %select_n3A : vector<16xi32> to vector<1x16xi32>
      tpu.vector_store %arg8[%swap3A_74, %swap3A_75], %swap3A_78 {strides = array<i32>} : memref<80x128xi32, #tpu.memory_space<vmem>>, vector<1x16xi32>,
      %ge3A = arith.constant 0 : i32
      %ge3A_79 = vector.broadcast %ge3A : i32 to vector<16xi32>
      %ge3A_80 = arith.cmpi sge, %sub3A_64, %ge3A_79 : vector<16xi32>
      %select_n3A_81 = arith.select %ge3A_80, %sub3A_64, %add3A_62 : vector<16xi1>, vector<16xi32>
      %swap3A_82 = arith.index_cast %scan3A_52 : i32 to index
      %swap3A_83 = arith.constant 0 : index
      %swap3A_84 = tpu.vector_load %arg9[%swap3A_82, %swap3A_83] {strides = array<i32>} : memref<80x128xi32, #tpu.memory_space<vmem>>, vector<1x16xi32>,
      %swap3A_85 = vector.shape_cast %swap3A_84 : vector<1x16xi32> to vector<16xi32>
      %swap3A_86 = vector.shape_cast %select_n3A_81 : vector<16xi32> to vector<1x16xi32>
      tpu.vector_store %arg9[%swap3A_82, %swap3A_83], %swap3A_86 {strides = array<i32>} : memref<80x128xi32, #tpu.memory_space<vmem>>, vector<1x16xi32>,
      %get3A_87 = arith.index_cast %scan3A_52 : i32 to index
      %get3A_88 = arith.constant 16 : index
      %get3A_89 = tpu.vector_load %arg6[%get3A_87, %get3A_88] {strides = array<i32>} : memref<80x128xi32, #tpu.memory_space<vmem>>, vector<1x16xi32>,
      %get3A_90 = vector.shape_cast %get3A_89 : vector<1x16xi32> to vector<16xi32>
      %shift_right_arithmetic3A_91 = arith.constant 14 : i32
      %shift_right_arithmetic3A_92 = vector.broadcast %shift_right_arithmetic3A_91 : i32 to vector<16xi32>
      %shift_right_arithmetic3A_93 = arith.shrsi %get3A_90, %shift_right_arithmetic3A_92 : vector<16xi32>
      %and3A_94 = arith.constant 127 : i32
      %and3A_95 = vector.broadcast %and3A_94 : i32 to vector<16xi32>
      %and3A_96 = arith.andi %shift_right_arithmetic3A_93, %and3A_95 : vector<16xi32>
      %add3A_97 = arith.constant 6144 : i32
      %add3A_98 = vector.broadcast %add3A_97 : i32 to vector<16xi32>
      %add3A_99 = arith.addi %add3A_98, %and3A_96 : vector<16xi32>
      %sub3A_100 = arith.constant 6144 : i32
      %sub3A_101 = vector.broadcast %sub3A_100 : i32 to vector<16xi32>
      %sub3A_102 = arith.subi %shift_right_arithmetic3A_93, %sub3A_101 : vector<16xi32>
      %and3A_103 = arith.constant 16383 : i32
      %and3A_104 = vector.broadcast %and3A_103 : i32 to vector<16xi32>
      %and3A_105 = arith.andi %get3A_90, %and3A_104 : vector<16xi32>
      %swap3A_106 = arith.index_cast %scan3A_52 : i32 to index
      %swap3A_107 = arith.constant 16 : index
      %swap3A_108 = tpu.vector_load %arg7[%swap3A_106, %swap3A_107] {strides = array<i32>} : memref<80x128xi32, #tpu.memory_space<vmem>>, vector<1x16xi32>,
      %swap3A_109 = vector.shape_cast %swap3A_108 : vector<1x16xi32> to vector<16xi32>
      %swap3A_110 = vector.shape_cast %and3A_105 : vector<16xi32> to vector<1x16xi32>
      tpu.vector_store %arg7[%swap3A_106, %swap3A_107], %swap3A_110 {strides = array<i32>} : memref<80x128xi32, #tpu.memory_space<vmem>>, vector<1x16xi32>,
      %lt3A_111 = arith.constant 6144 : i32
      %lt3A_112 = vector.broadcast %lt3A_111 : i32 to vector<16xi32>
      %lt3A_113 = arith.cmpi slt, %shift_right_arithmetic3A_93, %lt3A_112 : vector<16xi32>
      %select_n3A_114 = arith.select %lt3A_113, %shift_right_arithmetic3A_93, %add3A_99 : vector<16xi1>, vector<16xi32>
      %swap3A_115 = arith.index_cast %scan3A_52 : i32 to index
      %swap3A_116 = arith.constant 16 : index
      %swap3A_117 = tpu.vector_load %arg8[%swap3A_115, %swap3A_116] {strides = array<i32>} : memref<80x128xi32, #tpu.memory_space<vmem>>, vector<1x16xi32>,
      %swap3A_118 = vector.shape_cast %swap3A_117 : vector<1x16xi32> to vector<16xi32>
      %swap3A_119 = vector.shape_cast %select_n3A_114 : vector<16xi32> to vector<1x16xi32>
      tpu.vector_store %arg8[%swap3A_115, %swap3A_116], %swap3A_119 {strides = array<i32>} : memref<80x128xi32, #tpu.memory_space<vmem>>, vector<1x16xi32>,
      %ge3A_120 = arith.constant 0 : i32
      %ge3A_121 = vector.broadcast %ge3A_120 : i32 to vector<16xi32>
      %ge3A_122 = arith.cmpi sge, %sub3A_102, %ge3A_121 : vector<16xi32>
      %select_n3A_123 = arith.select %ge3A_122, %sub3A_102, %add3A_99 : vector<16xi1>, vector<16xi32>
      %swap3A_124 = arith.index_cast %scan3A_52 : i32 to index
      %swap3A_125 = arith.constant 16 : index
      %swap3A_126 = tpu.vector_load %arg9[%swap3A_124, %swap3A_125] {strides = array<i32>} : memref<80x128xi32, #tpu.memory_space<vmem>>, vector<1x16xi32>,
      %swap3A_127 = vector.shape_cast %swap3A_126 : vector<1x16xi32> to vector<16xi32>
      %swap3A_128 = vector.shape_cast %select_n3A_123 : vector<16xi32> to vector<1x16xi32>
      tpu.vector_store %arg9[%swap3A_124, %swap3A_125], %swap3A_128 {strides = array<i32>} : memref<80x128xi32, #tpu.memory_space<vmem>>, vector<1x16xi32>,
      %get3A_129 = arith.index_cast %scan3A_52 : i32 to index
      %get3A_130 = arith.constant 32 : index
      %get3A_131 = tpu.vector_load %arg6[%get3A_129, %get3A_130] {strides = array<i32>} : memref<80x128xi32, #tpu.memory_space<vmem>>, vector<1x16xi32>,
      %get3A_132 = vector.shape_cast %get3A_131 : vector<1x16xi32> to vector<16xi32>
      %shift_right_arithmetic3A_133 = arith.constant 14 : i32
      %shift_right_arithmetic3A_134 = vector.broadcast %shift_right_arithmetic3A_133 : i32 to vector<16xi32>
      %shift_right_arithmetic3A_135 = arith.shrsi %get3A_132, %shift_right_arithmetic3A_134 : vector<16xi32>
      %and3A_136 = arith.constant 127 : i32
      %and3A_137 = vector.broadcast %and3A_136 : i32 to vector<16xi32>
      %and3A_138 = arith.andi %shift_right_arithmetic3A_135, %and3A_137 : vector<16xi32>
      %add3A_139 = arith.constant 6144 : i32
      %add3A_140 = vector.broadcast %add3A_139 : i32 to vector<16xi32>
      %add3A_141 = arith.addi %add3A_140, %and3A_138 : vector<16xi32>
      %sub3A_142 = arith.constant 6144 : i32
      %sub3A_143 = vector.broadcast %sub3A_142 : i32 to vector<16xi32>
      %sub3A_144 = arith.subi %shift_right_arithmetic3A_135, %sub3A_143 : vector<16xi32>
      %and3A_145 = arith.constant 16383 : i32
      %and3A_146 = vector.broadcast %and3A_145 : i32 to vector<16xi32>
      %and3A_147 = arith.andi %get3A_132, %and3A_146 : vector<16xi32>
      %swap3A_148 = arith.index_cast %scan3A_52 : i32 to index
      %swap3A_149 = arith.constant 32 : index
      %swap3A_150 = tpu.vector_load %arg7[%swap3A_148, %swap3A_149] {strides = array<i32>} : memref<80x128xi32, #tpu.memory_space<vmem>>, vector<1x16xi32>,
      %swap3A_151 = vector.shape_cast %swap3A_150 : vector<1x16xi32> to vector<16xi32>
      %swap3A_152 = vector.shape_cast %and3A_147 : vector<16xi32> to vector<1x16xi32>
      tpu.vector_store %arg7[%swap3A_148, %swap3A_149], %swap3A_152 {strides = array<i32>} : memref<80x128xi32, #tpu.memory_space<vmem>>, vector<1x16xi32>,
      %lt3A_153 = arith.constant 6144 : i32
      %lt3A_154 = vector.broadcast %lt3A_153 : i32 to vector<16xi32>
      %lt3A_155 = arith.cmpi slt, %shift_right_arithmetic3A_135, %lt3A_154 : vector<16xi32>
      %select_n3A_156 = arith.select %lt3A_155, %shift_right_arithmetic3A_135, %add3A_141 : vector<16xi1>, vector<16xi32>
      %swap3A_157 = arith.index_cast %scan3A_52 : i32 to index
      %swap3A_158 = arith.constant 32 : index
      %swap3A_159 = tpu.vector_load %arg8[%swap3A_157, %swap3A_158] {strides = array<i32>} : memref<80x128xi32, #tpu.memory_space<vmem>>, vector<1x16xi32>,
      %swap3A_160 = vector.shape_cast %swap3A_159 : vector<1x16xi32> to vector<16xi32>
      %swap3A_161 = vector.shape_cast %select_n3A_156 : vector<16xi32> to vector<1x16xi32>
      tpu.vector_store %arg8[%swap3A_157, %swap3A_158], %swap3A_161 {strides = array<i32>} : memref<80x128xi32, #tpu.memory_space<vmem>>, vector<1x16xi32>,
      %ge3A_162 = arith.constant 0 : i32
      %ge3A_163 = vector.broadcast %ge3A_162 : i32 to vector<16xi32>
      %ge3A_164 = arith.cmpi sge, %sub3A_144, %ge3A_163 : vector<16xi32>
      %select_n3A_165 = arith.select %ge3A_164, %sub3A_144, %add3A_141 : vector<16xi1>, vector<16xi32>
      %swap3A_166 = arith.index_cast %scan3A_52 : i32 to index
      %swap3A_167 = arith.constant 32 : index
      %swap3A_168 = tpu.vector_load %arg9[%swap3A_166, %swap3A_167] {strides = array<i32>} : memref<80x128xi32, #tpu.memory_space<vmem>>, vector<1x16xi32>,
      %swap3A_169 = vector.shape_cast %swap3A_168 : vector<1x16xi32> to vector<16xi32>
      %swap3A_170 = vector.shape_cast %select_n3A_165 : vector<16xi32> to vector<1x16xi32>
      tpu.vector_store %arg9[%swap3A_166, %swap3A_167], %swap3A_170 {strides = array<i32>} : memref<80x128xi32, #tpu.memory_space<vmem>>, vector<1x16xi32>,
      %get3A_171 = arith.index_cast %scan3A_52 : i32 to index
      %get3A_172 = arith.constant 48 : index
      %get3A_173 = tpu.vector_load %arg6[%get3A_171, %get3A_172] {strides = array<i32>} : memref<80x128xi32, #tpu.memory_space<vmem>>, vector<1x16xi32>,
      %get3A_174 = vector.shape_cast %get3A_173 : vector<1x16xi32> to vector<16xi32>
      %shift_right_arithmetic3A_175 = arith.constant 14 : i32
      %shift_right_arithmetic3A_176 = vector.broadcast %shift_right_arithmetic3A_175 : i32 to vector<16xi32>
      %shift_right_arithmetic3A_177 = arith.shrsi %get3A_174, %shift_right_arithmetic3A_176 : vector<16xi32>
      %and3A_178 = arith.constant 127 : i32
      %and3A_179 = vector.broadcast %and3A_178 : i32 to vector<16xi32>
      %and3A_180 = arith.andi %shift_right_arithmetic3A_177, %and3A_179 : vector<16xi32>
      %add3A_181 = arith.constant 6144 : i32
      %add3A_182 = vector.broadcast %add3A_181 : i32 to vector<16xi32>
      %add3A_183 = arith.addi %add3A_182, %and3A_180 : vector<16xi32>
      %sub3A_184 = arith.constant 6144 : i32
      %sub3A_185 = vector.broadcast %sub3A_184 : i32 to vector<16xi32>
      %sub3A_186 = arith.subi %shift_right_arithmetic3A_177, %sub3A_185 : vector<16xi32>
      %and3A_187 = arith.constant 16383 : i32
      %and3A_188 = vector.broadcast %and3A_187 : i32 to vector<16xi32>
      %and3A_189 = arith.andi %get3A_174, %and3A_188 : vector<16xi32>
      %swap3A_190 = arith.index_cast %scan3A_52 : i32 to index
      %swap3A_191 = arith.constant 48 : index
      %swap3A_192 = tpu.vector_load %arg7[%swap3A_190, %swap3A_191] {strides = array<i32>} : memref<80x128xi32, #tpu.memory_space<vmem>>, vector<1x16xi32>,
      %swap3A_193 = vector.shape_cast %swap3A_192 : vector<1x16xi32> to vector<16xi32>
      %swap3A_194 = vector.shape_cast %and3A_189 : vector<16xi32> to vector<1x16xi32>
      tpu.vector_store %arg7[%swap3A_190, %swap3A_191], %swap3A_194 {strides = array<i32>} : memref<80x128xi32, #tpu.memory_space<vmem>>, vector<1x16xi32>,
      %lt3A_195 = arith.constant 6144 : i32
      %lt3A_196 = vector.broadcast %lt3A_195 : i32 to vector<16xi32>
      %lt3A_197 = arith.cmpi slt, %shift_right_arithmetic3A_177, %lt3A_196 : vector<16xi32>
      %select_n3A_198 = arith.select %lt3A_197, %shift_right_arithmetic3A_177, %add3A_183 : vector<16xi1>, vector<16xi32>
      %swap3A_199 = arith.index_cast %scan3A_52 : i32 to index
      %swap3A_200 = arith.constant 48 : index
      %swap3A_201 = tpu.vector_load %arg8[%swap3A_199, %swap3A_200] {strides = array<i32>} : memref<80x128xi32, #tpu.memory_space<vmem>>, vector<1x16xi32>,
      %swap3A_202 = vector.shape_cast %swap3A_201 : vector<1x16xi32> to vector<16xi32>
      %swap3A_203 = vector.shape_cast %select_n3A_198 : vector<16xi32> to vector<1x16xi32>
      tpu.vector_store %arg8[%swap3A_199, %swap3A_200], %swap3A_203 {strides = array<i32>} : memref<80x128xi32, #tpu.memory_space<vmem>>, vector<1x16xi32>,
      %ge3A_204 = arith.constant 0 : i32
      %ge3A_205 = vector.broadcast %ge3A_204 : i32 to vector<16xi32>
      %ge3A_206 = arith.cmpi sge, %sub3A_186, %ge3A_205 : vector<16xi32>
      %select_n3A_207 = arith.select %ge3A_206, %sub3A_186, %add3A_183 : vector<16xi1>, vector<16xi32>
      %swap3A_208 = arith.index_cast %scan3A_52 : i32 to index
      %swap3A_209 = arith.constant 48 : index
      %swap3A_210 = tpu.vector_load %arg9[%swap3A_208, %swap3A_209] {strides = array<i32>} : memref<80x128xi32, #tpu.memory_space<vmem>>, vector<1x16xi32>,
      %swap3A_211 = vector.shape_cast %swap3A_210 : vector<1x16xi32> to vector<16xi32>
      %swap3A_212 = vector.shape_cast %select_n3A_207 : vector<16xi32> to vector<1x16xi32>
      tpu.vector_store %arg9[%swap3A_208, %swap3A_209], %swap3A_212 {strides = array<i32>} : memref<80x128xi32, #tpu.memory_space<vmem>>, vector<1x16xi32>,
      %get3A_213 = arith.index_cast %scan3A_52 : i32 to index
      %get3A_214 = arith.constant 64 : index
      %get3A_215 = tpu.vector_load %arg6[%get3A_213, %get3A_214] {strides = array<i32>} : memref<80x128xi32, #tpu.memory_space<vmem>>, vector<1x16xi32>,
      %get3A_216 = vector.shape_cast %get3A_215 : vector<1x16xi32> to vector<16xi32>
      %shift_right_arithmetic3A_217 = arith.constant 14 : i32
      %shift_right_arithmetic3A_218 = vector.broadcast %shift_right_arithmetic3A_217 : i32 to vector<16xi32>
      %shift_right_arithmetic3A_219 = arith.shrsi %get3A_216, %shift_right_arithmetic3A_218 : vector<16xi32>
      %and3A_220 = arith.constant 127 : i32
      %and3A_221 = vector.broadcast %and3A_220 : i32 to vector<16xi32>
      %and3A_222 = arith.andi %shift_right_arithmetic3A_219, %and3A_221 : vector<16xi32>
      %add3A_223 = arith.constant 6144 : i32
      %add3A_224 = vector.broadcast %add3A_223 : i32 to vector<16xi32>
      %add3A_225 = arith.addi %add3A_224, %and3A_222 : vector<16xi32>
      %sub3A_226 = arith.constant 6144 : i32
      %sub3A_227 = vector.broadcast %sub3A_226 : i32 to vector<16xi32>
      %sub3A_228 = arith.subi %shift_right_arithmetic3A_219, %sub3A_227 : vector<16xi32>
      %and3A_229 = arith.constant 16383 : i32
      %and3A_230 = vector.broadcast %and3A_229 : i32 to vector<16xi32>
      %and3A_231 = arith.andi %get3A_216, %and3A_230 : vector<16xi32>
      %swap3A_232 = arith.index_cast %scan3A_52 : i32 to index
      %swap3A_233 = arith.constant 64 : index
      %swap3A_234 = tpu.vector_load %arg7[%swap3A_232, %swap3A_233] {strides = array<i32>} : memref<80x128xi32, #tpu.memory_space<vmem>>, vector<1x16xi32>,
      %swap3A_235 = vector.shape_cast %swap3A_234 : vector<1x16xi32> to vector<16xi32>
      %swap3A_236 = vector.shape_cast %and3A_231 : vector<16xi32> to vector<1x16xi32>
      tpu.vector_store %arg7[%swap3A_232, %swap3A_233], %swap3A_236 {strides = array<i32>} : memref<80x128xi32, #tpu.memory_space<vmem>>, vector<1x16xi32>,
      %lt3A_237 = arith.constant 6144 : i32
      %lt3A_238 = vector.broadcast %lt3A_237 : i32 to vector<16xi32>
      %lt3A_239 = arith.cmpi slt, %shift_right_arithmetic3A_219, %lt3A_238 : vector<16xi32>
      %select_n3A_240 = arith.select %lt3A_239, %shift_right_arithmetic3A_219, %add3A_225 : vector<16xi1>, vector<16xi32>
      %swap3A_241 = arith.index_cast %scan3A_52 : i32 to index
      %swap3A_242 = arith.constant 64 : index
      %swap3A_243 = tpu.vector_load %arg8[%swap3A_241, %swap3A_242] {strides = array<i32>} : memref<80x128xi32, #tpu.memory_space<vmem>>, vector<1x16xi32>,
      %swap3A_244 = vector.shape_cast %swap3A_243 : vector<1x16xi32> to vector<16xi32>
      %swap3A_245 = vector.shape_cast %select_n3A_240 : vector<16xi32> to vector<1x16xi32>
      tpu.vector_store %arg8[%swap3A_241, %swap3A_242], %swap3A_245 {strides = array<i32>} : memref<80x128xi32, #tpu.memory_space<vmem>>, vector<1x16xi32>,
      %ge3A_246 = arith.constant 0 : i32
      %ge3A_247 = vector.broadcast %ge3A_246 : i32 to vector<16xi32>
      %ge3A_248 = arith.cmpi sge, %sub3A_228, %ge3A_247 : vector<16xi32>
      %select_n3A_249 = arith.select %ge3A_248, %sub3A_228, %add3A_225 : vector<16xi1>, vector<16xi32>
      %swap3A_250 = arith.index_cast %scan3A_52 : i32 to index
      %swap3A_251 = arith.constant 64 : index
      %swap3A_252 = tpu.vector_load %arg9[%swap3A_250, %swap3A_251] {strides = array<i32>} : memref<80x128xi32, #tpu.memory_space<vmem>>, vector<1x16xi32>,
      %swap3A_253 = vector.shape_cast %swap3A_252 : vector<1x16xi32> to vector<16xi32>
      %swap3A_254 = vector.shape_cast %select_n3A_249 : vector<16xi32> to vector<1x16xi32>
      tpu.vector_store %arg9[%swap3A_250, %swap3A_251], %swap3A_254 {strides = array<i32>} : memref<80x128xi32, #tpu.memory_space<vmem>>, vector<1x16xi32>,
      %get3A_255 = arith.index_cast %scan3A_52 : i32 to index
      %get3A_256 = arith.constant 80 : index
      %get3A_257 = tpu.vector_load %arg6[%get3A_255, %get3A_256] {strides = array<i32>} : memref<80x128xi32, #tpu.memory_space<vmem>>, vector<1x16xi32>,
      %get3A_258 = vector.shape_cast %get3A_257 : vector<1x16xi32> to vector<16xi32>
      %shift_right_arithmetic3A_259 = arith.constant 14 : i32
      %shift_right_arithmetic3A_260 = vector.broadcast %shift_right_arithmetic3A_259 : i32 to vector<16xi32>
      %shift_right_arithmetic3A_261 = arith.shrsi %get3A_258, %shift_right_arithmetic3A_260 : vector<16xi32>
      %and3A_262 = arith.constant 127 : i32
      %and3A_263 = vector.broadcast %and3A_262 : i32 to vector<16xi32>
      %and3A_264 = arith.andi %shift_right_arithmetic3A_261, %and3A_263 : vector<16xi32>
      %add3A_265 = arith.constant 6144 : i32
      %add3A_266 = vector.broadcast %add3A_265 : i32 to vector<16xi32>
      %add3A_267 = arith.addi %add3A_266, %and3A_264 : vector<16xi32>
      %sub3A_268 = arith.constant 6144 : i32
      %sub3A_269 = vector.broadcast %sub3A_268 : i32 to vector<16xi32>
      %sub3A_270 = arith.subi %shift_right_arithmetic3A_261, %sub3A_269 : vector<16xi32>
      %and3A_271 = arith.constant 16383 : i32
      %and3A_272 = vector.broadcast %and3A_271 : i32 to vector<16xi32>
      %and3A_273 = arith.andi %get3A_258, %and3A_272 : vector<16xi32>
      %swap3A_274 = arith.index_cast %scan3A_52 : i32 to index
      %swap3A_275 = arith.constant 80 : index
      %swap3A_276 = tpu.vector_load %arg7[%swap3A_274, %swap3A_275] {strides = array<i32>} : memref<80x128xi32, #tpu.memory_space<vmem>>, vector<1x16xi32>,
      %swap3A_277 = vector.shape_cast %swap3A_276 : vector<1x16xi32> to vector<16xi32>
      %swap3A_278 = vector.shape_cast %and3A_273 : vector<16xi32> to vector<1x16xi32>
      tpu.vector_store %arg7[%swap3A_274, %swap3A_275], %swap3A_278 {strides = array<i32>} : memref<80x128xi32, #tpu.memory_space<vmem>>, vector<1x16xi32>,
      %lt3A_279 = arith.constant 6144 : i32
      %lt3A_280 = vector.broadcast %lt3A_279 : i32 to vector<16xi32>
      %lt3A_281 = arith.cmpi slt, %shift_right_arithmetic3A_261, %lt3A_280 : vector<16xi32>
      %select_n3A_282 = arith.select %lt3A_281, %shift_right_arithmetic3A_261, %add3A_267 : vector<16xi1>, vector<16xi32>
      %swap3A_283 = arith.index_cast %scan3A_52 : i32 to index
      %swap3A_284 = arith.constant 80 : index
      %swap3A_285 = tpu.vector_load %arg8[%swap3A_283, %swap3A_284] {strides = array<i32>} : memref<80x128xi32, #tpu.memory_space<vmem>>, vector<1x16xi32>,
      %swap3A_286 = vector.shape_cast %swap3A_285 : vector<1x16xi32> to vector<16xi32>
      %swap3A_287 = vector.shape_cast %select_n3A_282 : vector<16xi32> to vector<1x16xi32>
      tpu.vector_store %arg8[%swap3A_283, %swap3A_284], %swap3A_287 {strides = array<i32>} : memref<80x128xi32, #tpu.memory_space<vmem>>, vector<1x16xi32>,
      %ge3A_288 = arith.constant 0 : i32
      %ge3A_289 = vector.broadcast %ge3A_288 : i32 to vector<16xi32>
      %ge3A_290 = arith.cmpi sge, %sub3A_270, %ge3A_289 : vector<16xi32>
      %select_n3A_291 = arith.select %ge3A_290, %sub3A_270, %add3A_267 : vector<16xi1>, vector<16xi32>
      %swap3A_292 = arith.index_cast %scan3A_52 : i32 to index
      %swap3A_293 = arith.constant 80 : index
      %swap3A_294 = tpu.vector_load %arg9[%swap3A_292, %swap3A_293] {strides = array<i32>} : memref<80x128xi32, #tpu.memory_space<vmem>>, vector<1x16xi32>,
      %swap3A_295 = vector.shape_cast %swap3A_294 : vector<1x16xi32> to vector<16xi32>
      %swap3A_296 = vector.shape_cast %select_n3A_291 : vector<16xi32> to vector<1x16xi32>
      tpu.vector_store %arg9[%swap3A_292, %swap3A_293], %swap3A_296 {strides = array<i32>} : memref<80x128xi32, #tpu.memory_space<vmem>>, vector<1x16xi32>,
      %get3A_297 = arith.index_cast %scan3A_52 : i32 to index
      %get3A_298 = arith.constant 96 : index
      %get3A_299 = tpu.vector_load %arg6[%get3A_297, %get3A_298] {strides = array<i32>} : memref<80x128xi32, #tpu.memory_space<vmem>>, vector<1x16xi32>,
      %get3A_300 = vector.shape_cast %get3A_299 : vector<1x16xi32> to vector<16xi32>
      %shift_right_arithmetic3A_301 = arith.constant 14 : i32
      %shift_right_arithmetic3A_302 = vector.broadcast %shift_right_arithmetic3A_301 : i32 to vector<16xi32>
      %shift_right_arithmetic3A_303 = arith.shrsi %get3A_300, %shift_right_arithmetic3A_302 : vector<16xi32>
      %and3A_304 = arith.constant 127 : i32
      %and3A_305 = vector.broadcast %and3A_304 : i32 to vector<16xi32>
      %and3A_306 = arith.andi %shift_right_arithmetic3A_303, %and3A_305 : vector<16xi32>
      %add3A_307 = arith.constant 6144 : i32
      %add3A_308 = vector.broadcast %add3A_307 : i32 to vector<16xi32>
      %add3A_309 = arith.addi %add3A_308, %and3A_306 : vector<16xi32>
      %sub3A_310 = arith.constant 6144 : i32
      %sub3A_311 = vector.broadcast %sub3A_310 : i32 to vector<16xi32>
      %sub3A_312 = arith.subi %shift_right_arithmetic3A_303, %sub3A_311 : vector<16xi32>
      %and3A_313 = arith.constant 16383 : i32
      %and3A_314 = vector.broadcast %and3A_313 : i32 to vector<16xi32>
      %and3A_315 = arith.andi %get3A_300, %and3A_314 : vector<16xi32>
      %swap3A_316 = arith.index_cast %scan3A_52 : i32 to index
      %swap3A_317 = arith.constant 96 : index
      %swap3A_318 = tpu.vector_load %arg7[%swap3A_316, %swap3A_317] {strides = array<i32>} : memref<80x128xi32, #tpu.memory_space<vmem>>, vector<1x16xi32>,
      %swap3A_319 = vector.shape_cast %swap3A_318 : vector<1x16xi32> to vector<16xi32>
      %swap3A_320 = vector.shape_cast %and3A_315 : vector<16xi32> to vector<1x16xi32>
      tpu.vector_store %arg7[%swap3A_316, %swap3A_317], %swap3A_320 {strides = array<i32>} : memref<80x128xi32, #tpu.memory_space<vmem>>, vector<1x16xi32>,
      %lt3A_321 = arith.constant 6144 : i32
      %lt3A_322 = vector.broadcast %lt3A_321 : i32 to vector<16xi32>
      %lt3A_323 = arith.cmpi slt, %shift_right_arithmetic3A_303, %lt3A_322 : vector<16xi32>
      %select_n3A_324 = arith.select %lt3A_323, %shift_right_arithmetic3A_303, %add3A_309 : vector<16xi1>, vector<16xi32>
      %swap3A_325 = arith.index_cast %scan3A_52 : i32 to index
      %swap3A_326 = arith.constant 96 : index
      %swap3A_327 = tpu.vector_load %arg8[%swap3A_325, %swap3A_326] {strides = array<i32>} : memref<80x128xi32, #tpu.memory_space<vmem>>, vector<1x16xi32>,
      %swap3A_328 = vector.shape_cast %swap3A_327 : vector<1x16xi32> to vector<16xi32>
      %swap3A_329 = vector.shape_cast %select_n3A_324 : vector<16xi32> to vector<1x16xi32>
      tpu.vector_store %arg8[%swap3A_325, %swap3A_326], %swap3A_329 {strides = array<i32>} : memref<80x128xi32, #tpu.memory_space<vmem>>, vector<1x16xi32>,
      %ge3A_330 = arith.constant 0 : i32
      %ge3A_331 = vector.broadcast %ge3A_330 : i32 to vector<16xi32>
      %ge3A_332 = arith.cmpi sge, %sub3A_312, %ge3A_331 : vector<16xi32>
      %select_n3A_333 = arith.select %ge3A_332, %sub3A_312, %add3A_309 : vector<16xi1>, vector<16xi32>
      %swap3A_334 = arith.index_cast %scan3A_52 : i32 to index
      %swap3A_335 = arith.constant 96 : index
      %swap3A_336 = tpu.vector_load %arg9[%swap3A_334, %swap3A_335] {strides = array<i32>} : memref<80x128xi32, #tpu.memory_space<vmem>>, vector<1x16xi32>,
      %swap3A_337 = vector.shape_cast %swap3A_336 : vector<1x16xi32> to vector<16xi32>
      %swap3A_338 = vector.shape_cast %select_n3A_333 : vector<16xi32> to vector<1x16xi32>
      tpu.vector_store %arg9[%swap3A_334, %swap3A_335], %swap3A_338 {strides = array<i32>} : memref<80x128xi32, #tpu.memory_space<vmem>>, vector<1x16xi32>,
      %get3A_339 = arith.index_cast %scan3A_52 : i32 to index
      %get3A_340 = arith.constant 112 : index
      %get3A_341 = tpu.vector_load %arg6[%get3A_339, %get3A_340] {strides = array<i32>} : memref<80x128xi32, #tpu.memory_space<vmem>>, vector<1x16xi32>,
      %get3A_342 = vector.shape_cast %get3A_341 : vector<1x16xi32> to vector<16xi32>
      %shift_right_arithmetic3A_343 = arith.constant 14 : i32
      %shift_right_arithmetic3A_344 = vector.broadcast %shift_right_arithmetic3A_343 : i32 to vector<16xi32>
      %shift_right_arithmetic3A_345 = arith.shrsi %get3A_342, %shift_right_arithmetic3A_344 : vector<16xi32>
      %and3A_346 = arith.constant 127 : i32
      %and3A_347 = vector.broadcast %and3A_346 : i32 to vector<16xi32>
      %and3A_348 = arith.andi %shift_right_arithmetic3A_345, %and3A_347 : vector<16xi32>
      %add3A_349 = arith.constant 6144 : i32
      %add3A_350 = vector.broadcast %add3A_349 : i32 to vector<16xi32>
      %add3A_351 = arith.addi %add3A_350, %and3A_348 : vector<16xi32>
      %sub3A_352 = arith.constant 6144 : i32
      %sub3A_353 = vector.broadcast %sub3A_352 : i32 to vector<16xi32>
      %sub3A_354 = arith.subi %shift_right_arithmetic3A_345, %sub3A_353 : vector<16xi32>
      %and3A_355 = arith.constant 16383 : i32
      %and3A_356 = vector.broadcast %and3A_355 : i32 to vector<16xi32>
      %and3A_357 = arith.andi %get3A_342, %and3A_356 : vector<16xi32>
      %swap3A_358 = arith.index_cast %scan3A_52 : i32 to index
      %swap3A_359 = arith.constant 112 : index
      %swap3A_360 = tpu.vector_load %arg7[%swap3A_358, %swap3A_359] {strides = array<i32>} : memref<80x128xi32, #tpu.memory_space<vmem>>, vector<1x16xi32>,
      %swap3A_361 = vector.shape_cast %swap3A_360 : vector<1x16xi32> to vector<16xi32>
      %swap3A_362 = vector.shape_cast %and3A_357 : vector<16xi32> to vector<1x16xi32>
      tpu.vector_store %arg7[%swap3A_358, %swap3A_359], %swap3A_362 {strides = array<i32>} : memref<80x128xi32, #tpu.memory_space<vmem>>, vector<1x16xi32>,
      %lt3A_363 = arith.constant 6144 : i32
      %lt3A_364 = vector.broadcast %lt3A_363 : i32 to vector<16xi32>
      %lt3A_365 = arith.cmpi slt, %shift_right_arithmetic3A_345, %lt3A_364 : vector<16xi32>
      %select_n3A_366 = arith.select %lt3A_365, %shift_right_arithmetic3A_345, %add3A_351 : vector<16xi1>, vector<16xi32>
      %swap3A_367 = arith.index_cast %scan3A_52 : i32 to index
      %swap3A_368 = arith.constant 112 : index
      %swap3A_369 = tpu.vector_load %arg8[%swap3A_367, %swap3A_368] {strides = array<i32>} : memref<80x128xi32, #tpu.memory_space<vmem>>, vector<1x16xi32>,
      %swap3A_370 = vector.shape_cast %swap3A_369 : vector<1x16xi32> to vector<16xi32>
      %swap3A_371 = vector.shape_cast %select_n3A_366 : vector<16xi32> to vector<1x16xi32>
      tpu.vector_store %arg8[%swap3A_367, %swap3A_368], %swap3A_371 {strides = array<i32>} : memref<80x128xi32, #tpu.memory_space<vmem>>, vector<1x16xi32>,
      %ge3A_372 = arith.constant 0 : i32
      %ge3A_373 = vector.broadcast %ge3A_372 : i32 to vector<16xi32>
      %ge3A_374 = arith.cmpi sge, %sub3A_354, %ge3A_373 : vector<16xi32>
      %select_n3A_375 = arith.select %ge3A_374, %sub3A_354, %add3A_351 : vector<16xi1>, vector<16xi32>
      %swap3A_376 = arith.index_cast %scan3A_52 : i32 to index
      %swap3A_377 = arith.constant 112 : index
      %swap3A_378 = tpu.vector_load %arg9[%swap3A_376, %swap3A_377] {strides = array<i32>} : memref<80x128xi32, #tpu.memory_space<vmem>>, vector<1x16xi32>,
      %swap3A_379 = vector.shape_cast %swap3A_378 : vector<1x16xi32> to vector<16xi32>
      %swap3A_380 = vector.shape_cast %select_n3A_375 : vector<16xi32> to vector<1x16xi32>
      tpu.vector_store %arg9[%swap3A_376, %swap3A_377], %swap3A_380 {strides = array<i32>} : memref<80x128xi32, #tpu.memory_space<vmem>>, vector<1x16xi32>,
    }
    %scan3A_4 = arith.constant 80 : i32
    %scan3A_5 = arith.constant 0 : i32
    %scan3A_6 = arith.constant 0 : i32
    %scan3A_7 = arith.constant 3 : i32
    %scan3A_8 = arith.addi %scan3A_6, %scan3A_7 : i32
    %scan3A_9 = arith.constant 1 : i32
    scf.for %scan3A_52 = %scan3A_6 to %scan3A_8 step %scan3A_9  : i32 {
      %mul3A_53 = arith.constant 392 : i32
      %mul3A_54 = arith.muli %arg1, %mul3A_53 : i32
      %mul3A_55 = arith.constant 128 : i32
      %mul3A_56 = arith.muli %scan3A_52, %mul3A_55 : i32
      %add3A_57 = arith.addi %mul3A_54, %mul3A_56 : i32
      "tpu.region"() ({
        %run_scoped3A = tpu.sem_alloc : memref<!tpu.dma_semaphore, #tpu.memory_space<semaphore_mem>>
        %dma_start3A = arith.constant 0 : i32
        %dma_start3A_58 = tpu.memref_slice %arg12[%add3A_57, %dma_start3A] : memref<6272x128xf32, #tpu.memory_space<vmem_shared>> -> memref<128x128xf32, #tpu.memory_space<vmem_shared>>
        tpu.enqueue_dma source(%arg4 : memref<128x128xf32, #tpu.memory_space<hbm>>) target(%dma_start3A_58 : memref<128x128xf32, #tpu.memory_space<vmem_shared>>) target_semaphore(%run_scoped3A : memref<!tpu.dma_semaphore, #tpu.memory_space<semaphore_mem>>)
        %dma_wait3A = arith.constant 0 : i32
        %dma_wait3A_59 = tpu.memref_slice %arg12[%add3A_57, %dma_wait3A] : memref<6272x128xf32, #tpu.memory_space<vmem_shared>> -> memref<128x128xf32, #tpu.memory_space<vmem_shared>>
        tpu.wait_dma2 semaphore(%run_scoped3A : memref<!tpu.dma_semaphore, #tpu.memory_space<semaphore_mem>>) src(%arg4 : memref<128x128xf32, #tpu.memory_space<hbm>>) dst(%dma_wait3A_59 : memref<128x128xf32, #tpu.memory_space<vmem_shared>>)
        tpu.yield
      }) : () -> ()
    }
    %scan3A_10 = arith.constant 3 : i32
    %mul3A = arith.constant 392 : i32
    %mul3A_11 = arith.muli %arg1, %mul3A : i32
    %add3A = arith.constant 384 : i32
    %add3A_12 = arith.addi %mul3A_11, %add3A : i32
    "tpu.region"() ({
      %run_scoped3A = tpu.sem_alloc : memref<!tpu.dma_semaphore, #tpu.memory_space<semaphore_mem>>
      %dma_start3A = arith.constant 0 : i32
      %dma_start3A_52 = tpu.memref_slice %arg12[%add3A_12, %dma_start3A] : memref<6272x128xf32, #tpu.memory_space<vmem_shared>> -> memref<8x128xf32, #tpu.memory_space<vmem_shared>>
      %dma_start3A_53 = arith.constant 0 : i32
      %dma_start3A_54 = arith.constant 0 : i32
      %dma_start3A_55 = tpu.memref_slice %arg4[%dma_start3A_53, %dma_start3A_54] : memref<128x128xf32, #tpu.memory_space<hbm>> -> memref<8x128xf32, #tpu.memory_space<hbm>>
      tpu.enqueue_dma source(%dma_start3A_55 : memref<8x128xf32, #tpu.memory_space<hbm>>) target(%dma_start3A_52 : memref<8x128xf32, #tpu.memory_space<vmem_shared>>) target_semaphore(%run_scoped3A : memref<!tpu.dma_semaphore, #tpu.memory_space<semaphore_mem>>)
      %dma_wait3A = arith.constant 0 : i32
      %dma_wait3A_56 = tpu.memref_slice %arg12[%add3A_12, %dma_wait3A] : memref<6272x128xf32, #tpu.memory_space<vmem_shared>> -> memref<8x128xf32, #tpu.memory_space<vmem_shared>>
      %dma_wait3A_57 = arith.constant 0 : i32
      %dma_wait3A_58 = arith.constant 0 : i32
      %dma_wait3A_59 = tpu.memref_slice %arg4[%dma_wait3A_57, %dma_wait3A_58] : memref<128x128xf32, #tpu.memory_space<hbm>> -> memref<8x128xf32, #tpu.memory_space<hbm>>
      tpu.wait_dma2 semaphore(%run_scoped3A : memref<!tpu.dma_semaphore, #tpu.memory_space<semaphore_mem>>) src(%dma_wait3A_59 : memref<8x128xf32, #tpu.memory_space<hbm>>) dst(%dma_wait3A_56 : memref<8x128xf32, #tpu.memory_space<vmem_shared>>)
      tpu.yield
    }) : () -> ()
    %barrier3A = arith.constant 0 : index
    tpu.barrier barrier_id(%barrier3A)
    %scan3A_13 = arith.constant 0 : i32
    %scan3A_14 = arith.constant 0 : i32
    %scan3A_15 = arith.constant 40 : i32
    %scan3A_16 = arith.addi %scan3A_14, %scan3A_15 : i32
    %scan3A_17 = arith.constant 1 : i32
    scf.for %scan3A_52 = %scan3A_14 to %scan3A_16 step %scan3A_17  : i32 {
      %mul3A_53 = arith.constant 2 : i32
      %mul3A_54 = arith.muli %mul3A_53, %scan3A_52 : i32
      %dma_start3A = arith.constant 0 : i32
      %dma_start3A_55 = tpu.memref_slice %arg7[%mul3A_54, %dma_start3A] : memref<80x128xi32, #tpu.memory_space<vmem>> -> memref<1x128xi32, #tpu.memory_space<vmem>>
      %dma_start3A_56 = tpu.memref_squeeze %dma_start3A_55 : memref<1x128xi32, #tpu.memory_space<vmem>> -> memref<128xi32, #tpu.memory_space<vmem>>
      %dma_start3A_57 = arith.constant 0 : i32
      %dma_start3A_58 = arith.constant 0 : i32
      %dma_start3A_59 = tpu.memref_slice %arg3[%dma_start3A_57, %dma_start3A_58] : memref<10000x128xf32, #tpu.memory_space<hbm>> -> memref<10000x128xf32, #tpu.memory_space<hbm>>
      tpu.enqueue_indirect_dma source(%dma_start3A_59 : memref<10000x128xf32, #tpu.memory_space<hbm>>) target(%arg10 : memref<128x128xf32, #tpu.memory_space<vmem>>) offsets(%dma_start3A_56 : memref<128xi32, #tpu.memory_space<vmem>>) semaphore(%arg13 : memref<!tpu.dma_semaphore, #tpu.memory_space<semaphore_mem>>)
      %add3A_60 = arith.constant 1 : i32
      %add3A_61 = arith.addi %mul3A_54, %add3A_60 : i32
      %dma_start3A_62 = arith.constant 0 : i32
      %dma_start3A_63 = tpu.memref_slice %arg7[%add3A_61, %dma_start3A_62] : memref<80x128xi32, #tpu.memory_space<vmem>> -> memref<1x128xi32, #tpu.memory_space<vmem>>
      %dma_start3A_64 = tpu.memref_squeeze %dma_start3A_63 : memref<1x128xi32, #tpu.memory_space<vmem>> -> memref<128xi32, #tpu.memory_space<vmem>>
      %dma_start3A_65 = arith.constant 0 : i32
      %dma_start3A_66 = arith.constant 0 : i32
      %dma_start3A_67 = tpu.memref_slice %arg3[%dma_start3A_65, %dma_start3A_66] : memref<10000x128xf32, #tpu.memory_space<hbm>> -> memref<10000x128xf32, #tpu.memory_space<hbm>>
      tpu.enqueue_indirect_dma source(%dma_start3A_67 : memref<10000x128xf32, #tpu.memory_space<hbm>>) target(%arg11 : memref<128x128xf32, #tpu.memory_space<vmem>>) offsets(%dma_start3A_64 : memref<128xi32, #tpu.memory_space<vmem>>) semaphore(%arg14 : memref<!tpu.dma_semaphore, #tpu.memory_space<semaphore_mem>>)
      %dma_wait3A = arith.constant 0 : i32
      %dma_wait3A_68 = tpu.memref_slice %arg7[%mul3A_54, %dma_wait3A] : memref<80x128xi32, #tpu.memory_space<vmem>> -> memref<1x128xi32, #tpu.memory_space<vmem>>
      %dma_wait3A_69 = tpu.memref_squeeze %dma_wait3A_68 : memref<1x128xi32, #tpu.memory_space<vmem>> -> memref<128xi32, #tpu.memory_space<vmem>>
      %dma_wait3A_70 = arith.constant 0 : i32
      %dma_wait3A_71 = arith.constant 0 : i32
      %dma_wait3A_72 = tpu.memref_slice %arg3[%dma_wait3A_70, %dma_wait3A_71] : memref<10000x128xf32, #tpu.memory_space<hbm>> -> memref<10000x128xf32, #tpu.memory_space<hbm>>
      tpu.wait_indirect_dma semaphore(%arg13 : memref<!tpu.dma_semaphore, #tpu.memory_space<semaphore_mem>>) src(%dma_wait3A_72 : memref<10000x128xf32, #tpu.memory_space<hbm>>) dst(%arg10 : memref<128x128xf32, #tpu.memory_space<vmem>>)
      %dma_start3A_73 = arith.constant 0 : i32
      %dma_start3A_74 = tpu.memref_slice %arg8[%mul3A_54, %dma_start3A_73] : memref<80x128xi32, #tpu.memory_space<vmem>> -> memref<1x128xi32, #tpu.memory_space<vmem>>
      %dma_start3A_75 = tpu.memref_squeeze %dma_start3A_74 : memref<1x128xi32, #tpu.memory_space<vmem>> -> memref<128xi32, #tpu.memory_space<vmem>>
      %dma_start3A_76 = arith.constant 0 : i32
      %dma_start3A_77 = arith.constant 0 : i32
      %dma_start3A_78 = tpu.memref_slice %arg12[%dma_start3A_76, %dma_start3A_77] : memref<6272x128xf32, #tpu.memory_space<vmem_shared>> -> memref<6272x128xf32, #tpu.memory_space<vmem_shared>>
      tpu.enqueue_indirect_dma source(%arg10 : memref<128x128xf32, #tpu.memory_space<vmem>>) target(%dma_start3A_78 : memref<6272x128xf32, #tpu.memory_space<vmem_shared>>) offsets(%dma_start3A_75 : memref<128xi32, #tpu.memory_space<vmem>>) semaphore(%arg15 : memref<!tpu.dma_semaphore, #tpu.memory_space<semaphore_mem>>) {add = true}
      %dma_wait3A_79 = arith.constant 0 : i32
      %dma_wait3A_80 = tpu.memref_slice %arg7[%add3A_61, %dma_wait3A_79] : memref<80x128xi32, #tpu.memory_space<vmem>> -> memref<1x128xi32, #tpu.memory_space<vmem>>
      %dma_wait3A_81 = tpu.memref_squeeze %dma_wait3A_80 : memref<1x128xi32, #tpu.memory_space<vmem>> -> memref<128xi32, #tpu.memory_space<vmem>>
      %dma_wait3A_82 = arith.constant 0 : i32
      %dma_wait3A_83 = arith.constant 0 : i32
      %dma_wait3A_84 = tpu.memref_slice %arg3[%dma_wait3A_82, %dma_wait3A_83] : memref<10000x128xf32, #tpu.memory_space<hbm>> -> memref<10000x128xf32, #tpu.memory_space<hbm>>
      tpu.wait_indirect_dma semaphore(%arg14 : memref<!tpu.dma_semaphore, #tpu.memory_space<semaphore_mem>>) src(%dma_wait3A_84 : memref<10000x128xf32, #tpu.memory_space<hbm>>) dst(%arg11 : memref<128x128xf32, #tpu.memory_space<vmem>>)
      %add3A_85 = arith.constant 1 : i32
      %add3A_86 = arith.addi %mul3A_54, %add3A_85 : i32
      "tpu.region"() ({
        %run_scoped3A = tpu.sem_alloc : memref<!tpu.dma_semaphore, #tpu.memory_space<semaphore_mem>>
        %dma_start3A_93 = arith.constant 0 : i32
        %dma_start3A_94 = tpu.memref_slice %arg8[%add3A_86, %dma_start3A_93] : memref<80x128xi32, #tpu.memory_space<vmem>> -> memref<1x128xi32, #tpu.memory_space<vmem>>
        %dma_start3A_95 = tpu.memref_squeeze %dma_start3A_94 : memref<1x128xi32, #tpu.memory_space<vmem>> -> memref<128xi32, #tpu.memory_space<vmem>>
        %dma_start3A_96 = arith.constant 0 : i32
        %dma_start3A_97 = arith.constant 0 : i32
        %dma_start3A_98 = tpu.memref_slice %arg12[%dma_start3A_96, %dma_start3A_97] : memref<6272x128xf32, #tpu.memory_space<vmem_shared>> -> memref<6272x128xf32, #tpu.memory_space<vmem_shared>>
        tpu.enqueue_indirect_dma source(%arg11 : memref<128x128xf32, #tpu.memory_space<vmem>>) target(%dma_start3A_98 : memref<6272x128xf32, #tpu.memory_space<vmem_shared>>) offsets(%dma_start3A_95 : memref<128xi32, #tpu.memory_space<vmem>>) semaphore(%run_scoped3A : memref<!tpu.dma_semaphore, #tpu.memory_space<semaphore_mem>>) {add = true}
        %dma_wait3A_99 = arith.constant 0 : i32
        %dma_wait3A_100 = tpu.memref_slice %arg8[%add3A_86, %dma_wait3A_99] : memref<80x128xi32, #tpu.memory_space<vmem>> -> memref<1x128xi32, #tpu.memory_space<vmem>>
        %dma_wait3A_101 = tpu.memref_squeeze %dma_wait3A_100 : memref<1x128xi32, #tpu.memory_space<vmem>> -> memref<128xi32, #tpu.memory_space<vmem>>
        %dma_wait3A_102 = arith.constant 0 : i32
        %dma_wait3A_103 = arith.constant 0 : i32
        %dma_wait3A_104 = tpu.memref_slice %arg12[%dma_wait3A_102, %dma_wait3A_103] : memref<6272x128xf32, #tpu.memory_space<vmem_shared>> -> memref<6272x128xf32, #tpu.memory_space<vmem_shared>>
        tpu.wait_indirect_dma semaphore(%run_scoped3A : memref<!tpu.dma_semaphore, #tpu.memory_space<semaphore_mem>>) src(%arg11 : memref<128x128xf32, #tpu.memory_space<vmem>>) dst(%dma_wait3A_104 : memref<6272x128xf32, #tpu.memory_space<vmem_shared>>)
        tpu.yield
      }) : () -> ()
      %dma_wait3A_87 = arith.constant 0 : i32
      %dma_wait3A_88 = tpu.memref_slice %arg8[%mul3A_54, %dma_wait3A_87] : memref<80x128xi32, #tpu.memory_space<vmem>> -> memref<1x128xi32, #tpu.memory_space<vmem>>
      %dma_wait3A_89 = tpu.memref_squeeze %dma_wait3A_88 : memref<1x128xi32, #tpu.memory_space<vmem>> -> memref<128xi32, #tpu.memory_space<vmem>>
      %dma_wait3A_90 = arith.constant 0 : i32
      %dma_wait3A_91 = arith.constant 0 : i32
      %dma_wait3A_92 = tpu.memref_slice %arg12[%dma_wait3A_90, %dma_wait3A_91] : memref<6272x128xf32, #tpu.memory_space<vmem_shared>> -> memref<6272x128xf32, #tpu.memory_space<vmem_shared>>
      tpu.wait_indirect_dma semaphore(%arg15 : memref<!tpu.dma_semaphore, #tpu.memory_space<semaphore_mem>>) src(%arg10 : memref<128x128xf32, #tpu.memory_space<vmem>>) dst(%dma_wait3A_92 : memref<6272x128xf32, #tpu.memory_space<vmem_shared>>)
    }
    %scan3A_18 = arith.constant 40 : i32
    %barrier3A_19 = arith.constant 0 : index
    tpu.barrier barrier_id(%barrier3A_19)
    %mul3A_20 = arith.constant 384 : i32
    %mul3A_21 = arith.muli %arg1, %mul3A_20 : i32
    %mul3A_22 = arith.constant 384 : i32
    %mul3A_23 = arith.muli %arg1, %mul3A_22 : i32
    %add3A_24 = arith.constant 0 : i32
    %add3A_25 = arith.addi %add3A_24, %mul3A_23 : i32
    "tpu.region"() ({
      %run_scoped3A = tpu.sem_alloc : memref<!tpu.dma_semaphore, #tpu.memory_space<semaphore_mem>>
      %dma_start3A = arith.constant 0 : i32
      %dma_start3A_52 = tpu.memref_slice %arg5[%arg0, %add3A_25, %dma_start3A] : memref<2x12288x128xf32, #tpu.memory_space<hbm>> -> memref<1x384x128xf32, #tpu.memory_space<hbm>>
      %dma_start3A_53 = tpu.memref_squeeze %dma_start3A_52 : memref<1x384x128xf32, #tpu.memory_space<hbm>> -> memref<384x128xf32, #tpu.memory_space<hbm>>
      %dma_start3A_54 = arith.constant 0 : i32
      %dma_start3A_55 = tpu.memref_slice %arg12[%mul3A_21, %dma_start3A_54] : memref<6272x128xf32, #tpu.memory_space<vmem_shared>> -> memref<384x128xf32, #tpu.memory_space<vmem_shared>>
      tpu.enqueue_dma source(%dma_start3A_55 : memref<384x128xf32, #tpu.memory_space<vmem_shared>>) target(%dma_start3A_53 : memref<384x128xf32, #tpu.memory_space<hbm>>) target_semaphore(%run_scoped3A : memref<!tpu.dma_semaphore, #tpu.memory_space<semaphore_mem>>)
      %dma_wait3A = arith.constant 0 : i32
      %dma_wait3A_56 = tpu.memref_slice %arg5[%arg0, %add3A_25, %dma_wait3A] : memref<2x12288x128xf32, #tpu.memory_space<hbm>> -> memref<1x384x128xf32, #tpu.memory_space<hbm>>
      %dma_wait3A_57 = tpu.memref_squeeze %dma_wait3A_56 : memref<1x384x128xf32, #tpu.memory_space<hbm>> -> memref<384x128xf32, #tpu.memory_space<hbm>>
      %dma_wait3A_58 = arith.constant 0 : i32
      %dma_wait3A_59 = tpu.memref_slice %arg12[%mul3A_21, %dma_wait3A_58] : memref<6272x128xf32, #tpu.memory_space<vmem_shared>> -> memref<384x128xf32, #tpu.memory_space<vmem_shared>>
      tpu.wait_dma2 semaphore(%run_scoped3A : memref<!tpu.dma_semaphore, #tpu.memory_space<semaphore_mem>>) src(%dma_wait3A_59 : memref<384x128xf32, #tpu.memory_space<vmem_shared>>) dst(%dma_wait3A_57 : memref<384x128xf32, #tpu.memory_space<hbm>>)
      tpu.yield
    }) : () -> ()
    %barrier3A_26 = arith.constant 0 : index
    tpu.barrier barrier_id(%barrier3A_26)
    %scan3A_27 = arith.constant 0 : i32
    %scan3A_28 = arith.constant 0 : i32
    %scan3A_29 = arith.constant 3 : i32
    %scan3A_30 = arith.addi %scan3A_28, %scan3A_29 : i32
    %scan3A_31 = arith.constant 1 : i32
    scf.for %scan3A_52 = %scan3A_28 to %scan3A_30 step %scan3A_31  : i32 {
      %mul3A_53 = arith.constant 392 : i32
      %mul3A_54 = arith.muli %arg1, %mul3A_53 : i32
      %mul3A_55 = arith.constant 128 : i32
      %mul3A_56 = arith.muli %scan3A_52, %mul3A_55 : i32
      %add3A_57 = arith.addi %mul3A_54, %mul3A_56 : i32
      "tpu.region"() ({
        %run_scoped3A = tpu.sem_alloc : memref<!tpu.dma_semaphore, #tpu.memory_space<semaphore_mem>>
        %dma_start3A = arith.constant 0 : i32
        %dma_start3A_58 = tpu.memref_slice %arg12[%add3A_57, %dma_start3A] : memref<6272x128xf32, #tpu.memory_space<vmem_shared>> -> memref<128x128xf32, #tpu.memory_space<vmem_shared>>
        tpu.enqueue_dma source(%arg4 : memref<128x128xf32, #tpu.memory_space<hbm>>) target(%dma_start3A_58 : memref<128x128xf32, #tpu.memory_space<vmem_shared>>) target_semaphore(%run_scoped3A : memref<!tpu.dma_semaphore, #tpu.memory_space<semaphore_mem>>)
        %dma_wait3A = arith.constant 0 : i32
        %dma_wait3A_59 = tpu.memref_slice %arg12[%add3A_57, %dma_wait3A] : memref<6272x128xf32, #tpu.memory_space<vmem_shared>> -> memref<128x128xf32, #tpu.memory_space<vmem_shared>>
        tpu.wait_dma2 semaphore(%run_scoped3A : memref<!tpu.dma_semaphore, #tpu.memory_space<semaphore_mem>>) src(%arg4 : memref<128x128xf32, #tpu.memory_space<hbm>>) dst(%dma_wait3A_59 : memref<128x128xf32, #tpu.memory_space<vmem_shared>>)
        tpu.yield
      }) : () -> ()
    }
    %scan3A_32 = arith.constant 3 : i32
    %mul3A_33 = arith.constant 392 : i32
    %mul3A_34 = arith.muli %arg1, %mul3A_33 : i32
    %add3A_35 = arith.constant 384 : i32
    %add3A_36 = arith.addi %mul3A_34, %add3A_35 : i32
    "tpu.region"() ({
      %run_scoped3A = tpu.sem_alloc : memref<!tpu.dma_semaphore, #tpu.memory_space<semaphore_mem>>
      %dma_start3A = arith.constant 0 : i32
      %dma_start3A_52 = tpu.memref_slice %arg12[%add3A_36, %dma_start3A] : memref<6272x128xf32, #tpu.memory_space<vmem_shared>> -> memref<8x128xf32, #tpu.memory_space<vmem_shared>>
      %dma_start3A_53 = arith.constant 0 : i32
      %dma_start3A_54 = arith.constant 0 : i32
      %dma_start3A_55 = tpu.memref_slice %arg4[%dma_start3A_53, %dma_start3A_54] : memref<128x128xf32, #tpu.memory_space<hbm>> -> memref<8x128xf32, #tpu.memory_space<hbm>>
      tpu.enqueue_dma source(%dma_start3A_55 : memref<8x128xf32, #tpu.memory_space<hbm>>) target(%dma_start3A_52 : memref<8x128xf32, #tpu.memory_space<vmem_shared>>) target_semaphore(%run_scoped3A : memref<!tpu.dma_semaphore, #tpu.memory_space<semaphore_mem>>)
      %dma_wait3A = arith.constant 0 : i32
      %dma_wait3A_56 = tpu.memref_slice %arg12[%add3A_36, %dma_wait3A] : memref<6272x128xf32, #tpu.memory_space<vmem_shared>> -> memref<8x128xf32, #tpu.memory_space<vmem_shared>>
      %dma_wait3A_57 = arith.constant 0 : i32
      %dma_wait3A_58 = arith.constant 0 : i32
      %dma_wait3A_59 = tpu.memref_slice %arg4[%dma_wait3A_57, %dma_wait3A_58] : memref<128x128xf32, #tpu.memory_space<hbm>> -> memref<8x128xf32, #tpu.memory_space<hbm>>
      tpu.wait_dma2 semaphore(%run_scoped3A : memref<!tpu.dma_semaphore, #tpu.memory_space<semaphore_mem>>) src(%dma_wait3A_59 : memref<8x128xf32, #tpu.memory_space<hbm>>) dst(%dma_wait3A_56 : memref<8x128xf32, #tpu.memory_space<vmem_shared>>)
      tpu.yield
    }) : () -> ()
    %barrier3A_37 = arith.constant 0 : index
    tpu.barrier barrier_id(%barrier3A_37)
    %scan3A_38 = arith.constant 0 : i32
    %scan3A_39 = arith.constant 0 : i32
    %scan3A_40 = arith.constant 40 : i32
    %scan3A_41 = arith.addi %scan3A_39, %scan3A_40 : i32
    %scan3A_42 = arith.constant 1 : i32
    scf.for %scan3A_52 = %scan3A_39 to %scan3A_41 step %scan3A_42  : i32 {
      %mul3A_53 = arith.constant 2 : i32
      %mul3A_54 = arith.muli %mul3A_53, %scan3A_52 : i32
      %dma_start3A = arith.constant 0 : i32
      %dma_start3A_55 = tpu.memref_slice %arg7[%mul3A_54, %dma_start3A] : memref<80x128xi32, #tpu.memory_space<vmem>> -> memref<1x128xi32, #tpu.memory_space<vmem>>
      %dma_start3A_56 = tpu.memref_squeeze %dma_start3A_55 : memref<1x128xi32, #tpu.memory_space<vmem>> -> memref<128xi32, #tpu.memory_space<vmem>>
      %dma_start3A_57 = arith.constant 0 : i32
      %dma_start3A_58 = arith.constant 0 : i32
      %dma_start3A_59 = tpu.memref_slice %arg3[%dma_start3A_57, %dma_start3A_58] : memref<10000x128xf32, #tpu.memory_space<hbm>> -> memref<10000x128xf32, #tpu.memory_space<hbm>>
      tpu.enqueue_indirect_dma source(%dma_start3A_59 : memref<10000x128xf32, #tpu.memory_space<hbm>>) target(%arg10 : memref<128x128xf32, #tpu.memory_space<vmem>>) offsets(%dma_start3A_56 : memref<128xi32, #tpu.memory_space<vmem>>) semaphore(%arg13 : memref<!tpu.dma_semaphore, #tpu.memory_space<semaphore_mem>>)
      %add3A_60 = arith.constant 1 : i32
      %add3A_61 = arith.addi %mul3A_54, %add3A_60 : i32
      %dma_start3A_62 = arith.constant 0 : i32
      %dma_start3A_63 = tpu.memref_slice %arg7[%add3A_61, %dma_start3A_62] : memref<80x128xi32, #tpu.memory_space<vmem>> -> memref<1x128xi32, #tpu.memory_space<vmem>>
      %dma_start3A_64 = tpu.memref_squeeze %dma_start3A_63 : memref<1x128xi32, #tpu.memory_space<vmem>> -> memref<128xi32, #tpu.memory_space<vmem>>
      %dma_start3A_65 = arith.constant 0 : i32
      %dma_start3A_66 = arith.constant 0 : i32
      %dma_start3A_67 = tpu.memref_slice %arg3[%dma_start3A_65, %dma_start3A_66] : memref<10000x128xf32, #tpu.memory_space<hbm>> -> memref<10000x128xf32, #tpu.memory_space<hbm>>
      tpu.enqueue_indirect_dma source(%dma_start3A_67 : memref<10000x128xf32, #tpu.memory_space<hbm>>) target(%arg11 : memref<128x128xf32, #tpu.memory_space<vmem>>) offsets(%dma_start3A_64 : memref<128xi32, #tpu.memory_space<vmem>>) semaphore(%arg14 : memref<!tpu.dma_semaphore, #tpu.memory_space<semaphore_mem>>)
      %dma_wait3A = arith.constant 0 : i32
      %dma_wait3A_68 = tpu.memref_slice %arg7[%mul3A_54, %dma_wait3A] : memref<80x128xi32, #tpu.memory_space<vmem>> -> memref<1x128xi32, #tpu.memory_space<vmem>>
      %dma_wait3A_69 = tpu.memref_squeeze %dma_wait3A_68 : memref<1x128xi32, #tpu.memory_space<vmem>> -> memref<128xi32, #tpu.memory_space<vmem>>
      %dma_wait3A_70 = arith.constant 0 : i32
      %dma_wait3A_71 = arith.constant 0 : i32
      %dma_wait3A_72 = tpu.memref_slice %arg3[%dma_wait3A_70, %dma_wait3A_71] : memref<10000x128xf32, #tpu.memory_space<hbm>> -> memref<10000x128xf32, #tpu.memory_space<hbm>>
      tpu.wait_indirect_dma semaphore(%arg13 : memref<!tpu.dma_semaphore, #tpu.memory_space<semaphore_mem>>) src(%dma_wait3A_72 : memref<10000x128xf32, #tpu.memory_space<hbm>>) dst(%arg10 : memref<128x128xf32, #tpu.memory_space<vmem>>)
      %dma_start3A_73 = arith.constant 0 : i32
      %dma_start3A_74 = tpu.memref_slice %arg9[%mul3A_54, %dma_start3A_73] : memref<80x128xi32, #tpu.memory_space<vmem>> -> memref<1x128xi32, #tpu.memory_space<vmem>>
      %dma_start3A_75 = tpu.memref_squeeze %dma_start3A_74 : memref<1x128xi32, #tpu.memory_space<vmem>> -> memref<128xi32, #tpu.memory_space<vmem>>
      %dma_start3A_76 = arith.constant 0 : i32
      %dma_start3A_77 = arith.constant 0 : i32
      %dma_start3A_78 = tpu.memref_slice %arg12[%dma_start3A_76, %dma_start3A_77] : memref<6272x128xf32, #tpu.memory_space<vmem_shared>> -> memref<6272x128xf32, #tpu.memory_space<vmem_shared>>
      tpu.enqueue_indirect_dma source(%arg10 : memref<128x128xf32, #tpu.memory_space<vmem>>) target(%dma_start3A_78 : memref<6272x128xf32, #tpu.memory_space<vmem_shared>>) offsets(%dma_start3A_75 : memref<128xi32, #tpu.memory_space<vmem>>) semaphore(%arg15 : memref<!tpu.dma_semaphore, #tpu.memory_space<semaphore_mem>>) {add = true}
      %dma_wait3A_79 = arith.constant 0 : i32
      %dma_wait3A_80 = tpu.memref_slice %arg7[%add3A_61, %dma_wait3A_79] : memref<80x128xi32, #tpu.memory_space<vmem>> -> memref<1x128xi32, #tpu.memory_space<vmem>>
      %dma_wait3A_81 = tpu.memref_squeeze %dma_wait3A_80 : memref<1x128xi32, #tpu.memory_space<vmem>> -> memref<128xi32, #tpu.memory_space<vmem>>
      %dma_wait3A_82 = arith.constant 0 : i32
      %dma_wait3A_83 = arith.constant 0 : i32
      %dma_wait3A_84 = tpu.memref_slice %arg3[%dma_wait3A_82, %dma_wait3A_83] : memref<10000x128xf32, #tpu.memory_space<hbm>> -> memref<10000x128xf32, #tpu.memory_space<hbm>>
      tpu.wait_indirect_dma semaphore(%arg14 : memref<!tpu.dma_semaphore, #tpu.memory_space<semaphore_mem>>) src(%dma_wait3A_84 : memref<10000x128xf32, #tpu.memory_space<hbm>>) dst(%arg11 : memref<128x128xf32, #tpu.memory_space<vmem>>)
      %add3A_85 = arith.constant 1 : i32
      %add3A_86 = arith.addi %mul3A_54, %add3A_85 : i32
      "tpu.region"() ({
        %run_scoped3A = tpu.sem_alloc : memref<!tpu.dma_semaphore, #tpu.memory_space<semaphore_mem>>
        %dma_start3A_93 = arith.constant 0 : i32
        %dma_start3A_94 = tpu.memref_slice %arg9[%add3A_86, %dma_start3A_93] : memref<80x128xi32, #tpu.memory_space<vmem>> -> memref<1x128xi32, #tpu.memory_space<vmem>>
        %dma_start3A_95 = tpu.memref_squeeze %dma_start3A_94 : memref<1x128xi32, #tpu.memory_space<vmem>> -> memref<128xi32, #tpu.memory_space<vmem>>
        %dma_start3A_96 = arith.constant 0 : i32
        %dma_start3A_97 = arith.constant 0 : i32
        %dma_start3A_98 = tpu.memref_slice %arg12[%dma_start3A_96, %dma_start3A_97] : memref<6272x128xf32, #tpu.memory_space<vmem_shared>> -> memref<6272x128xf32, #tpu.memory_space<vmem_shared>>
        tpu.enqueue_indirect_dma source(%arg11 : memref<128x128xf32, #tpu.memory_space<vmem>>) target(%dma_start3A_98 : memref<6272x128xf32, #tpu.memory_space<vmem_shared>>) offsets(%dma_start3A_95 : memref<128xi32, #tpu.memory_space<vmem>>) semaphore(%run_scoped3A : memref<!tpu.dma_semaphore, #tpu.memory_space<semaphore_mem>>) {add = true}
        %dma_wait3A_99 = arith.constant 0 : i32
        %dma_wait3A_100 = tpu.memref_slice %arg9[%add3A_86, %dma_wait3A_99] : memref<80x128xi32, #tpu.memory_space<vmem>> -> memref<1x128xi32, #tpu.memory_space<vmem>>
        %dma_wait3A_101 = tpu.memref_squeeze %dma_wait3A_100 : memref<1x128xi32, #tpu.memory_space<vmem>> -> memref<128xi32, #tpu.memory_space<vmem>>
        %dma_wait3A_102 = arith.constant 0 : i32
        %dma_wait3A_103 = arith.constant 0 : i32
        %dma_wait3A_104 = tpu.memref_slice %arg12[%dma_wait3A_102, %dma_wait3A_103] : memref<6272x128xf32, #tpu.memory_space<vmem_shared>> -> memref<6272x128xf32, #tpu.memory_space<vmem_shared>>
        tpu.wait_indirect_dma semaphore(%run_scoped3A : memref<!tpu.dma_semaphore, #tpu.memory_space<semaphore_mem>>) src(%arg11 : memref<128x128xf32, #tpu.memory_space<vmem>>) dst(%dma_wait3A_104 : memref<6272x128xf32, #tpu.memory_space<vmem_shared>>)
        tpu.yield
      }) : () -> ()
      %dma_wait3A_87 = arith.constant 0 : i32
      %dma_wait3A_88 = tpu.memref_slice %arg9[%mul3A_54, %dma_wait3A_87] : memref<80x128xi32, #tpu.memory_space<vmem>> -> memref<1x128xi32, #tpu.memory_space<vmem>>
      %dma_wait3A_89 = tpu.memref_squeeze %dma_wait3A_88 : memref<1x128xi32, #tpu.memory_space<vmem>> -> memref<128xi32, #tpu.memory_space<vmem>>
      %dma_wait3A_90 = arith.constant 0 : i32
      %dma_wait3A_91 = arith.constant 0 : i32
      %dma_wait3A_92 = tpu.memref_slice %arg12[%dma_wait3A_90, %dma_wait3A_91] : memref<6272x128xf32, #tpu.memory_space<vmem_shared>> -> memref<6272x128xf32, #tpu.memory_space<vmem_shared>>
      tpu.wait_indirect_dma semaphore(%arg15 : memref<!tpu.dma_semaphore, #tpu.memory_space<semaphore_mem>>) src(%arg10 : memref<128x128xf32, #tpu.memory_space<vmem>>) dst(%dma_wait3A_92 : memref<6272x128xf32, #tpu.memory_space<vmem_shared>>)
    }
    %scan3A_43 = arith.constant 40 : i32
    %barrier3A_44 = arith.constant 0 : index
    tpu.barrier barrier_id(%barrier3A_44)
    %mul3A_45 = arith.constant 384 : i32
    %mul3A_46 = arith.muli %arg1, %mul3A_45 : i32
    %mul3A_47 = arith.constant 384 : i32
    %mul3A_48 = arith.muli %arg1, %mul3A_47 : i32
    %add3A_49 = arith.constant 6144 : i32
    %add3A_50 = arith.addi %add3A_49, %mul3A_48 : i32
    "tpu.region"() ({
      %run_scoped3A = tpu.sem_alloc : memref<!tpu.dma_semaphore, #tpu.memory_space<semaphore_mem>>
      %dma_start3A = arith.constant 0 : i32
      %dma_start3A_52 = tpu.memref_slice %arg5[%arg0, %add3A_50, %dma_start3A] : memref<2x12288x128xf32, #tpu.memory_space<hbm>> -> memref<1x384x128xf32, #tpu.memory_space<hbm>>
      %dma_start3A_53 = tpu.memref_squeeze %dma_start3A_52 : memref<1x384x128xf32, #tpu.memory_space<hbm>> -> memref<384x128xf32, #tpu.memory_space<hbm>>
      %dma_start3A_54 = arith.constant 0 : i32
      %dma_start3A_55 = tpu.memref_slice %arg12[%mul3A_46, %dma_start3A_54] : memref<6272x128xf32, #tpu.memory_space<vmem_shared>> -> memref<384x128xf32, #tpu.memory_space<vmem_shared>>
      tpu.enqueue_dma source(%dma_start3A_55 : memref<384x128xf32, #tpu.memory_space<vmem_shared>>) target(%dma_start3A_53 : memref<384x128xf32, #tpu.memory_space<hbm>>) target_semaphore(%run_scoped3A : memref<!tpu.dma_semaphore, #tpu.memory_space<semaphore_mem>>)
      %dma_wait3A = arith.constant 0 : i32
      %dma_wait3A_56 = tpu.memref_slice %arg5[%arg0, %add3A_50, %dma_wait3A] : memref<2x12288x128xf32, #tpu.memory_space<hbm>> -> memref<1x384x128xf32, #tpu.memory_space<hbm>>
      %dma_wait3A_57 = tpu.memref_squeeze %dma_wait3A_56 : memref<1x384x128xf32, #tpu.memory_space<hbm>> -> memref<384x128xf32, #tpu.memory_space<hbm>>
      %dma_wait3A_58 = arith.constant 0 : i32
      %dma_wait3A_59 = tpu.memref_slice %arg12[%mul3A_46, %dma_wait3A_58] : memref<6272x128xf32, #tpu.memory_space<vmem_shared>> -> memref<384x128xf32, #tpu.memory_space<vmem_shared>>
      tpu.wait_dma2 semaphore(%run_scoped3A : memref<!tpu.dma_semaphore, #tpu.memory_space<semaphore_mem>>) src(%dma_wait3A_59 : memref<384x128xf32, #tpu.memory_space<vmem_shared>>) dst(%dma_wait3A_57 : memref<384x128xf32, #tpu.memory_space<hbm>>)
      tpu.yield
    }) : () -> ()
    %barrier3A_51 = arith.constant 0 : index
    tpu.barrier barrier_id(%barrier3A_51)
    return
  }
}

#map = affine_map<(d0, d1) -> (0, 0, 0, 0)>
#map1 = affine_map<(d0, d1) -> (0, 0)>
#map2 = affine_map<(d0, d1) -> (0, 0, 0)>
module attributes {stable_mosaic.version = 14 : i64} {
  func.func @sc_scatter(%arg0: i32, %arg1: i32, %arg2: memref<2x16x80x128xi32, #tpu.memory_space<hbm>>, %arg3: memref<10000x128xf32, #tpu.memory_space<hbm>>, %arg4: memref<128x128xf32, #tpu.memory_space<hbm>>, %arg5: memref<2x12288x128xf32, #tpu.memory_space<hbm>>, %arg6: memref<80x128xi32, #tpu.memory_space<vmem>>, %arg7: memref<80x128xi32, #tpu.memory_space<vmem>>, %arg8: memref<80x128xi32, #tpu.memory_space<vmem>>, %arg9: memref<80x128xi32, #tpu.memory_space<vmem>>, %arg10: memref<128x128xf32, #tpu.memory_space<vmem>>, %arg11: memref<128x128xf32, #tpu.memory_space<vmem>>, %arg12: memref<6272x128xf32, #tpu.memory_space<vmem_shared>>, %arg13: memref<!tpu.dma_semaphore, #tpu.memory_space<semaphore_mem>>, %arg14: memref<!tpu.dma_semaphore, #tpu.memory_space<semaphore_mem>>, %arg15: memref<!tpu.dma_semaphore, #tpu.memory_space<semaphore_mem>>) attributes {dimension_semantics = [#tpu.dimension_semantics<core_parallel>, #tpu.dimension_semantics<subcore_parallel>], iteration_bounds = array<i64: 2, 16>, scalar_prefetch = 0 : i64, scratch_operands = 10 : i64, tpu.core_type = #tpu.core_type<sc_vector_subcore>, window_params = [{transform_indices = #map}, {transform_indices = #map1}, {transform_indices = #map1}, {transform_indices = #map2}]} {
    "tpu.region"() ({
      %run_scoped3A = tpu.sem_alloc : memref<!tpu.dma_semaphore, #tpu.memory_space<semaphore_mem>>
      %dma_start3A = arith.constant 0 : i32
      %dma_start3A_52 = arith.constant 0 : i32
      %dma_start3A_53 = tpu.memref_slice %arg2[%arg0, %arg1, %dma_start3A, %dma_start3A_52] : memref<2x16x80x128xi32, #tpu.memory_space<hbm>> -> memref<1x1x80x128xi32, #tpu.memory_space<hbm>>
      %dma_start3A_54 = tpu.memref_squeeze %dma_start3A_53 : memref<1x1x80x128xi32, #tpu.memory_space<hbm>> -> memref<80x128xi32, #tpu.memory_space<hbm>>
      %dma_start3A_55 = arith.constant 0 : i32
      %dma_start3A_56 = arith.constant 0 : i32
      %dma_start3A_57 = tpu.memref_slice %arg2[%arg0, %arg1, %dma_start3A_55, %dma_start3A_56] : memref<2x16x80x128xi32, #tpu.memory_space<hbm>> -> memref<1x1x80x128xi32, #tpu.memory_space<hbm>>
      %dma_start3A_58 = tpu.memref_squeeze %dma_start3A_57 : memref<1x1x80x128xi32, #tpu.memory_space<hbm>> -> memref<80x128xi32, #tpu.memory_space<hbm>>
      tpu.enqueue_dma source(%dma_start3A_58 : memref<80x128xi32, #tpu.memory_space<hbm>>) target(%arg6 : memref<80x128xi32, #tpu.memory_space<vmem>>) target_semaphore(%run_scoped3A : memref<!tpu.dma_semaphore, #tpu.memory_space<semaphore_mem>>)
      %dma_wait3A = arith.constant 0 : i32
      %dma_wait3A_59 = arith.constant 0 : i32
      %dma_wait3A_60 = tpu.memref_slice %arg2[%arg0, %arg1, %dma_wait3A, %dma_wait3A_59] : memref<2x16x80x128xi32, #tpu.memory_space<hbm>> -> memref<1x1x80x128xi32, #tpu.memory_space<hbm>>
      %dma_wait3A_61 = tpu.memref_squeeze %dma_wait3A_60 : memref<1x1x80x128xi32, #tpu.memory_space<hbm>> -> memref<80x128xi32, #tpu.memory_space<hbm>>
      %dma_wait3A_62 = arith.constant 0 : i32
      %dma_wait3A_63 = arith.constant 0 : i32
      %dma_wait3A_64 = tpu.memref_slice %arg2[%arg0, %arg1, %dma_wait3A_62, %dma_wait3A_63] : memref<2x16x80x128xi32, #tpu.memory_space<hbm>> -> memref<1x1x80x128xi32, #tpu.memory_space<hbm>>
      %dma_wait3A_65 = tpu.memref_squeeze %dma_wait3A_64 : memref<1x1x80x128xi32, #tpu.memory_space<hbm>> -> memref<80x128xi32, #tpu.memory_space<hbm>>
      tpu.wait_dma2 semaphore(%run_scoped3A : memref<!tpu.dma_semaphore, #tpu.memory_space<semaphore_mem>>) src(%dma_wait3A_65 : memref<80x128xi32, #tpu.memory_space<hbm>>) dst(%arg6 : memref<80x128xi32, #tpu.memory_space<vmem>>)
      tpu.yield
    }) : () -> ()
    %scan3A = arith.constant 0 : i32
    %scan3A_0 = arith.constant 0 : i32
    %scan3A_1 = arith.constant 80 : i32
    %scan3A_2 = arith.addi %scan3A_0, %scan3A_1 : i32
    %scan3A_3 = arith.constant 1 : i32
    scf.for %scan3A_52 = %scan3A_0 to %scan3A_2 step %scan3A_3  : i32 {
      %get3A = arith.index_cast %scan3A_52 : i32 to index
      %get3A_53 = arith.constant 0 : index
      %get3A_54 = tpu.vector_load %arg6[%get3A, %get3A_53] {strides = array<i32>} : memref<80x128xi32, #tpu.memory_space<vmem>>, vector<1x16xi32>,
      %get3A_55 = vector.shape_cast %get3A_54 : vector<1x16xi32> to vector<16xi32>
      %shift_right_arithmetic3A = arith.constant 14 : i32
      %shift_right_arithmetic3A_56 = vector.broadcast %shift_right_arithmetic3A : i32 to vector<16xi32>
      %shift_right_arithmetic3A_57 = arith.shrsi %get3A_55, %shift_right_arithmetic3A_56 : vector<16xi32>
      %and3A = arith.constant 127 : i32
      %and3A_58 = vector.broadcast %and3A : i32 to vector<16xi32>
      %and3A_59 = arith.andi %shift_right_arithmetic3A_57, %and3A_58 : vector<16xi32>
      %add3A_60 = arith.constant 6144 : i32
      %add3A_61 = vector.broadcast %add3A_60 : i32 to vector<16xi32>
      %add3A_62 = arith.addi %add3A_61, %and3A_59 : vector<16xi32>
      %sub3A = arith.constant 6144 : i32
      %sub3A_63 = vector.broadcast %sub3A : i32 to vector<16xi32>
      %sub3A_64 = arith.subi %shift_right_arithmetic3A_57, %sub3A_63 : vector<16xi32>
      %and3A_65 = arith.constant 16383 : i32
      %and3A_66 = vector.broadcast %and3A_65 : i32 to vector<16xi32>
      %and3A_67 = arith.andi %get3A_55, %and3A_66 : vector<16xi32>
      %swap3A = arith.index_cast %scan3A_52 : i32 to index
      %swap3A_68 = arith.constant 0 : index
      %swap3A_69 = tpu.vector_load %arg7[%swap3A, %swap3A_68] {strides = array<i32>} : memref<80x128xi32, #tpu.memory_space<vmem>>, vector<1x16xi32>,
      %swap3A_70 = vector.shape_cast %swap3A_69 : vector<1x16xi32> to vector<16xi32>
      %swap3A_71 = vector.shape_cast %and3A_67 : vector<16xi32> to vector<1x16xi32>
      tpu.vector_store %arg7[%swap3A, %swap3A_68], %swap3A_71 {strides = array<i32>} : memref<80x128xi32, #tpu.memory_space<vmem>>, vector<1x16xi32>,
      %lt3A = arith.constant 6144 : i32
      %lt3A_72 = vector.broadcast %lt3A : i32 to vector<16xi32>
      %lt3A_73 = arith.cmpi slt, %shift_right_arithmetic3A_57, %lt3A_72 : vector<16xi32>
      %select_n3A = arith.select %lt3A_73, %shift_right_arithmetic3A_57, %add3A_62 : vector<16xi1>, vector<16xi32>
      %swap3A_74 = arith.index_cast %scan3A_52 : i32 to index
      %swap3A_75 = arith.constant 0 : index
      %swap3A_76 = tpu.vector_load %arg8[%swap3A_74, %swap3A_75] {strides = array<i32>} : memref<80x128xi32, #tpu.memory_space<vmem>>, vector<1x16xi32>,
      %swap3A_77 = vector.shape_cast %swap3A_76 : vector<1x16xi32> to vector<16xi32>
      %swap3A_78 = vector.shape_cast %select_n3A : vector<16xi32> to vector<1x16xi32>
      tpu.vector_store %arg8[%swap3A_74, %swap3A_75], %swap3A_78 {strides = array<i32>} : memref<80x128xi32, #tpu.memory_space<vmem>>, vector<1x16xi32>,
      %ge3A = arith.constant 0 : i32
      %ge3A_79 = vector.broadcast %ge3A : i32 to vector<16xi32>
      %ge3A_80 = arith.cmpi sge, %sub3A_64, %ge3A_79 : vector<16xi32>
      %select_n3A_81 = arith.select %ge3A_80, %sub3A_64, %add3A_62 : vector<16xi1>, vector<16xi32>
      %swap3A_82 = arith.index_cast %scan3A_52 : i32 to index
      %swap3A_83 = arith.constant 0 : index
      %swap3A_84 = tpu.vector_load %arg9[%swap3A_82, %swap3A_83] {strides = array<i32>} : memref<80x128xi32, #tpu.memory_space<vmem>>, vector<1x16xi32>,
      %swap3A_85 = vector.shape_cast %swap3A_84 : vector<1x16xi32> to vector<16xi32>
      %swap3A_86 = vector.shape_cast %select_n3A_81 : vector<16xi32> to vector<1x16xi32>
      tpu.vector_store %arg9[%swap3A_82, %swap3A_83], %swap3A_86 {strides = array<i32>} : memref<80x128xi32, #tpu.memory_space<vmem>>, vector<1x16xi32>,
      %get3A_87 = arith.index_cast %scan3A_52 : i32 to index
      %get3A_88 = arith.constant 16 : index
      %get3A_89 = tpu.vector_load %arg6[%get3A_87, %get3A_88] {strides = array<i32>} : memref<80x128xi32, #tpu.memory_space<vmem>>, vector<1x16xi32>,
      %get3A_90 = vector.shape_cast %get3A_89 : vector<1x16xi32> to vector<16xi32>
      %shift_right_arithmetic3A_91 = arith.constant 14 : i32
      %shift_right_arithmetic3A_92 = vector.broadcast %shift_right_arithmetic3A_91 : i32 to vector<16xi32>
      %shift_right_arithmetic3A_93 = arith.shrsi %get3A_90, %shift_right_arithmetic3A_92 : vector<16xi32>
      %and3A_94 = arith.constant 127 : i32
      %and3A_95 = vector.broadcast %and3A_94 : i32 to vector<16xi32>
      %and3A_96 = arith.andi %shift_right_arithmetic3A_93, %and3A_95 : vector<16xi32>
      %add3A_97 = arith.constant 6144 : i32
      %add3A_98 = vector.broadcast %add3A_97 : i32 to vector<16xi32>
      %add3A_99 = arith.addi %add3A_98, %and3A_96 : vector<16xi32>
      %sub3A_100 = arith.constant 6144 : i32
      %sub3A_101 = vector.broadcast %sub3A_100 : i32 to vector<16xi32>
      %sub3A_102 = arith.subi %shift_right_arithmetic3A_93, %sub3A_101 : vector<16xi32>
      %and3A_103 = arith.constant 16383 : i32
      %and3A_104 = vector.broadcast %and3A_103 : i32 to vector<16xi32>
      %and3A_105 = arith.andi %get3A_90, %and3A_104 : vector<16xi32>
      %swap3A_106 = arith.index_cast %scan3A_52 : i32 to index
      %swap3A_107 = arith.constant 16 : index
      %swap3A_108 = tpu.vector_load %arg7[%swap3A_106, %swap3A_107] {strides = array<i32>} : memref<80x128xi32, #tpu.memory_space<vmem>>, vector<1x16xi32>,
      %swap3A_109 = vector.shape_cast %swap3A_108 : vector<1x16xi32> to vector<16xi32>
      %swap3A_110 = vector.shape_cast %and3A_105 : vector<16xi32> to vector<1x16xi32>
      tpu.vector_store %arg7[%swap3A_106, %swap3A_107], %swap3A_110 {strides = array<i32>} : memref<80x128xi32, #tpu.memory_space<vmem>>, vector<1x16xi32>,
      %lt3A_111 = arith.constant 6144 : i32
      %lt3A_112 = vector.broadcast %lt3A_111 : i32 to vector<16xi32>
      %lt3A_113 = arith.cmpi slt, %shift_right_arithmetic3A_93, %lt3A_112 : vector<16xi32>
      %select_n3A_114 = arith.select %lt3A_113, %shift_right_arithmetic3A_93, %add3A_99 : vector<16xi1>, vector<16xi32>
      %swap3A_115 = arith.index_cast %scan3A_52 : i32 to index
      %swap3A_116 = arith.constant 16 : index
      %swap3A_117 = tpu.vector_load %arg8[%swap3A_115, %swap3A_116] {strides = array<i32>} : memref<80x128xi32, #tpu.memory_space<vmem>>, vector<1x16xi32>,
      %swap3A_118 = vector.shape_cast %swap3A_117 : vector<1x16xi32> to vector<16xi32>
      %swap3A_119 = vector.shape_cast %select_n3A_114 : vector<16xi32> to vector<1x16xi32>
      tpu.vector_store %arg8[%swap3A_115, %swap3A_116], %swap3A_119 {strides = array<i32>} : memref<80x128xi32, #tpu.memory_space<vmem>>, vector<1x16xi32>,
      %ge3A_120 = arith.constant 0 : i32
      %ge3A_121 = vector.broadcast %ge3A_120 : i32 to vector<16xi32>
      %ge3A_122 = arith.cmpi sge, %sub3A_102, %ge3A_121 : vector<16xi32>
      %select_n3A_123 = arith.select %ge3A_122, %sub3A_102, %add3A_99 : vector<16xi1>, vector<16xi32>
      %swap3A_124 = arith.index_cast %scan3A_52 : i32 to index
      %swap3A_125 = arith.constant 16 : index
      %swap3A_126 = tpu.vector_load %arg9[%swap3A_124, %swap3A_125] {strides = array<i32>} : memref<80x128xi32, #tpu.memory_space<vmem>>, vector<1x16xi32>,
      %swap3A_127 = vector.shape_cast %swap3A_126 : vector<1x16xi32> to vector<16xi32>
      %swap3A_128 = vector.shape_cast %select_n3A_123 : vector<16xi32> to vector<1x16xi32>
      tpu.vector_store %arg9[%swap3A_124, %swap3A_125], %swap3A_128 {strides = array<i32>} : memref<80x128xi32, #tpu.memory_space<vmem>>, vector<1x16xi32>,
      %get3A_129 = arith.index_cast %scan3A_52 : i32 to index
      %get3A_130 = arith.constant 32 : index
      %get3A_131 = tpu.vector_load %arg6[%get3A_129, %get3A_130] {strides = array<i32>} : memref<80x128xi32, #tpu.memory_space<vmem>>, vector<1x16xi32>,
      %get3A_132 = vector.shape_cast %get3A_131 : vector<1x16xi32> to vector<16xi32>
      %shift_right_arithmetic3A_133 = arith.constant 14 : i32
      %shift_right_arithmetic3A_134 = vector.broadcast %shift_right_arithmetic3A_133 : i32 to vector<16xi32>
      %shift_right_arithmetic3A_135 = arith.shrsi %get3A_132, %shift_right_arithmetic3A_134 : vector<16xi32>
      %and3A_136 = arith.constant 127 : i32
      %and3A_137 = vector.broadcast %and3A_136 : i32 to vector<16xi32>
      %and3A_138 = arith.andi %shift_right_arithmetic3A_135, %and3A_137 : vector<16xi32>
      %add3A_139 = arith.constant 6144 : i32
      %add3A_140 = vector.broadcast %add3A_139 : i32 to vector<16xi32>
      %add3A_141 = arith.addi %add3A_140, %and3A_138 : vector<16xi32>
      %sub3A_142 = arith.constant 6144 : i32
      %sub3A_143 = vector.broadcast %sub3A_142 : i32 to vector<16xi32>
      %sub3A_144 = arith.subi %shift_right_arithmetic3A_135, %sub3A_143 : vector<16xi32>
      %and3A_145 = arith.constant 16383 : i32
      %and3A_146 = vector.broadcast %and3A_145 : i32 to vector<16xi32>
      %and3A_147 = arith.andi %get3A_132, %and3A_146 : vector<16xi32>
      %swap3A_148 = arith.index_cast %scan3A_52 : i32 to index
      %swap3A_149 = arith.constant 32 : index
      %swap3A_150 = tpu.vector_load %arg7[%swap3A_148, %swap3A_149] {strides = array<i32>} : memref<80x128xi32, #tpu.memory_space<vmem>>, vector<1x16xi32>,
      %swap3A_151 = vector.shape_cast %swap3A_150 : vector<1x16xi32> to vector<16xi32>
      %swap3A_152 = vector.shape_cast %and3A_147 : vector<16xi32> to vector<1x16xi32>
      tpu.vector_store %arg7[%swap3A_148, %swap3A_149], %swap3A_152 {strides = array<i32>} : memref<80x128xi32, #tpu.memory_space<vmem>>, vector<1x16xi32>,
      %lt3A_153 = arith.constant 6144 : i32
      %lt3A_154 = vector.broadcast %lt3A_153 : i32 to vector<16xi32>
      %lt3A_155 = arith.cmpi slt, %shift_right_arithmetic3A_135, %lt3A_154 : vector<16xi32>
      %select_n3A_156 = arith.select %lt3A_155, %shift_right_arithmetic3A_135, %add3A_141 : vector<16xi1>, vector<16xi32>
      %swap3A_157 = arith.index_cast %scan3A_52 : i32 to index
      %swap3A_158 = arith.constant 32 : index
      %swap3A_159 = tpu.vector_load %arg8[%swap3A_157, %swap3A_158] {strides = array<i32>} : memref<80x128xi32, #tpu.memory_space<vmem>>, vector<1x16xi32>,
      %swap3A_160 = vector.shape_cast %swap3A_159 : vector<1x16xi32> to vector<16xi32>
      %swap3A_161 = vector.shape_cast %select_n3A_156 : vector<16xi32> to vector<1x16xi32>
      tpu.vector_store %arg8[%swap3A_157, %swap3A_158], %swap3A_161 {strides = array<i32>} : memref<80x128xi32, #tpu.memory_space<vmem>>, vector<1x16xi32>,
      %ge3A_162 = arith.constant 0 : i32
      %ge3A_163 = vector.broadcast %ge3A_162 : i32 to vector<16xi32>
      %ge3A_164 = arith.cmpi sge, %sub3A_144, %ge3A_163 : vector<16xi32>
      %select_n3A_165 = arith.select %ge3A_164, %sub3A_144, %add3A_141 : vector<16xi1>, vector<16xi32>
      %swap3A_166 = arith.index_cast %scan3A_52 : i32 to index
      %swap3A_167 = arith.constant 32 : index
      %swap3A_168 = tpu.vector_load %arg9[%swap3A_166, %swap3A_167] {strides = array<i32>} : memref<80x128xi32, #tpu.memory_space<vmem>>, vector<1x16xi32>,
      %swap3A_169 = vector.shape_cast %swap3A_168 : vector<1x16xi32> to vector<16xi32>
      %swap3A_170 = vector.shape_cast %select_n3A_165 : vector<16xi32> to vector<1x16xi32>
      tpu.vector_store %arg9[%swap3A_166, %swap3A_167], %swap3A_170 {strides = array<i32>} : memref<80x128xi32, #tpu.memory_space<vmem>>, vector<1x16xi32>,
      %get3A_171 = arith.index_cast %scan3A_52 : i32 to index
      %get3A_172 = arith.constant 48 : index
      %get3A_173 = tpu.vector_load %arg6[%get3A_171, %get3A_172] {strides = array<i32>} : memref<80x128xi32, #tpu.memory_space<vmem>>, vector<1x16xi32>,
      %get3A_174 = vector.shape_cast %get3A_173 : vector<1x16xi32> to vector<16xi32>
      %shift_right_arithmetic3A_175 = arith.constant 14 : i32
      %shift_right_arithmetic3A_176 = vector.broadcast %shift_right_arithmetic3A_175 : i32 to vector<16xi32>
      %shift_right_arithmetic3A_177 = arith.shrsi %get3A_174, %shift_right_arithmetic3A_176 : vector<16xi32>
      %and3A_178 = arith.constant 127 : i32
      %and3A_179 = vector.broadcast %and3A_178 : i32 to vector<16xi32>
      %and3A_180 = arith.andi %shift_right_arithmetic3A_177, %and3A_179 : vector<16xi32>
      %add3A_181 = arith.constant 6144 : i32
      %add3A_182 = vector.broadcast %add3A_181 : i32 to vector<16xi32>
      %add3A_183 = arith.addi %add3A_182, %and3A_180 : vector<16xi32>
      %sub3A_184 = arith.constant 6144 : i32
      %sub3A_185 = vector.broadcast %sub3A_184 : i32 to vector<16xi32>
      %sub3A_186 = arith.subi %shift_right_arithmetic3A_177, %sub3A_185 : vector<16xi32>
      %and3A_187 = arith.constant 16383 : i32
      %and3A_188 = vector.broadcast %and3A_187 : i32 to vector<16xi32>
      %and3A_189 = arith.andi %get3A_174, %and3A_188 : vector<16xi32>
      %swap3A_190 = arith.index_cast %scan3A_52 : i32 to index
      %swap3A_191 = arith.constant 48 : index
      %swap3A_192 = tpu.vector_load %arg7[%swap3A_190, %swap3A_191] {strides = array<i32>} : memref<80x128xi32, #tpu.memory_space<vmem>>, vector<1x16xi32>,
      %swap3A_193 = vector.shape_cast %swap3A_192 : vector<1x16xi32> to vector<16xi32>
      %swap3A_194 = vector.shape_cast %and3A_189 : vector<16xi32> to vector<1x16xi32>
      tpu.vector_store %arg7[%swap3A_190, %swap3A_191], %swap3A_194 {strides = array<i32>} : memref<80x128xi32, #tpu.memory_space<vmem>>, vector<1x16xi32>,
      %lt3A_195 = arith.constant 6144 : i32
      %lt3A_196 = vector.broadcast %lt3A_195 : i32 to vector<16xi32>
      %lt3A_197 = arith.cmpi slt, %shift_right_arithmetic3A_177, %lt3A_196 : vector<16xi32>
      %select_n3A_198 = arith.select %lt3A_197, %shift_right_arithmetic3A_177, %add3A_183 : vector<16xi1>, vector<16xi32>
      %swap3A_199 = arith.index_cast %scan3A_52 : i32 to index
      %swap3A_200 = arith.constant 48 : index
      %swap3A_201 = tpu.vector_load %arg8[%swap3A_199, %swap3A_200] {strides = array<i32>} : memref<80x128xi32, #tpu.memory_space<vmem>>, vector<1x16xi32>,
      %swap3A_202 = vector.shape_cast %swap3A_201 : vector<1x16xi32> to vector<16xi32>
      %swap3A_203 = vector.shape_cast %select_n3A_198 : vector<16xi32> to vector<1x16xi32>
      tpu.vector_store %arg8[%swap3A_199, %swap3A_200], %swap3A_203 {strides = array<i32>} : memref<80x128xi32, #tpu.memory_space<vmem>>, vector<1x16xi32>,
      %ge3A_204 = arith.constant 0 : i32
      %ge3A_205 = vector.broadcast %ge3A_204 : i32 to vector<16xi32>
      %ge3A_206 = arith.cmpi sge, %sub3A_186, %ge3A_205 : vector<16xi32>
      %select_n3A_207 = arith.select %ge3A_206, %sub3A_186, %add3A_183 : vector<16xi1>, vector<16xi32>
      %swap3A_208 = arith.index_cast %scan3A_52 : i32 to index
      %swap3A_209 = arith.constant 48 : index
      %swap3A_210 = tpu.vector_load %arg9[%swap3A_208, %swap3A_209] {strides = array<i32>} : memref<80x128xi32, #tpu.memory_space<vmem>>, vector<1x16xi32>,
      %swap3A_211 = vector.shape_cast %swap3A_210 : vector<1x16xi32> to vector<16xi32>
      %swap3A_212 = vector.shape_cast %select_n3A_207 : vector<16xi32> to vector<1x16xi32>
      tpu.vector_store %arg9[%swap3A_208, %swap3A_209], %swap3A_212 {strides = array<i32>} : memref<80x128xi32, #tpu.memory_space<vmem>>, vector<1x16xi32>,
      %get3A_213 = arith.index_cast %scan3A_52 : i32 to index
      %get3A_214 = arith.constant 64 : index
      %get3A_215 = tpu.vector_load %arg6[%get3A_213, %get3A_214] {strides = array<i32>} : memref<80x128xi32, #tpu.memory_space<vmem>>, vector<1x16xi32>,
      %get3A_216 = vector.shape_cast %get3A_215 : vector<1x16xi32> to vector<16xi32>
      %shift_right_arithmetic3A_217 = arith.constant 14 : i32
      %shift_right_arithmetic3A_218 = vector.broadcast %shift_right_arithmetic3A_217 : i32 to vector<16xi32>
      %shift_right_arithmetic3A_219 = arith.shrsi %get3A_216, %shift_right_arithmetic3A_218 : vector<16xi32>
      %and3A_220 = arith.constant 127 : i32
      %and3A_221 = vector.broadcast %and3A_220 : i32 to vector<16xi32>
      %and3A_222 = arith.andi %shift_right_arithmetic3A_219, %and3A_221 : vector<16xi32>
      %add3A_223 = arith.constant 6144 : i32
      %add3A_224 = vector.broadcast %add3A_223 : i32 to vector<16xi32>
      %add3A_225 = arith.addi %add3A_224, %and3A_222 : vector<16xi32>
      %sub3A_226 = arith.constant 6144 : i32
      %sub3A_227 = vector.broadcast %sub3A_226 : i32 to vector<16xi32>
      %sub3A_228 = arith.subi %shift_right_arithmetic3A_219, %sub3A_227 : vector<16xi32>
      %and3A_229 = arith.constant 16383 : i32
      %and3A_230 = vector.broadcast %and3A_229 : i32 to vector<16xi32>
      %and3A_231 = arith.andi %get3A_216, %and3A_230 : vector<16xi32>
      %swap3A_232 = arith.index_cast %scan3A_52 : i32 to index
      %swap3A_233 = arith.constant 64 : index
      %swap3A_234 = tpu.vector_load %arg7[%swap3A_232, %swap3A_233] {strides = array<i32>} : memref<80x128xi32, #tpu.memory_space<vmem>>, vector<1x16xi32>,
      %swap3A_235 = vector.shape_cast %swap3A_234 : vector<1x16xi32> to vector<16xi32>
      %swap3A_236 = vector.shape_cast %and3A_231 : vector<16xi32> to vector<1x16xi32>
      tpu.vector_store %arg7[%swap3A_232, %swap3A_233], %swap3A_236 {strides = array<i32>} : memref<80x128xi32, #tpu.memory_space<vmem>>, vector<1x16xi32>,
      %lt3A_237 = arith.constant 6144 : i32
      %lt3A_238 = vector.broadcast %lt3A_237 : i32 to vector<16xi32>
      %lt3A_239 = arith.cmpi slt, %shift_right_arithmetic3A_219, %lt3A_238 : vector<16xi32>
      %select_n3A_240 = arith.select %lt3A_239, %shift_right_arithmetic3A_219, %add3A_225 : vector<16xi1>, vector<16xi32>
      %swap3A_241 = arith.index_cast %scan3A_52 : i32 to index
      %swap3A_242 = arith.constant 64 : index
      %swap3A_243 = tpu.vector_load %arg8[%swap3A_241, %swap3A_242] {strides = array<i32>} : memref<80x128xi32, #tpu.memory_space<vmem>>, vector<1x16xi32>,
      %swap3A_244 = vector.shape_cast %swap3A_243 : vector<1x16xi32> to vector<16xi32>
      %swap3A_245 = vector.shape_cast %select_n3A_240 : vector<16xi32> to vector<1x16xi32>
      tpu.vector_store %arg8[%swap3A_241, %swap3A_242], %swap3A_245 {strides = array<i32>} : memref<80x128xi32, #tpu.memory_space<vmem>>, vector<1x16xi32>,
      %ge3A_246 = arith.constant 0 : i32
      %ge3A_247 = vector.broadcast %ge3A_246 : i32 to vector<16xi32>
      %ge3A_248 = arith.cmpi sge, %sub3A_228, %ge3A_247 : vector<16xi32>
      %select_n3A_249 = arith.select %ge3A_248, %sub3A_228, %add3A_225 : vector<16xi1>, vector<16xi32>
      %swap3A_250 = arith.index_cast %scan3A_52 : i32 to index
      %swap3A_251 = arith.constant 64 : index
      %swap3A_252 = tpu.vector_load %arg9[%swap3A_250, %swap3A_251] {strides = array<i32>} : memref<80x128xi32, #tpu.memory_space<vmem>>, vector<1x16xi32>,
      %swap3A_253 = vector.shape_cast %swap3A_252 : vector<1x16xi32> to vector<16xi32>
      %swap3A_254 = vector.shape_cast %select_n3A_249 : vector<16xi32> to vector<1x16xi32>
      tpu.vector_store %arg9[%swap3A_250, %swap3A_251], %swap3A_254 {strides = array<i32>} : memref<80x128xi32, #tpu.memory_space<vmem>>, vector<1x16xi32>,
      %get3A_255 = arith.index_cast %scan3A_52 : i32 to index
      %get3A_256 = arith.constant 80 : index
      %get3A_257 = tpu.vector_load %arg6[%get3A_255, %get3A_256] {strides = array<i32>} : memref<80x128xi32, #tpu.memory_space<vmem>>, vector<1x16xi32>,
      %get3A_258 = vector.shape_cast %get3A_257 : vector<1x16xi32> to vector<16xi32>
      %shift_right_arithmetic3A_259 = arith.constant 14 : i32
      %shift_right_arithmetic3A_260 = vector.broadcast %shift_right_arithmetic3A_259 : i32 to vector<16xi32>
      %shift_right_arithmetic3A_261 = arith.shrsi %get3A_258, %shift_right_arithmetic3A_260 : vector<16xi32>
      %and3A_262 = arith.constant 127 : i32
      %and3A_263 = vector.broadcast %and3A_262 : i32 to vector<16xi32>
      %and3A_264 = arith.andi %shift_right_arithmetic3A_261, %and3A_263 : vector<16xi32>
      %add3A_265 = arith.constant 6144 : i32
      %add3A_266 = vector.broadcast %add3A_265 : i32 to vector<16xi32>
      %add3A_267 = arith.addi %add3A_266, %and3A_264 : vector<16xi32>
      %sub3A_268 = arith.constant 6144 : i32
      %sub3A_269 = vector.broadcast %sub3A_268 : i32 to vector<16xi32>
      %sub3A_270 = arith.subi %shift_right_arithmetic3A_261, %sub3A_269 : vector<16xi32>
      %and3A_271 = arith.constant 16383 : i32
      %and3A_272 = vector.broadcast %and3A_271 : i32 to vector<16xi32>
      %and3A_273 = arith.andi %get3A_258, %and3A_272 : vector<16xi32>
      %swap3A_274 = arith.index_cast %scan3A_52 : i32 to index
      %swap3A_275 = arith.constant 80 : index
      %swap3A_276 = tpu.vector_load %arg7[%swap3A_274, %swap3A_275] {strides = array<i32>} : memref<80x128xi32, #tpu.memory_space<vmem>>, vector<1x16xi32>,
      %swap3A_277 = vector.shape_cast %swap3A_276 : vector<1x16xi32> to vector<16xi32>
      %swap3A_278 = vector.shape_cast %and3A_273 : vector<16xi32> to vector<1x16xi32>
      tpu.vector_store %arg7[%swap3A_274, %swap3A_275], %swap3A_278 {strides = array<i32>} : memref<80x128xi32, #tpu.memory_space<vmem>>, vector<1x16xi32>,
      %lt3A_279 = arith.constant 6144 : i32
      %lt3A_280 = vector.broadcast %lt3A_279 : i32 to vector<16xi32>
      %lt3A_281 = arith.cmpi slt, %shift_right_arithmetic3A_261, %lt3A_280 : vector<16xi32>
      %select_n3A_282 = arith.select %lt3A_281, %shift_right_arithmetic3A_261, %add3A_267 : vector<16xi1>, vector<16xi32>
      %swap3A_283 = arith.index_cast %scan3A_52 : i32 to index
      %swap3A_284 = arith.constant 80 : index
      %swap3A_285 = tpu.vector_load %arg8[%swap3A_283, %swap3A_284] {strides = array<i32>} : memref<80x128xi32, #tpu.memory_space<vmem>>, vector<1x16xi32>,
      %swap3A_286 = vector.shape_cast %swap3A_285 : vector<1x16xi32> to vector<16xi32>
      %swap3A_287 = vector.shape_cast %select_n3A_282 : vector<16xi32> to vector<1x16xi32>
      tpu.vector_store %arg8[%swap3A_283, %swap3A_284], %swap3A_287 {strides = array<i32>} : memref<80x128xi32, #tpu.memory_space<vmem>>, vector<1x16xi32>,
      %ge3A_288 = arith.constant 0 : i32
      %ge3A_289 = vector.broadcast %ge3A_288 : i32 to vector<16xi32>
      %ge3A_290 = arith.cmpi sge, %sub3A_270, %ge3A_289 : vector<16xi32>
      %select_n3A_291 = arith.select %ge3A_290, %sub3A_270, %add3A_267 : vector<16xi1>, vector<16xi32>
      %swap3A_292 = arith.index_cast %scan3A_52 : i32 to index
      %swap3A_293 = arith.constant 80 : index
      %swap3A_294 = tpu.vector_load %arg9[%swap3A_292, %swap3A_293] {strides = array<i32>} : memref<80x128xi32, #tpu.memory_space<vmem>>, vector<1x16xi32>,
      %swap3A_295 = vector.shape_cast %swap3A_294 : vector<1x16xi32> to vector<16xi32>
      %swap3A_296 = vector.shape_cast %select_n3A_291 : vector<16xi32> to vector<1x16xi32>
      tpu.vector_store %arg9[%swap3A_292, %swap3A_293], %swap3A_296 {strides = array<i32>} : memref<80x128xi32, #tpu.memory_space<vmem>>, vector<1x16xi32>,
      %get3A_297 = arith.index_cast %scan3A_52 : i32 to index
      %get3A_298 = arith.constant 96 : index
      %get3A_299 = tpu.vector_load %arg6[%get3A_297, %get3A_298] {strides = array<i32>} : memref<80x128xi32, #tpu.memory_space<vmem>>, vector<1x16xi32>,
      %get3A_300 = vector.shape_cast %get3A_299 : vector<1x16xi32> to vector<16xi32>
      %shift_right_arithmetic3A_301 = arith.constant 14 : i32
      %shift_right_arithmetic3A_302 = vector.broadcast %shift_right_arithmetic3A_301 : i32 to vector<16xi32>
      %shift_right_arithmetic3A_303 = arith.shrsi %get3A_300, %shift_right_arithmetic3A_302 : vector<16xi32>
      %and3A_304 = arith.constant 127 : i32
      %and3A_305 = vector.broadcast %and3A_304 : i32 to vector<16xi32>
      %and3A_306 = arith.andi %shift_right_arithmetic3A_303, %and3A_305 : vector<16xi32>
      %add3A_307 = arith.constant 6144 : i32
      %add3A_308 = vector.broadcast %add3A_307 : i32 to vector<16xi32>
      %add3A_309 = arith.addi %add3A_308, %and3A_306 : vector<16xi32>
      %sub3A_310 = arith.constant 6144 : i32
      %sub3A_311 = vector.broadcast %sub3A_310 : i32 to vector<16xi32>
      %sub3A_312 = arith.subi %shift_right_arithmetic3A_303, %sub3A_311 : vector<16xi32>
      %and3A_313 = arith.constant 16383 : i32
      %and3A_314 = vector.broadcast %and3A_313 : i32 to vector<16xi32>
      %and3A_315 = arith.andi %get3A_300, %and3A_314 : vector<16xi32>
      %swap3A_316 = arith.index_cast %scan3A_52 : i32 to index
      %swap3A_317 = arith.constant 96 : index
      %swap3A_318 = tpu.vector_load %arg7[%swap3A_316, %swap3A_317] {strides = array<i32>} : memref<80x128xi32, #tpu.memory_space<vmem>>, vector<1x16xi32>,
      %swap3A_319 = vector.shape_cast %swap3A_318 : vector<1x16xi32> to vector<16xi32>
      %swap3A_320 = vector.shape_cast %and3A_315 : vector<16xi32> to vector<1x16xi32>
      tpu.vector_store %arg7[%swap3A_316, %swap3A_317], %swap3A_320 {strides = array<i32>} : memref<80x128xi32, #tpu.memory_space<vmem>>, vector<1x16xi32>,
      %lt3A_321 = arith.constant 6144 : i32
      %lt3A_322 = vector.broadcast %lt3A_321 : i32 to vector<16xi32>
      %lt3A_323 = arith.cmpi slt, %shift_right_arithmetic3A_303, %lt3A_322 : vector<16xi32>
      %select_n3A_324 = arith.select %lt3A_323, %shift_right_arithmetic3A_303, %add3A_309 : vector<16xi1>, vector<16xi32>
      %swap3A_325 = arith.index_cast %scan3A_52 : i32 to index
      %swap3A_326 = arith.constant 96 : index
      %swap3A_327 = tpu.vector_load %arg8[%swap3A_325, %swap3A_326] {strides = array<i32>} : memref<80x128xi32, #tpu.memory_space<vmem>>, vector<1x16xi32>,
      %swap3A_328 = vector.shape_cast %swap3A_327 : vector<1x16xi32> to vector<16xi32>
      %swap3A_329 = vector.shape_cast %select_n3A_324 : vector<16xi32> to vector<1x16xi32>
      tpu.vector_store %arg8[%swap3A_325, %swap3A_326], %swap3A_329 {strides = array<i32>} : memref<80x128xi32, #tpu.memory_space<vmem>>, vector<1x16xi32>,
      %ge3A_330 = arith.constant 0 : i32
      %ge3A_331 = vector.broadcast %ge3A_330 : i32 to vector<16xi32>
      %ge3A_332 = arith.cmpi sge, %sub3A_312, %ge3A_331 : vector<16xi32>
      %select_n3A_333 = arith.select %ge3A_332, %sub3A_312, %add3A_309 : vector<16xi1>, vector<16xi32>
      %swap3A_334 = arith.index_cast %scan3A_52 : i32 to index
      %swap3A_335 = arith.constant 96 : index
      %swap3A_336 = tpu.vector_load %arg9[%swap3A_334, %swap3A_335] {strides = array<i32>} : memref<80x128xi32, #tpu.memory_space<vmem>>, vector<1x16xi32>,
      %swap3A_337 = vector.shape_cast %swap3A_336 : vector<1x16xi32> to vector<16xi32>
      %swap3A_338 = vector.shape_cast %select_n3A_333 : vector<16xi32> to vector<1x16xi32>
      tpu.vector_store %arg9[%swap3A_334, %swap3A_335], %swap3A_338 {strides = array<i32>} : memref<80x128xi32, #tpu.memory_space<vmem>>, vector<1x16xi32>,
      %get3A_339 = arith.index_cast %scan3A_52 : i32 to index
      %get3A_340 = arith.constant 112 : index
      %get3A_341 = tpu.vector_load %arg6[%get3A_339, %get3A_340] {strides = array<i32>} : memref<80x128xi32, #tpu.memory_space<vmem>>, vector<1x16xi32>,
      %get3A_342 = vector.shape_cast %get3A_341 : vector<1x16xi32> to vector<16xi32>
      %shift_right_arithmetic3A_343 = arith.constant 14 : i32
      %shift_right_arithmetic3A_344 = vector.broadcast %shift_right_arithmetic3A_343 : i32 to vector<16xi32>
      %shift_right_arithmetic3A_345 = arith.shrsi %get3A_342, %shift_right_arithmetic3A_344 : vector<16xi32>
      %and3A_346 = arith.constant 127 : i32
      %and3A_347 = vector.broadcast %and3A_346 : i32 to vector<16xi32>
      %and3A_348 = arith.andi %shift_right_arithmetic3A_345, %and3A_347 : vector<16xi32>
      %add3A_349 = arith.constant 6144 : i32
      %add3A_350 = vector.broadcast %add3A_349 : i32 to vector<16xi32>
      %add3A_351 = arith.addi %add3A_350, %and3A_348 : vector<16xi32>
      %sub3A_352 = arith.constant 6144 : i32
      %sub3A_353 = vector.broadcast %sub3A_352 : i32 to vector<16xi32>
      %sub3A_354 = arith.subi %shift_right_arithmetic3A_345, %sub3A_353 : vector<16xi32>
      %and3A_355 = arith.constant 16383 : i32
      %and3A_356 = vector.broadcast %and3A_355 : i32 to vector<16xi32>
      %and3A_357 = arith.andi %get3A_342, %and3A_356 : vector<16xi32>
      %swap3A_358 = arith.index_cast %scan3A_52 : i32 to index
      %swap3A_359 = arith.constant 112 : index
      %swap3A_360 = tpu.vector_load %arg7[%swap3A_358, %swap3A_359] {strides = array<i32>} : memref<80x128xi32, #tpu.memory_space<vmem>>, vector<1x16xi32>,
      %swap3A_361 = vector.shape_cast %swap3A_360 : vector<1x16xi32> to vector<16xi32>
      %swap3A_362 = vector.shape_cast %and3A_357 : vector<16xi32> to vector<1x16xi32>
      tpu.vector_store %arg7[%swap3A_358, %swap3A_359], %swap3A_362 {strides = array<i32>} : memref<80x128xi32, #tpu.memory_space<vmem>>, vector<1x16xi32>,
      %lt3A_363 = arith.constant 6144 : i32
      %lt3A_364 = vector.broadcast %lt3A_363 : i32 to vector<16xi32>
      %lt3A_365 = arith.cmpi slt, %shift_right_arithmetic3A_345, %lt3A_364 : vector<16xi32>
      %select_n3A_366 = arith.select %lt3A_365, %shift_right_arithmetic3A_345, %add3A_351 : vector<16xi1>, vector<16xi32>
      %swap3A_367 = arith.index_cast %scan3A_52 : i32 to index
      %swap3A_368 = arith.constant 112 : index
      %swap3A_369 = tpu.vector_load %arg8[%swap3A_367, %swap3A_368] {strides = array<i32>} : memref<80x128xi32, #tpu.memory_space<vmem>>, vector<1x16xi32>,
      %swap3A_370 = vector.shape_cast %swap3A_369 : vector<1x16xi32> to vector<16xi32>
      %swap3A_371 = vector.shape_cast %select_n3A_366 : vector<16xi32> to vector<1x16xi32>
      tpu.vector_store %arg8[%swap3A_367, %swap3A_368], %swap3A_371 {strides = array<i32>} : memref<80x128xi32, #tpu.memory_space<vmem>>, vector<1x16xi32>,
      %ge3A_372 = arith.constant 0 : i32
      %ge3A_373 = vector.broadcast %ge3A_372 : i32 to vector<16xi32>
      %ge3A_374 = arith.cmpi sge, %sub3A_354, %ge3A_373 : vector<16xi32>
      %select_n3A_375 = arith.select %ge3A_374, %sub3A_354, %add3A_351 : vector<16xi1>, vector<16xi32>
      %swap3A_376 = arith.index_cast %scan3A_52 : i32 to index
      %swap3A_377 = arith.constant 112 : index
      %swap3A_378 = tpu.vector_load %arg9[%swap3A_376, %swap3A_377] {strides = array<i32>} : memref<80x128xi32, #tpu.memory_space<vmem>>, vector<1x16xi32>,
      %swap3A_379 = vector.shape_cast %swap3A_378 : vector<1x16xi32> to vector<16xi32>
      %swap3A_380 = vector.shape_cast %select_n3A_375 : vector<16xi32> to vector<1x16xi32>
      tpu.vector_store %arg9[%swap3A_376, %swap3A_377], %swap3A_380 {strides = array<i32>} : memref<80x128xi32, #tpu.memory_space<vmem>>, vector<1x16xi32>,
    }
    %scan3A_4 = arith.constant 80 : i32
    %scan3A_5 = arith.constant 0 : i32
    %scan3A_6 = arith.constant 0 : i32
    %scan3A_7 = arith.constant 3 : i32
    %scan3A_8 = arith.addi %scan3A_6, %scan3A_7 : i32
    %scan3A_9 = arith.constant 1 : i32
    scf.for %scan3A_52 = %scan3A_6 to %scan3A_8 step %scan3A_9  : i32 {
      %mul3A_53 = arith.constant 392 : i32
      %mul3A_54 = arith.muli %arg1, %mul3A_53 : i32
      %mul3A_55 = arith.constant 128 : i32
      %mul3A_56 = arith.muli %scan3A_52, %mul3A_55 : i32
      %add3A_57 = arith.addi %mul3A_54, %mul3A_56 : i32
      "tpu.region"() ({
        %run_scoped3A = tpu.sem_alloc : memref<!tpu.dma_semaphore, #tpu.memory_space<semaphore_mem>>
        %dma_start3A = arith.constant 0 : i32
        %dma_start3A_58 = tpu.memref_slice %arg12[%add3A_57, %dma_start3A] : memref<6272x128xf32, #tpu.memory_space<vmem_shared>> -> memref<128x128xf32, #tpu.memory_space<vmem_shared>>
        tpu.enqueue_dma source(%arg4 : memref<128x128xf32, #tpu.memory_space<hbm>>) target(%dma_start3A_58 : memref<128x128xf32, #tpu.memory_space<vmem_shared>>) target_semaphore(%run_scoped3A : memref<!tpu.dma_semaphore, #tpu.memory_space<semaphore_mem>>)
        %dma_wait3A = arith.constant 0 : i32
        %dma_wait3A_59 = tpu.memref_slice %arg12[%add3A_57, %dma_wait3A] : memref<6272x128xf32, #tpu.memory_space<vmem_shared>> -> memref<128x128xf32, #tpu.memory_space<vmem_shared>>
        tpu.wait_dma2 semaphore(%run_scoped3A : memref<!tpu.dma_semaphore, #tpu.memory_space<semaphore_mem>>) src(%arg4 : memref<128x128xf32, #tpu.memory_space<hbm>>) dst(%dma_wait3A_59 : memref<128x128xf32, #tpu.memory_space<vmem_shared>>)
        tpu.yield
      }) : () -> ()
    }
    %scan3A_10 = arith.constant 3 : i32
    %mul3A = arith.constant 392 : i32
    %mul3A_11 = arith.muli %arg1, %mul3A : i32
    %add3A = arith.constant 384 : i32
    %add3A_12 = arith.addi %mul3A_11, %add3A : i32
    "tpu.region"() ({
      %run_scoped3A = tpu.sem_alloc : memref<!tpu.dma_semaphore, #tpu.memory_space<semaphore_mem>>
      %dma_start3A = arith.constant 0 : i32
      %dma_start3A_52 = tpu.memref_slice %arg12[%add3A_12, %dma_start3A] : memref<6272x128xf32, #tpu.memory_space<vmem_shared>> -> memref<8x128xf32, #tpu.memory_space<vmem_shared>>
      %dma_start3A_53 = arith.constant 0 : i32
      %dma_start3A_54 = arith.constant 0 : i32
      %dma_start3A_55 = tpu.memref_slice %arg4[%dma_start3A_53, %dma_start3A_54] : memref<128x128xf32, #tpu.memory_space<hbm>> -> memref<8x128xf32, #tpu.memory_space<hbm>>
      tpu.enqueue_dma source(%dma_start3A_55 : memref<8x128xf32, #tpu.memory_space<hbm>>) target(%dma_start3A_52 : memref<8x128xf32, #tpu.memory_space<vmem_shared>>) target_semaphore(%run_scoped3A : memref<!tpu.dma_semaphore, #tpu.memory_space<semaphore_mem>>)
      %dma_wait3A = arith.constant 0 : i32
      %dma_wait3A_56 = tpu.memref_slice %arg12[%add3A_12, %dma_wait3A] : memref<6272x128xf32, #tpu.memory_space<vmem_shared>> -> memref<8x128xf32, #tpu.memory_space<vmem_shared>>
      %dma_wait3A_57 = arith.constant 0 : i32
      %dma_wait3A_58 = arith.constant 0 : i32
      %dma_wait3A_59 = tpu.memref_slice %arg4[%dma_wait3A_57, %dma_wait3A_58] : memref<128x128xf32, #tpu.memory_space<hbm>> -> memref<8x128xf32, #tpu.memory_space<hbm>>
      tpu.wait_dma2 semaphore(%run_scoped3A : memref<!tpu.dma_semaphore, #tpu.memory_space<semaphore_mem>>) src(%dma_wait3A_59 : memref<8x128xf32, #tpu.memory_space<hbm>>) dst(%dma_wait3A_56 : memref<8x128xf32, #tpu.memory_space<vmem_shared>>)
      tpu.yield
    }) : () -> ()
    %barrier3A = arith.constant 0 : index
    tpu.barrier barrier_id(%barrier3A)
    %scan3A_13 = arith.constant 0 : i32
    %scan3A_14 = arith.constant 0 : i32
    %scan3A_15 = arith.constant 40 : i32
    %scan3A_16 = arith.addi %scan3A_14, %scan3A_15 : i32
    %scan3A_17 = arith.constant 1 : i32
    scf.for %scan3A_52 = %scan3A_14 to %scan3A_16 step %scan3A_17  : i32 {
      %mul3A_53 = arith.constant 2 : i32
      %mul3A_54 = arith.muli %mul3A_53, %scan3A_52 : i32
      %dma_start3A = arith.constant 0 : i32
      %dma_start3A_55 = tpu.memref_slice %arg7[%mul3A_54, %dma_start3A] : memref<80x128xi32, #tpu.memory_space<vmem>> -> memref<1x128xi32, #tpu.memory_space<vmem>>
      %dma_start3A_56 = tpu.memref_squeeze %dma_start3A_55 : memref<1x128xi32, #tpu.memory_space<vmem>> -> memref<128xi32, #tpu.memory_space<vmem>>
      %dma_start3A_57 = arith.constant 0 : i32
      %dma_start3A_58 = arith.constant 0 : i32
      %dma_start3A_59 = tpu.memref_slice %arg3[%dma_start3A_57, %dma_start3A_58] : memref<10000x128xf32, #tpu.memory_space<hbm>> -> memref<10000x128xf32, #tpu.memory_space<hbm>>
      tpu.enqueue_indirect_dma source(%dma_start3A_59 : memref<10000x128xf32, #tpu.memory_space<hbm>>) target(%arg10 : memref<128x128xf32, #tpu.memory_space<vmem>>) offsets(%dma_start3A_56 : memref<128xi32, #tpu.memory_space<vmem>>) semaphore(%arg13 : memref<!tpu.dma_semaphore, #tpu.memory_space<semaphore_mem>>)
      %add3A_60 = arith.constant 1 : i32
      %add3A_61 = arith.addi %mul3A_54, %add3A_60 : i32
      %dma_start3A_62 = arith.constant 0 : i32
      %dma_start3A_63 = tpu.memref_slice %arg7[%add3A_61, %dma_start3A_62] : memref<80x128xi32, #tpu.memory_space<vmem>> -> memref<1x128xi32, #tpu.memory_space<vmem>>
      %dma_start3A_64 = tpu.memref_squeeze %dma_start3A_63 : memref<1x128xi32, #tpu.memory_space<vmem>> -> memref<128xi32, #tpu.memory_space<vmem>>
      %dma_start3A_65 = arith.constant 0 : i32
      %dma_start3A_66 = arith.constant 0 : i32
      %dma_start3A_67 = tpu.memref_slice %arg3[%dma_start3A_65, %dma_start3A_66] : memref<10000x128xf32, #tpu.memory_space<hbm>> -> memref<10000x128xf32, #tpu.memory_space<hbm>>
      tpu.enqueue_indirect_dma source(%dma_start3A_67 : memref<10000x128xf32, #tpu.memory_space<hbm>>) target(%arg11 : memref<128x128xf32, #tpu.memory_space<vmem>>) offsets(%dma_start3A_64 : memref<128xi32, #tpu.memory_space<vmem>>) semaphore(%arg14 : memref<!tpu.dma_semaphore, #tpu.memory_space<semaphore_mem>>)
      %dma_wait3A = arith.constant 0 : i32
      %dma_wait3A_68 = tpu.memref_slice %arg7[%mul3A_54, %dma_wait3A] : memref<80x128xi32, #tpu.memory_space<vmem>> -> memref<1x128xi32, #tpu.memory_space<vmem>>
      %dma_wait3A_69 = tpu.memref_squeeze %dma_wait3A_68 : memref<1x128xi32, #tpu.memory_space<vmem>> -> memref<128xi32, #tpu.memory_space<vmem>>
      %dma_wait3A_70 = arith.constant 0 : i32
      %dma_wait3A_71 = arith.constant 0 : i32
      %dma_wait3A_72 = tpu.memref_slice %arg3[%dma_wait3A_70, %dma_wait3A_71] : memref<10000x128xf32, #tpu.memory_space<hbm>> -> memref<10000x128xf32, #tpu.memory_space<hbm>>
      tpu.wait_indirect_dma semaphore(%arg13 : memref<!tpu.dma_semaphore, #tpu.memory_space<semaphore_mem>>) src(%dma_wait3A_72 : memref<10000x128xf32, #tpu.memory_space<hbm>>) dst(%arg10 : memref<128x128xf32, #tpu.memory_space<vmem>>)
      %dma_start3A_73 = arith.constant 0 : i32
      %dma_start3A_74 = tpu.memref_slice %arg8[%mul3A_54, %dma_start3A_73] : memref<80x128xi32, #tpu.memory_space<vmem>> -> memref<1x128xi32, #tpu.memory_space<vmem>>
      %dma_start3A_75 = tpu.memref_squeeze %dma_start3A_74 : memref<1x128xi32, #tpu.memory_space<vmem>> -> memref<128xi32, #tpu.memory_space<vmem>>
      %dma_start3A_76 = arith.constant 0 : i32
      %dma_start3A_77 = arith.constant 0 : i32
      %dma_start3A_78 = tpu.memref_slice %arg12[%dma_start3A_76, %dma_start3A_77] : memref<6272x128xf32, #tpu.memory_space<vmem_shared>> -> memref<6272x128xf32, #tpu.memory_space<vmem_shared>>
      tpu.enqueue_indirect_dma source(%arg10 : memref<128x128xf32, #tpu.memory_space<vmem>>) target(%dma_start3A_78 : memref<6272x128xf32, #tpu.memory_space<vmem_shared>>) offsets(%dma_start3A_75 : memref<128xi32, #tpu.memory_space<vmem>>) semaphore(%arg15 : memref<!tpu.dma_semaphore, #tpu.memory_space<semaphore_mem>>) {add = true}
      %dma_wait3A_79 = arith.constant 0 : i32
      %dma_wait3A_80 = tpu.memref_slice %arg7[%add3A_61, %dma_wait3A_79] : memref<80x128xi32, #tpu.memory_space<vmem>> -> memref<1x128xi32, #tpu.memory_space<vmem>>
      %dma_wait3A_81 = tpu.memref_squeeze %dma_wait3A_80 : memref<1x128xi32, #tpu.memory_space<vmem>> -> memref<128xi32, #tpu.memory_space<vmem>>
      %dma_wait3A_82 = arith.constant 0 : i32
      %dma_wait3A_83 = arith.constant 0 : i32
      %dma_wait3A_84 = tpu.memref_slice %arg3[%dma_wait3A_82, %dma_wait3A_83] : memref<10000x128xf32, #tpu.memory_space<hbm>> -> memref<10000x128xf32, #tpu.memory_space<hbm>>
      tpu.wait_indirect_dma semaphore(%arg14 : memref<!tpu.dma_semaphore, #tpu.memory_space<semaphore_mem>>) src(%dma_wait3A_84 : memref<10000x128xf32, #tpu.memory_space<hbm>>) dst(%arg11 : memref<128x128xf32, #tpu.memory_space<vmem>>)
      %add3A_85 = arith.constant 1 : i32
      %add3A_86 = arith.addi %mul3A_54, %add3A_85 : i32
      "tpu.region"() ({
        %run_scoped3A = tpu.sem_alloc : memref<!tpu.dma_semaphore, #tpu.memory_space<semaphore_mem>>
        %dma_start3A_93 = arith.constant 0 : i32
        %dma_start3A_94 = tpu.memref_slice %arg8[%add3A_86, %dma_start3A_93] : memref<80x128xi32, #tpu.memory_space<vmem>> -> memref<1x128xi32, #tpu.memory_space<vmem>>
        %dma_start3A_95 = tpu.memref_squeeze %dma_start3A_94 : memref<1x128xi32, #tpu.memory_space<vmem>> -> memref<128xi32, #tpu.memory_space<vmem>>
        %dma_start3A_96 = arith.constant 0 : i32
        %dma_start3A_97 = arith.constant 0 : i32
        %dma_start3A_98 = tpu.memref_slice %arg12[%dma_start3A_96, %dma_start3A_97] : memref<6272x128xf32, #tpu.memory_space<vmem_shared>> -> memref<6272x128xf32, #tpu.memory_space<vmem_shared>>
        tpu.enqueue_indirect_dma source(%arg11 : memref<128x128xf32, #tpu.memory_space<vmem>>) target(%dma_start3A_98 : memref<6272x128xf32, #tpu.memory_space<vmem_shared>>) offsets(%dma_start3A_95 : memref<128xi32, #tpu.memory_space<vmem>>) semaphore(%run_scoped3A : memref<!tpu.dma_semaphore, #tpu.memory_space<semaphore_mem>>) {add = true}
        %dma_wait3A_99 = arith.constant 0 : i32
        %dma_wait3A_100 = tpu.memref_slice %arg8[%add3A_86, %dma_wait3A_99] : memref<80x128xi32, #tpu.memory_space<vmem>> -> memref<1x128xi32, #tpu.memory_space<vmem>>
        %dma_wait3A_101 = tpu.memref_squeeze %dma_wait3A_100 : memref<1x128xi32, #tpu.memory_space<vmem>> -> memref<128xi32, #tpu.memory_space<vmem>>
        %dma_wait3A_102 = arith.constant 0 : i32
        %dma_wait3A_103 = arith.constant 0 : i32
        %dma_wait3A_104 = tpu.memref_slice %arg12[%dma_wait3A_102, %dma_wait3A_103] : memref<6272x128xf32, #tpu.memory_space<vmem_shared>> -> memref<6272x128xf32, #tpu.memory_space<vmem_shared>>
        tpu.wait_indirect_dma semaphore(%run_scoped3A : memref<!tpu.dma_semaphore, #tpu.memory_space<semaphore_mem>>) src(%arg11 : memref<128x128xf32, #tpu.memory_space<vmem>>) dst(%dma_wait3A_104 : memref<6272x128xf32, #tpu.memory_space<vmem_shared>>)
        tpu.yield
      }) : () -> ()
      %dma_wait3A_87 = arith.constant 0 : i32
      %dma_wait3A_88 = tpu.memref_slice %arg8[%mul3A_54, %dma_wait3A_87] : memref<80x128xi32, #tpu.memory_space<vmem>> -> memref<1x128xi32, #tpu.memory_space<vmem>>
      %dma_wait3A_89 = tpu.memref_squeeze %dma_wait3A_88 : memref<1x128xi32, #tpu.memory_space<vmem>> -> memref<128xi32, #tpu.memory_space<vmem>>
      %dma_wait3A_90 = arith.constant 0 : i32
      %dma_wait3A_91 = arith.constant 0 : i32
      %dma_wait3A_92 = tpu.memref_slice %arg12[%dma_wait3A_90, %dma_wait3A_91] : memref<6272x128xf32, #tpu.memory_space<vmem_shared>> -> memref<6272x128xf32, #tpu.memory_space<vmem_shared>>
      tpu.wait_indirect_dma semaphore(%arg15 : memref<!tpu.dma_semaphore, #tpu.memory_space<semaphore_mem>>) src(%arg10 : memref<128x128xf32, #tpu.memory_space<vmem>>) dst(%dma_wait3A_92 : memref<6272x128xf32, #tpu.memory_space<vmem_shared>>)
    }
    %scan3A_18 = arith.constant 40 : i32
    %barrier3A_19 = arith.constant 0 : index
    tpu.barrier barrier_id(%barrier3A_19)
    %mul3A_20 = arith.constant 384 : i32
    %mul3A_21 = arith.muli %arg1, %mul3A_20 : i32
    %mul3A_22 = arith.constant 384 : i32
    %mul3A_23 = arith.muli %arg1, %mul3A_22 : i32
    %add3A_24 = arith.constant 0 : i32
    %add3A_25 = arith.addi %add3A_24, %mul3A_23 : i32
    "tpu.region"() ({
      %run_scoped3A = tpu.sem_alloc : memref<!tpu.dma_semaphore, #tpu.memory_space<semaphore_mem>>
      %dma_start3A = arith.constant 0 : i32
      %dma_start3A_52 = tpu.memref_slice %arg5[%arg0, %add3A_25, %dma_start3A] : memref<2x12288x128xf32, #tpu.memory_space<hbm>> -> memref<1x384x128xf32, #tpu.memory_space<hbm>>
      %dma_start3A_53 = tpu.memref_squeeze %dma_start3A_52 : memref<1x384x128xf32, #tpu.memory_space<hbm>> -> memref<384x128xf32, #tpu.memory_space<hbm>>
      %dma_start3A_54 = arith.constant 0 : i32
      %dma_start3A_55 = tpu.memref_slice %arg12[%mul3A_21, %dma_start3A_54] : memref<6272x128xf32, #tpu.memory_space<vmem_shared>> -> memref<384x128xf32, #tpu.memory_space<vmem_shared>>
      tpu.enqueue_dma source(%dma_start3A_55 : memref<384x128xf32, #tpu.memory_space<vmem_shared>>) target(%dma_start3A_53 : memref<384x128xf32, #tpu.memory_space<hbm>>) target_semaphore(%run_scoped3A : memref<!tpu.dma_semaphore, #tpu.memory_space<semaphore_mem>>)
      %dma_wait3A = arith.constant 0 : i32
      %dma_wait3A_56 = tpu.memref_slice %arg5[%arg0, %add3A_25, %dma_wait3A] : memref<2x12288x128xf32, #tpu.memory_space<hbm>> -> memref<1x384x128xf32, #tpu.memory_space<hbm>>
      %dma_wait3A_57 = tpu.memref_squeeze %dma_wait3A_56 : memref<1x384x128xf32, #tpu.memory_space<hbm>> -> memref<384x128xf32, #tpu.memory_space<hbm>>
      %dma_wait3A_58 = arith.constant 0 : i32
      %dma_wait3A_59 = tpu.memref_slice %arg12[%mul3A_21, %dma_wait3A_58] : memref<6272x128xf32, #tpu.memory_space<vmem_shared>> -> memref<384x128xf32, #tpu.memory_space<vmem_shared>>
      tpu.wait_dma2 semaphore(%run_scoped3A : memref<!tpu.dma_semaphore, #tpu.memory_space<semaphore_mem>>) src(%dma_wait3A_59 : memref<384x128xf32, #tpu.memory_space<vmem_shared>>) dst(%dma_wait3A_57 : memref<384x128xf32, #tpu.memory_space<hbm>>)
      tpu.yield
    }) : () -> ()
    %barrier3A_26 = arith.constant 0 : index
    tpu.barrier barrier_id(%barrier3A_26)
    %scan3A_27 = arith.constant 0 : i32
    %scan3A_28 = arith.constant 0 : i32
    %scan3A_29 = arith.constant 3 : i32
    %scan3A_30 = arith.addi %scan3A_28, %scan3A_29 : i32
    %scan3A_31 = arith.constant 1 : i32
    scf.for %scan3A_52 = %scan3A_28 to %scan3A_30 step %scan3A_31  : i32 {
      %mul3A_53 = arith.constant 392 : i32
      %mul3A_54 = arith.muli %arg1, %mul3A_53 : i32
      %mul3A_55 = arith.constant 128 : i32
      %mul3A_56 = arith.muli %scan3A_52, %mul3A_55 : i32
      %add3A_57 = arith.addi %mul3A_54, %mul3A_56 : i32
      "tpu.region"() ({
        %run_scoped3A = tpu.sem_alloc : memref<!tpu.dma_semaphore, #tpu.memory_space<semaphore_mem>>
        %dma_start3A = arith.constant 0 : i32
        %dma_start3A_58 = tpu.memref_slice %arg12[%add3A_57, %dma_start3A] : memref<6272x128xf32, #tpu.memory_space<vmem_shared>> -> memref<128x128xf32, #tpu.memory_space<vmem_shared>>
        tpu.enqueue_dma source(%arg4 : memref<128x128xf32, #tpu.memory_space<hbm>>) target(%dma_start3A_58 : memref<128x128xf32, #tpu.memory_space<vmem_shared>>) target_semaphore(%run_scoped3A : memref<!tpu.dma_semaphore, #tpu.memory_space<semaphore_mem>>)
        %dma_wait3A = arith.constant 0 : i32
        %dma_wait3A_59 = tpu.memref_slice %arg12[%add3A_57, %dma_wait3A] : memref<6272x128xf32, #tpu.memory_space<vmem_shared>> -> memref<128x128xf32, #tpu.memory_space<vmem_shared>>
        tpu.wait_dma2 semaphore(%run_scoped3A : memref<!tpu.dma_semaphore, #tpu.memory_space<semaphore_mem>>) src(%arg4 : memref<128x128xf32, #tpu.memory_space<hbm>>) dst(%dma_wait3A_59 : memref<128x128xf32, #tpu.memory_space<vmem_shared>>)
        tpu.yield
      }) : () -> ()
    }
    %scan3A_32 = arith.constant 3 : i32
    %mul3A_33 = arith.constant 392 : i32
    %mul3A_34 = arith.muli %arg1, %mul3A_33 : i32
    %add3A_35 = arith.constant 384 : i32
    %add3A_36 = arith.addi %mul3A_34, %add3A_35 : i32
    "tpu.region"() ({
      %run_scoped3A = tpu.sem_alloc : memref<!tpu.dma_semaphore, #tpu.memory_space<semaphore_mem>>
      %dma_start3A = arith.constant 0 : i32
      %dma_start3A_52 = tpu.memref_slice %arg12[%add3A_36, %dma_start3A] : memref<6272x128xf32, #tpu.memory_space<vmem_shared>> -> memref<8x128xf32, #tpu.memory_space<vmem_shared>>
      %dma_start3A_53 = arith.constant 0 : i32
      %dma_start3A_54 = arith.constant 0 : i32
      %dma_start3A_55 = tpu.memref_slice %arg4[%dma_start3A_53, %dma_start3A_54] : memref<128x128xf32, #tpu.memory_space<hbm>> -> memref<8x128xf32, #tpu.memory_space<hbm>>
      tpu.enqueue_dma source(%dma_start3A_55 : memref<8x128xf32, #tpu.memory_space<hbm>>) target(%dma_start3A_52 : memref<8x128xf32, #tpu.memory_space<vmem_shared>>) target_semaphore(%run_scoped3A : memref<!tpu.dma_semaphore, #tpu.memory_space<semaphore_mem>>)
      %dma_wait3A = arith.constant 0 : i32
      %dma_wait3A_56 = tpu.memref_slice %arg12[%add3A_36, %dma_wait3A] : memref<6272x128xf32, #tpu.memory_space<vmem_shared>> -> memref<8x128xf32, #tpu.memory_space<vmem_shared>>
      %dma_wait3A_57 = arith.constant 0 : i32
      %dma_wait3A_58 = arith.constant 0 : i32
      %dma_wait3A_59 = tpu.memref_slice %arg4[%dma_wait3A_57, %dma_wait3A_58] : memref<128x128xf32, #tpu.memory_space<hbm>> -> memref<8x128xf32, #tpu.memory_space<hbm>>
      tpu.wait_dma2 semaphore(%run_scoped3A : memref<!tpu.dma_semaphore, #tpu.memory_space<semaphore_mem>>) src(%dma_wait3A_59 : memref<8x128xf32, #tpu.memory_space<hbm>>) dst(%dma_wait3A_56 : memref<8x128xf32, #tpu.memory_space<vmem_shared>>)
      tpu.yield
    }) : () -> ()
    %barrier3A_37 = arith.constant 0 : index
    tpu.barrier barrier_id(%barrier3A_37)
    %scan3A_38 = arith.constant 0 : i32
    %scan3A_39 = arith.constant 0 : i32
    %scan3A_40 = arith.constant 40 : i32
    %scan3A_41 = arith.addi %scan3A_39, %scan3A_40 : i32
    %scan3A_42 = arith.constant 1 : i32
    scf.for %scan3A_52 = %scan3A_39 to %scan3A_41 step %scan3A_42  : i32 {
      %mul3A_53 = arith.constant 2 : i32
      %mul3A_54 = arith.muli %mul3A_53, %scan3A_52 : i32
      %dma_start3A = arith.constant 0 : i32
      %dma_start3A_55 = tpu.memref_slice %arg7[%mul3A_54, %dma_start3A] : memref<80x128xi32, #tpu.memory_space<vmem>> -> memref<1x128xi32, #tpu.memory_space<vmem>>
      %dma_start3A_56 = tpu.memref_squeeze %dma_start3A_55 : memref<1x128xi32, #tpu.memory_space<vmem>> -> memref<128xi32, #tpu.memory_space<vmem>>
      %dma_start3A_57 = arith.constant 0 : i32
      %dma_start3A_58 = arith.constant 0 : i32
      %dma_start3A_59 = tpu.memref_slice %arg3[%dma_start3A_57, %dma_start3A_58] : memref<10000x128xf32, #tpu.memory_space<hbm>> -> memref<10000x128xf32, #tpu.memory_space<hbm>>
      tpu.enqueue_indirect_dma source(%dma_start3A_59 : memref<10000x128xf32, #tpu.memory_space<hbm>>) target(%arg10 : memref<128x128xf32, #tpu.memory_space<vmem>>) offsets(%dma_start3A_56 : memref<128xi32, #tpu.memory_space<vmem>>) semaphore(%arg13 : memref<!tpu.dma_semaphore, #tpu.memory_space<semaphore_mem>>)
      %add3A_60 = arith.constant 1 : i32
      %add3A_61 = arith.addi %mul3A_54, %add3A_60 : i32
      %dma_start3A_62 = arith.constant 0 : i32
      %dma_start3A_63 = tpu.memref_slice %arg7[%add3A_61, %dma_start3A_62] : memref<80x128xi32, #tpu.memory_space<vmem>> -> memref<1x128xi32, #tpu.memory_space<vmem>>
      %dma_start3A_64 = tpu.memref_squeeze %dma_start3A_63 : memref<1x128xi32, #tpu.memory_space<vmem>> -> memref<128xi32, #tpu.memory_space<vmem>>
      %dma_start3A_65 = arith.constant 0 : i32
      %dma_start3A_66 = arith.constant 0 : i32
      %dma_start3A_67 = tpu.memref_slice %arg3[%dma_start3A_65, %dma_start3A_66] : memref<10000x128xf32, #tpu.memory_space<hbm>> -> memref<10000x128xf32, #tpu.memory_space<hbm>>
      tpu.enqueue_indirect_dma source(%dma_start3A_67 : memref<10000x128xf32, #tpu.memory_space<hbm>>) target(%arg11 : memref<128x128xf32, #tpu.memory_space<vmem>>) offsets(%dma_start3A_64 : memref<128xi32, #tpu.memory_space<vmem>>) semaphore(%arg14 : memref<!tpu.dma_semaphore, #tpu.memory_space<semaphore_mem>>)
      %dma_wait3A = arith.constant 0 : i32
      %dma_wait3A_68 = tpu.memref_slice %arg7[%mul3A_54, %dma_wait3A] : memref<80x128xi32, #tpu.memory_space<vmem>> -> memref<1x128xi32, #tpu.memory_space<vmem>>
      %dma_wait3A_69 = tpu.memref_squeeze %dma_wait3A_68 : memref<1x128xi32, #tpu.memory_space<vmem>> -> memref<128xi32, #tpu.memory_space<vmem>>
      %dma_wait3A_70 = arith.constant 0 : i32
      %dma_wait3A_71 = arith.constant 0 : i32
      %dma_wait3A_72 = tpu.memref_slice %arg3[%dma_wait3A_70, %dma_wait3A_71] : memref<10000x128xf32, #tpu.memory_space<hbm>> -> memref<10000x128xf32, #tpu.memory_space<hbm>>
      tpu.wait_indirect_dma semaphore(%arg13 : memref<!tpu.dma_semaphore, #tpu.memory_space<semaphore_mem>>) src(%dma_wait3A_72 : memref<10000x128xf32, #tpu.memory_space<hbm>>) dst(%arg10 : memref<128x128xf32, #tpu.memory_space<vmem>>)
      %dma_start3A_73 = arith.constant 0 : i32
      %dma_start3A_74 = tpu.memref_slice %arg9[%mul3A_54, %dma_start3A_73] : memref<80x128xi32, #tpu.memory_space<vmem>> -> memref<1x128xi32, #tpu.memory_space<vmem>>
      %dma_start3A_75 = tpu.memref_squeeze %dma_start3A_74 : memref<1x128xi32, #tpu.memory_space<vmem>> -> memref<128xi32, #tpu.memory_space<vmem>>
      %dma_start3A_76 = arith.constant 0 : i32
      %dma_start3A_77 = arith.constant 0 : i32
      %dma_start3A_78 = tpu.memref_slice %arg12[%dma_start3A_76, %dma_start3A_77] : memref<6272x128xf32, #tpu.memory_space<vmem_shared>> -> memref<6272x128xf32, #tpu.memory_space<vmem_shared>>
      tpu.enqueue_indirect_dma source(%arg10 : memref<128x128xf32, #tpu.memory_space<vmem>>) target(%dma_start3A_78 : memref<6272x128xf32, #tpu.memory_space<vmem_shared>>) offsets(%dma_start3A_75 : memref<128xi32, #tpu.memory_space<vmem>>) semaphore(%arg15 : memref<!tpu.dma_semaphore, #tpu.memory_space<semaphore_mem>>) {add = true}
      %dma_wait3A_79 = arith.constant 0 : i32
      %dma_wait3A_80 = tpu.memref_slice %arg7[%add3A_61, %dma_wait3A_79] : memref<80x128xi32, #tpu.memory_space<vmem>> -> memref<1x128xi32, #tpu.memory_space<vmem>>
      %dma_wait3A_81 = tpu.memref_squeeze %dma_wait3A_80 : memref<1x128xi32, #tpu.memory_space<vmem>> -> memref<128xi32, #tpu.memory_space<vmem>>
      %dma_wait3A_82 = arith.constant 0 : i32
      %dma_wait3A_83 = arith.constant 0 : i32
      %dma_wait3A_84 = tpu.memref_slice %arg3[%dma_wait3A_82, %dma_wait3A_83] : memref<10000x128xf32, #tpu.memory_space<hbm>> -> memref<10000x128xf32, #tpu.memory_space<hbm>>
      tpu.wait_indirect_dma semaphore(%arg14 : memref<!tpu.dma_semaphore, #tpu.memory_space<semaphore_mem>>) src(%dma_wait3A_84 : memref<10000x128xf32, #tpu.memory_space<hbm>>) dst(%arg11 : memref<128x128xf32, #tpu.memory_space<vmem>>)
      %add3A_85 = arith.constant 1 : i32
      %add3A_86 = arith.addi %mul3A_54, %add3A_85 : i32
      "tpu.region"() ({
        %run_scoped3A = tpu.sem_alloc : memref<!tpu.dma_semaphore, #tpu.memory_space<semaphore_mem>>
        %dma_start3A_93 = arith.constant 0 : i32
        %dma_start3A_94 = tpu.memref_slice %arg9[%add3A_86, %dma_start3A_93] : memref<80x128xi32, #tpu.memory_space<vmem>> -> memref<1x128xi32, #tpu.memory_space<vmem>>
        %dma_start3A_95 = tpu.memref_squeeze %dma_start3A_94 : memref<1x128xi32, #tpu.memory_space<vmem>> -> memref<128xi32, #tpu.memory_space<vmem>>
        %dma_start3A_96 = arith.constant 0 : i32
        %dma_start3A_97 = arith.constant 0 : i32
        %dma_start3A_98 = tpu.memref_slice %arg12[%dma_start3A_96, %dma_start3A_97] : memref<6272x128xf32, #tpu.memory_space<vmem_shared>> -> memref<6272x128xf32, #tpu.memory_space<vmem_shared>>
        tpu.enqueue_indirect_dma source(%arg11 : memref<128x128xf32, #tpu.memory_space<vmem>>) target(%dma_start3A_98 : memref<6272x128xf32, #tpu.memory_space<vmem_shared>>) offsets(%dma_start3A_95 : memref<128xi32, #tpu.memory_space<vmem>>) semaphore(%run_scoped3A : memref<!tpu.dma_semaphore, #tpu.memory_space<semaphore_mem>>) {add = true}
        %dma_wait3A_99 = arith.constant 0 : i32
        %dma_wait3A_100 = tpu.memref_slice %arg9[%add3A_86, %dma_wait3A_99] : memref<80x128xi32, #tpu.memory_space<vmem>> -> memref<1x128xi32, #tpu.memory_space<vmem>>
        %dma_wait3A_101 = tpu.memref_squeeze %dma_wait3A_100 : memref<1x128xi32, #tpu.memory_space<vmem>> -> memref<128xi32, #tpu.memory_space<vmem>>
        %dma_wait3A_102 = arith.constant 0 : i32
        %dma_wait3A_103 = arith.constant 0 : i32
        %dma_wait3A_104 = tpu.memref_slice %arg12[%dma_wait3A_102, %dma_wait3A_103] : memref<6272x128xf32, #tpu.memory_space<vmem_shared>> -> memref<6272x128xf32, #tpu.memory_space<vmem_shared>>
        tpu.wait_indirect_dma semaphore(%run_scoped3A : memref<!tpu.dma_semaphore, #tpu.memory_space<semaphore_mem>>) src(%arg11 : memref<128x128xf32, #tpu.memory_space<vmem>>) dst(%dma_wait3A_104 : memref<6272x128xf32, #tpu.memory_space<vmem_shared>>)
        tpu.yield
      }) : () -> ()
      %dma_wait3A_87 = arith.constant 0 : i32
      %dma_wait3A_88 = tpu.memref_slice %arg9[%mul3A_54, %dma_wait3A_87] : memref<80x128xi32, #tpu.memory_space<vmem>> -> memref<1x128xi32, #tpu.memory_space<vmem>>
      %dma_wait3A_89 = tpu.memref_squeeze %dma_wait3A_88 : memref<1x128xi32, #tpu.memory_space<vmem>> -> memref<128xi32, #tpu.memory_space<vmem>>
      %dma_wait3A_90 = arith.constant 0 : i32
      %dma_wait3A_91 = arith.constant 0 : i32
      %dma_wait3A_92 = tpu.memref_slice %arg12[%dma_wait3A_90, %dma_wait3A_91] : memref<6272x128xf32, #tpu.memory_space<vmem_shared>> -> memref<6272x128xf32, #tpu.memory_space<vmem_shared>>
      tpu.wait_indirect_dma semaphore(%arg15 : memref<!tpu.dma_semaphore, #tpu.memory_space<semaphore_mem>>) src(%arg10 : memref<128x128xf32, #tpu.memory_space<vmem>>) dst(%dma_wait3A_92 : memref<6272x128xf32, #tpu.memory_space<vmem_shared>>)
    }
    %scan3A_43 = arith.constant 40 : i32
    %barrier3A_44 = arith.constant 0 : index
    tpu.barrier barrier_id(%barrier3A_44)
    %mul3A_45 = arith.constant 384 : i32
    %mul3A_46 = arith.muli %arg1, %mul3A_45 : i32
    %mul3A_47 = arith.constant 384 : i32
    %mul3A_48 = arith.muli %arg1, %mul3A_47 : i32
    %add3A_49 = arith.constant 6144 : i32
    %add3A_50 = arith.addi %add3A_49, %mul3A_48 : i32
    "tpu.region"() ({
      %run_scoped3A = tpu.sem_alloc : memref<!tpu.dma_semaphore, #tpu.memory_space<semaphore_mem>>
      %dma_start3A = arith.constant 0 : i32
      %dma_start3A_52 = tpu.memref_slice %arg5[%arg0, %add3A_50, %dma_start3A] : memref<2x12288x128xf32, #tpu.memory_space<hbm>> -> memref<1x384x128xf32, #tpu.memory_space<hbm>>
      %dma_start3A_53 = tpu.memref_squeeze %dma_start3A_52 : memref<1x384x128xf32, #tpu.memory_space<hbm>> -> memref<384x128xf32, #tpu.memory_space<hbm>>
      %dma_start3A_54 = arith.constant 0 : i32
      %dma_start3A_55 = tpu.memref_slice %arg12[%mul3A_46, %dma_start3A_54] : memref<6272x128xf32, #tpu.memory_space<vmem_shared>> -> memref<384x128xf32, #tpu.memory_space<vmem_shared>>
      tpu.enqueue_dma source(%dma_start3A_55 : memref<384x128xf32, #tpu.memory_space<vmem_shared>>) target(%dma_start3A_53 : memref<384x128xf32, #tpu.memory_space<hbm>>) target_semaphore(%run_scoped3A : memref<!tpu.dma_semaphore, #tpu.memory_space<semaphore_mem>>)
      %dma_wait3A = arith.constant 0 : i32
      %dma_wait3A_56 = tpu.memref_slice %arg5[%arg0, %add3A_50, %dma_wait3A] : memref<2x12288x128xf32, #tpu.memory_space<hbm>> -> memref<1x384x128xf32, #tpu.memory_space<hbm>>
      %dma_wait3A_57 = tpu.memref_squeeze %dma_wait3A_56 : memref<1x384x128xf32, #tpu.memory_space<hbm>> -> memref<384x128xf32, #tpu.memory_space<hbm>>
      %dma_wait3A_58 = arith.constant 0 : i32
      %dma_wait3A_59 = tpu.memref_slice %arg12[%mul3A_46, %dma_wait3A_58] : memref<6272x128xf32, #tpu.memory_space<vmem_shared>> -> memref<384x128xf32, #tpu.memory_space<vmem_shared>>
      tpu.wait_dma2 semaphore(%run_scoped3A : memref<!tpu.dma_semaphore, #tpu.memory_space<semaphore_mem>>) src(%dma_wait3A_59 : memref<384x128xf32, #tpu.memory_space<vmem_shared>>) dst(%dma_wait3A_57 : memref<384x128xf32, #tpu.memory_space<hbm>>)
      tpu.yield
    }) : () -> ()
    %barrier3A_51 = arith.constant 0 : index
    tpu.barrier barrier_id(%barrier3A_51)
    return
  }
}

module attributes {stable_mosaic.version = 14 : i64} {
  func.func @_enc_body(%arg0: memref<10000x128xf32, #tpu.memory_space<vmem>>, %arg1: memref<128x128xf32, #tpu.memory_space<vmem>>, %arg2: memref<2x12288x128xf32, #tpu.memory_space<vmem>>, %arg3: memref<10000x128xf32, #tpu.memory_space<vmem>>, %arg4: memref<10000x128xf32, #tpu.memory_space<vmem>>, %arg5: memref<10000x1xf32, #tpu.memory_space<vmem>>) attributes {dimension_semantics = [], scalar_prefetch = 0 : i64, scratch_operands = 0 : i64, tpu.core_type = #tpu.core_type<tc>} {
    %get3A = arith.constant 0 : index
    %get3A_0 = arith.constant 0 : index
    %get3A_1 = vector.load %arg0[%get3A, %get3A_0] : memref<10000x128xf32, #tpu.memory_space<vmem>>, vector<10000x128xf32>
    %get3A_2 = arith.constant 0 : index
    %get3A_3 = arith.constant 0 : index
    %get3A_4 = vector.load %arg1[%get3A_2, %get3A_3] : memref<128x128xf32, #tpu.memory_space<vmem>>, vector<128x128xf32>
    %dot_general3A = arith.constant dense<0.000000e+00> : vector<10000x128xf32>
    %dot_general3A_5 = tpu.matmul %get3A_1, %get3A_4, %dot_general3A {dimension_numbers = #tpu.dot_dimension_numbers<[1], [0], [0], [1], [0, 0, 1, 1], [], []>, transpose_lhs_hint = false} : vector<10000x128xf32>, vector<128x128xf32>, vector<10000x128xf32> -> vector<10000x128xf32>
    %max3A = arith.constant 0.000000e+00 : f32
    %max3A_6 = vector.broadcast %max3A : f32 to vector<10000x128xf32>
    %max3A_7 = arith.maximumf %dot_general3A_5, %max3A_6 : vector<10000x128xf32>
    %get3A_8 = arith.constant 0 : index
    %get3A_9 = arith.constant 0 : index
    %get3A_10 = arith.constant 0 : index
    %get3A_11 = vector.load %arg2[%get3A_8, %get3A_9, %get3A_10] : memref<2x12288x128xf32, #tpu.memory_space<vmem>>, vector<1x10000x1xf32>
    %get3A_12 = vector.shape_cast %get3A_11 : vector<1x10000x1xf32> to vector<10000x1xf32>
    %get3A_13 = arith.constant 1 : index
    %get3A_14 = arith.constant 0 : index
    %get3A_15 = arith.constant 0 : index
    %get3A_16 = vector.load %arg2[%get3A_13, %get3A_14, %get3A_15] : memref<2x12288x128xf32, #tpu.memory_space<vmem>>, vector<1x10000x1xf32>
    %get3A_17 = vector.shape_cast %get3A_16 : vector<1x10000x1xf32> to vector<10000x1xf32>
    %add3A = arith.addf %get3A_12, %get3A_17 : vector<10000x1xf32>
    %add3A_18 = arith.constant 1.000000e+00 : f32
    %add3A_19 = vector.broadcast %add3A_18 : f32 to vector<10000x1xf32>
    %add3A_20 = arith.addf %add3A, %add3A_19 : vector<10000x1xf32>
    %rsqrt3A = math.rsqrt %add3A_20 : vector<10000x1xf32>
    %swap3A = arith.constant 0 : index
    %swap3A_21 = arith.constant 0 : index
    %swap3A_22 = vector.load %arg3[%swap3A, %swap3A_21] : memref<10000x128xf32, #tpu.memory_space<vmem>>, vector<10000x128xf32>
    tpu.vector_store %arg3[%swap3A, %swap3A_21], %max3A_7 {strides = array<i32>} : memref<10000x128xf32, #tpu.memory_space<vmem>>, vector<10000x128xf32>,
    %mul3A = vector.broadcast %rsqrt3A : vector<10000x1xf32> to vector<10000x128xf32>
    %mul3A_23 = arith.mulf %max3A_7, %mul3A : vector<10000x128xf32>
    %swap3A_24 = arith.constant 0 : index
    %swap3A_25 = arith.constant 0 : index
    %swap3A_26 = vector.load %arg4[%swap3A_24, %swap3A_25] : memref<10000x128xf32, #tpu.memory_space<vmem>>, vector<10000x128xf32>
    tpu.vector_store %arg4[%swap3A_24, %swap3A_25], %mul3A_23 {strides = array<i32>} : memref<10000x128xf32, #tpu.memory_space<vmem>>, vector<10000x128xf32>,
    %swap3A_27 = arith.constant 0 : index
    %swap3A_28 = arith.constant 0 : index
    %swap3A_29 = vector.load %arg5[%swap3A_27, %swap3A_28] : memref<10000x1xf32, #tpu.memory_space<vmem>>, vector<10000x1xf32>
    tpu.vector_store %arg5[%swap3A_27, %swap3A_28], %rsqrt3A {strides = array<i32>} : memref<10000x1xf32, #tpu.memory_space<vmem>>, vector<10000x1xf32>,
    return
  }
}

module attributes {stable_mosaic.version = 14 : i64} {
  func.func @_layer_body(%arg0: memref<2x12288x128xf32, #tpu.memory_space<vmem>>, %arg1: memref<10000x128xf32, #tpu.memory_space<vmem>>, %arg2: memref<10000x128xf32, #tpu.memory_space<vmem>>, %arg3: memref<10000x1xf32, #tpu.memory_space<vmem>>, %arg4: memref<128x128xf32, #tpu.memory_space<vmem>>, %arg5: memref<1x128xf32, #tpu.memory_space<vmem>>, %arg6: memref<1x128xf32, #tpu.memory_space<vmem>>, %arg7: memref<1x128xf32, #tpu.memory_space<vmem>>, %arg8: memref<10000x128xf32, #tpu.memory_space<vmem>>, %arg9: memref<10000x128xf32, #tpu.memory_space<vmem>>) attributes {dimension_semantics = [], scalar_prefetch = 0 : i64, scratch_operands = 0 : i64, tpu.core_type = #tpu.core_type<tc>} {
    %get3A = arith.constant 0 : index
    %get3A_0 = arith.constant 0 : index
    %get3A_1 = arith.constant 0 : index
    %get3A_2 = vector.load %arg0[%get3A, %get3A_0, %get3A_1] : memref<2x12288x128xf32, #tpu.memory_space<vmem>>, vector<1x10000x128xf32>
    %get3A_3 = vector.shape_cast %get3A_2 : vector<1x10000x128xf32> to vector<10000x128xf32>
    %get3A_4 = arith.constant 1 : index
    %get3A_5 = arith.constant 0 : index
    %get3A_6 = arith.constant 0 : index
    %get3A_7 = vector.load %arg0[%get3A_4, %get3A_5, %get3A_6] : memref<2x12288x128xf32, #tpu.memory_space<vmem>>, vector<1x10000x128xf32>
    %get3A_8 = vector.shape_cast %get3A_7 : vector<1x10000x128xf32> to vector<10000x128xf32>
    %add3A = arith.addf %get3A_3, %get3A_8 : vector<10000x128xf32>
    %get3A_9 = arith.constant 0 : index
    %get3A_10 = arith.constant 0 : index
    %get3A_11 = vector.load %arg3[%get3A_9, %get3A_10] : memref<10000x1xf32, #tpu.memory_space<vmem>>, vector<10000x1xf32>
    %get3A_12 = arith.constant 0 : index
    %get3A_13 = arith.constant 0 : index
    %get3A_14 = vector.load %arg1[%get3A_12, %get3A_13] : memref<10000x128xf32, #tpu.memory_space<vmem>>, vector<10000x128xf32>
    %mul3A = vector.broadcast %get3A_11 : vector<10000x1xf32> to vector<10000x128xf32>
    %mul3A_15 = arith.mulf %add3A, %mul3A : vector<10000x128xf32>
    %mul3A_16 = arith.mulf %get3A_11, %get3A_11 : vector<10000x1xf32>
    %mul3A_17 = vector.broadcast %mul3A_16 : vector<10000x1xf32> to vector<10000x128xf32>
    %mul3A_18 = arith.mulf %get3A_14, %mul3A_17 : vector<10000x128xf32>
    %add3A_19 = arith.addf %mul3A_15, %mul3A_18 : vector<10000x128xf32>
    %mul3A_20 = arith.constant 5.000000e-01 : f32
    %mul3A_21 = vector.broadcast %mul3A_20 : f32 to vector<10000x128xf32>
    %mul3A_22 = arith.mulf %mul3A_21, %add3A_19 : vector<10000x128xf32>
    %mul3A_23 = arith.constant 4.000000e-01 : f32
    %mul3A_24 = vector.broadcast %mul3A_23 : f32 to vector<10000x128xf32>
    %mul3A_25 = arith.mulf %mul3A_24, %get3A_14 : vector<10000x128xf32>
    %add3A_26 = arith.addf %mul3A_22, %mul3A_25 : vector<10000x128xf32>
    %get3A_27 = arith.constant 0 : index
    %get3A_28 = arith.constant 0 : index
    %get3A_29 = vector.load %arg2[%get3A_27, %get3A_28] : memref<10000x128xf32, #tpu.memory_space<vmem>>, vector<10000x128xf32>
    %mul3A_30 = arith.constant 1.000000e-01 : f32
    %mul3A_31 = vector.broadcast %mul3A_30 : f32 to vector<10000x128xf32>
    %mul3A_32 = arith.mulf %mul3A_31, %get3A_29 : vector<10000x128xf32>
    %add3A_33 = arith.addf %add3A_26, %mul3A_32 : vector<10000x128xf32>
    %get3A_34 = arith.constant 0 : index
    %get3A_35 = arith.constant 0 : index
    %get3A_36 = vector.load %arg4[%get3A_34, %get3A_35] : memref<128x128xf32, #tpu.memory_space<vmem>>, vector<128x128xf32>
    %dot_general3A = arith.constant dense<0.000000e+00> : vector<10000x128xf32>
    %dot_general3A_37 = tpu.matmul %add3A_33, %get3A_36, %dot_general3A {dimension_numbers = #tpu.dot_dimension_numbers<[1], [0], [0], [1], [0, 0, 1, 1], [], []>, transpose_lhs_hint = false} : vector<10000x128xf32>, vector<128x128xf32>, vector<10000x128xf32> -> vector<10000x128xf32>
    %reduce_sum3A = arith.constant dense<0.000000e+00> : vector<128xf32>
    %reduce_sum3A_38 = vector.multi_reduction <add>, %dot_general3A_37, %reduce_sum3A [0] : vector<10000x128xf32> to vector<128xf32>
    %broadcast_in_dim3A = vector.shape_cast %reduce_sum3A_38 : vector<128xf32> to vector<1x128xf32>
    %div3A = arith.constant 1.000000e+04 : f32
    %div3A_39 = vector.broadcast %div3A : f32 to vector<1x128xf32>
    %div3A_40 = arith.divf %broadcast_in_dim3A, %div3A_39 : vector<1x128xf32>
    %sub3A = vector.broadcast %div3A_40 : vector<1x128xf32> to vector<10000x128xf32>
    %sub3A_41 = arith.subf %dot_general3A_37, %sub3A : vector<10000x128xf32>
    %mul3A_42 = arith.mulf %sub3A_41, %sub3A_41 : vector<10000x128xf32>
    %reduce_sum3A_43 = arith.constant dense<0.000000e+00> : vector<128xf32>
    %reduce_sum3A_44 = vector.multi_reduction <add>, %mul3A_42, %reduce_sum3A_43 [0] : vector<10000x128xf32> to vector<128xf32>
    %broadcast_in_dim3A_45 = vector.shape_cast %reduce_sum3A_44 : vector<128xf32> to vector<1x128xf32>
    %div3A_46 = arith.constant 1.000000e+04 : f32
    %div3A_47 = vector.broadcast %div3A_46 : f32 to vector<1x128xf32>
    %div3A_48 = arith.divf %broadcast_in_dim3A_45, %div3A_47 : vector<1x128xf32>
    %add3A_49 = arith.constant 9.99999974E-6 : f32
    %add3A_50 = vector.broadcast %add3A_49 : f32 to vector<1x128xf32>
    %add3A_51 = arith.addf %div3A_48, %add3A_50 : vector<1x128xf32>
    %rsqrt3A = math.rsqrt %add3A_51 : vector<1x128xf32>
    %mul3A_52 = vector.broadcast %rsqrt3A : vector<1x128xf32> to vector<10000x128xf32>
    %mul3A_53 = arith.mulf %sub3A_41, %mul3A_52 : vector<10000x128xf32>
    %get3A_54 = arith.constant 0 : index
    %get3A_55 = arith.constant 0 : index
    %get3A_56 = vector.load %arg5[%get3A_54, %get3A_55] : memref<1x128xf32, #tpu.memory_space<vmem>>, vector<1x128xf32>
    %mul3A_57 = vector.broadcast %get3A_56 : vector<1x128xf32> to vector<10000x128xf32>
    %mul3A_58 = arith.mulf %mul3A_53, %mul3A_57 : vector<10000x128xf32>
    %get3A_59 = arith.constant 0 : index
    %get3A_60 = arith.constant 0 : index
    %get3A_61 = vector.load %arg6[%get3A_59, %get3A_60] : memref<1x128xf32, #tpu.memory_space<vmem>>, vector<1x128xf32>
    %add3A_62 = vector.broadcast %get3A_61 : vector<1x128xf32> to vector<10000x128xf32>
    %add3A_63 = arith.addf %mul3A_58, %add3A_62 : vector<10000x128xf32>
    %get3A_64 = arith.constant 0 : index
    %get3A_65 = arith.constant 0 : index
    %get3A_66 = vector.load %arg7[%get3A_64, %get3A_65] : memref<1x128xf32, #tpu.memory_space<vmem>>, vector<1x128xf32>
    %sub3A_67 = vector.broadcast %get3A_66 : vector<1x128xf32> to vector<10000x128xf32>
    %sub3A_68 = arith.subf %add3A_63, %sub3A_67 : vector<10000x128xf32>
    %max3A = arith.constant 0.000000e+00 : f32
    %max3A_69 = vector.broadcast %max3A : f32 to vector<10000x128xf32>
    %max3A_70 = arith.maximumf %sub3A_68, %max3A_69 : vector<10000x128xf32>
    %add3A_71 = vector.broadcast %get3A_66 : vector<1x128xf32> to vector<10000x128xf32>
    %add3A_72 = arith.addf %max3A_70, %add3A_71 : vector<10000x128xf32>
    %swap3A = arith.constant 0 : index
    %swap3A_73 = arith.constant 0 : index
    %swap3A_74 = vector.load %arg8[%swap3A, %swap3A_73] : memref<10000x128xf32, #tpu.memory_space<vmem>>, vector<10000x128xf32>
    tpu.vector_store %arg8[%swap3A, %swap3A_73], %add3A_72 {strides = array<i32>} : memref<10000x128xf32, #tpu.memory_space<vmem>>, vector<10000x128xf32>,
    %mul3A_75 = vector.broadcast %get3A_11 : vector<10000x1xf32> to vector<10000x128xf32>
    %mul3A_76 = arith.mulf %add3A_72, %mul3A_75 : vector<10000x128xf32>
    %swap3A_77 = arith.constant 0 : index
    %swap3A_78 = arith.constant 0 : index
    %swap3A_79 = vector.load %arg9[%swap3A_77, %swap3A_78] : memref<10000x128xf32, #tpu.memory_space<vmem>>, vector<10000x128xf32>
    tpu.vector_store %arg9[%swap3A_77, %swap3A_78], %mul3A_76 {strides = array<i32>} : memref<10000x128xf32, #tpu.memory_space<vmem>>, vector<10000x128xf32>,
    return
  }
}

module attributes {stable_mosaic.version = 14 : i64} {
  func.func @_head_body(%arg0: memref<10000x128xf32, #tpu.memory_space<vmem>>, %arg1: memref<128x128xf32, #tpu.memory_space<vmem>>, %arg2: memref<10000x128xf32, #tpu.memory_space<vmem>>) attributes {dimension_semantics = [], scalar_prefetch = 0 : i64, scratch_operands = 0 : i64, tpu.core_type = #tpu.core_type<tc>} {
    %get3A = arith.constant 0 : index
    %get3A_0 = arith.constant 0 : index
    %get3A_1 = vector.load %arg0[%get3A, %get3A_0] : memref<10000x128xf32, #tpu.memory_space<vmem>>, vector<10000x128xf32>
    %get3A_2 = arith.constant 0 : index
    %get3A_3 = arith.constant 0 : index
    %get3A_4 = vector.load %arg1[%get3A_2, %get3A_3] : memref<128x128xf32, #tpu.memory_space<vmem>>, vector<128x128xf32>
    %dot_general3A = arith.constant dense<0.000000e+00> : vector<10000x128xf32>
    %dot_general3A_5 = tpu.matmul %get3A_1, %get3A_4, %dot_general3A {dimension_numbers = #tpu.dot_dimension_numbers<[1], [0], [0], [1], [0, 0, 1, 1], [], []>, transpose_lhs_hint = false} : vector<10000x128xf32>, vector<128x128xf32>, vector<10000x128xf32> -> vector<10000x128xf32>
    %swap3A = arith.constant 0 : index
    %swap3A_6 = arith.constant 0 : index
    %swap3A_7 = vector.load %arg2[%swap3A, %swap3A_6] : memref<10000x128xf32, #tpu.memory_space<vmem>>, vector<10000x128xf32>
    tpu.vector_store %arg2[%swap3A, %swap3A_6], %dot_general3A_5 {strides = array<i32>} : memref<10000x128xf32, #tpu.memory_space<vmem>>, vector<10000x128xf32>,
    return
  }
}

</mosaic_0001>

<sc_bundles>
// kernel: closed_call.13.cloned.1.call-start
scs
__scs_entry_jumppad:
0x0: {  	(pc) =	sbr.rel $0x88, $3  }
0x1: {  	(tag) =	ssettag $0x0;
	lr =	simm.s32 $0x1  }
0x2: {  	[smem:$0x3F99] =	sst lr;
	_ =	strace $0xD0000000  }
0x3: {  	_ = 	snop  }
0x4: {  	_ = 	snop  }
0x5: {  	_ = 	snop  }
0x6: {  	_ = 	snop  }
0x7: {  	_ = 	snop  }
__scs_overlays_trampoline_lowered:
0x8: {  	[smem:$0x3FA8] =	sst s0  }
0x9: {  	[smem:$0x3FA9] =	sst s1  }
0xa: {  	[smem:$0x3FAA] =	sst s2  }
0xb: {  	[smem:$0x3FAB] =	sst s3  }
0xc: {  	[smem:$0x3FAC] =	sst s4  }
0xd: {  	[smem:$0x3FAD] =	sst s5  }
0xe: {  	[smem:$0x3FAE] =	sst s6  }
0xf: {  	[smem:$0x3FAF] =	sst s7  }
0x10: {  	[smem:$0x3FB0] =	sst s8  }
0x11: {  	[smem:$0x3FB1] =	sst s9;
	s0 =	simm.s32 @!p0 $0x0  }
0x12: {  	s1 =	sld [smem:$0x3F97];
	s0 =	simm.s32 @p0 $0x1  }
0x13: {  	[smem:$0x3FB2] =	sst s0;
	s0 =	simm.s32 @!p1 $0x0  }
0x14: {  	s2 =	sld [smem:$0x3F96];
	s0 =	simm.s32 @p1 $0x1  }
0x15: {  	[smem:$0x3FB3] =	sst s0;
	s0 =	simm.s32 @!p2 $0x0  }
0x16: {  	s3 =	sld [smem:$0x3FDB];
	s0 =	simm.s32 @p2 $0x1  }
0x17: {  	s4 =	simm.s32 $0x1BF5;
	[smem:$0x3FB5] =	sst s0  }
0x18: {  	s0 =	sld [smem:$0x3F98];
	_ =	swait.ge [sflag:s4], $0x0  }
0x19: {  	s7 =	sld [smem:$0x3F99]  }
0x1a: {  	s8 =	sadd.s32 $0xFFFFE003, lr  }
0x1b: {  	s9 =	sadd.s32 $0xFFFFFEF7, lr;
	s5 =	simm.s32 $0xFFFFFFFF;
	p2 =	slt.u32 s8, $0xFFFFF086  }
0x1c: {  	p1 =	slt.u32 s9, $0xF7A;
	s5 =	simm.s32 @!p2 $0x0  }
0x1d: {  	s5 =	simm.s32 @p1 $0x1;
	p0 =	seq.s32 s7, s2  }
0x1e: {  	s7 =	smul.u32 @!p0 $0xF7A, s2;
	p2 =	seq.s32 @!p0 s5, $0x0  }
0x1f: {  	s9 =	smul.u32 $0xF7A, s1;
	s8 =	simm.s32 @!p0 $0x1BF5;
	p2 =	por !p2, p0  }
0x20: {  	[sflag:s8] =	ssyncset.s32 @!p0 $0xFFFFF086;
	s6 =	sadd.s32 @!p0 s3, s7;
	s7 =	simm.s32 @!p0 $0x108  }
0x21: {  	s3 =	sadd.s32 s3, s9;
	s6 =	sadd.s32 @!p0 $0x88, s6;
	s7 =	simm.s32 @p2 $0x1082  }
0x22: {  	[simem:s7], [sflag:s8] =	dma.local @!p0 [hbm:s6], $0xF7A  }
0x23: {  	s9 =	sor.u32 $0xD0000000, s2;
	s6 =	simm.s32 $0x108;
	_ =	swait.ge @!p0 [sflag:s8], $0x0  }
0x24: {  	s3 =	sadd.s32 $0x88, s3;
	s6 =	simm.s32 @!p1 $0x1082;
	[sflag:s4] =	ssyncset.s32 $0xFFFFF086  }
0x25: {  	[simem:s6], [sflag:s4] =	dma.local [hbm:s3], $0xF7A  }
0x26: {  	[smem:$0x3F99] =	sst s1;
	(tag) =	ssettag s2;
	_ =	strace s9  }
0x27: {  	s1 =	sld [smem:$0x3FA9]  }
0x28: {  	s2 =	sld [smem:$0x3FAA]  }
0x29: {  	s4 =	sld [smem:$0x3FAC]  }
0x2a: {  	p0 =	seq.s32 s5, $0x0;
	s5 =	sld [smem:$0x3FAD]  }
0x2b: {  	s6 =	sld [smem:$0x3FAE]  }
0x2c: {  	s7 =	sld [smem:$0x3FAF]  }
0x2d: {  	s3 =	simm.s32 $0x108;
	s8 =	sld [smem:$0x3FB0]  }
0x2e: {  	s3 =	simm.s32 @!p0 $0x1082;
	s9 =	sld [smem:$0x3FB1]  }
0x2f: {  	lr =	sadd.s32 s0, s3;
	s0 =	sld [smem:$0x3FA8]  }
0x30: {  	s3 =	sld [smem:$0x3FAB]  }
0x31: {  	[smem:$0x3FB4] =	sst s10  }
0x32: {  	s10 =	sld [smem:$0x3FB2];
	_ =	sdelay $0x3  }
0x33: {  	p0 =	seq.s32 s10, $0x1;
	s10 =	sld [smem:$0x3FB4];
	_ =	sdelay $0x3  }
0x34: {  	[smem:$0x3FB4] =	sst s10  }
0x35: {  	s10 =	sld [smem:$0x3FB3];
	_ =	sdelay $0x3  }
0x36: {  	p1 =	seq.s32 s10, $0x1;
	s10 =	sld [smem:$0x3FB4];
	_ =	sdelay $0x3  }
0x37: {  	[smem:$0x3FB4] =	sst s10  }
0x38: {  	s10 =	sld [smem:$0x3FB5]  }
0x39: {  	_ = 	snop;
	(pc) =	sbr.ind lr, $3  }
0x3a: {  	_ = 	snop  }
0x3b: {  	_ = 	snop  }
0x3c: {  	p2 =	seq.s32 s10, $0x1;
	s10 =	sld [smem:$0x3FB4]  }
0x3d: {  	_ =	shalt  }
0x3e: {  	_ =	shalt  }
0x3f: {  	_ =	shalt  }
0x40: {  	_ =	shalt  }
0x41: {  	_ =	shalt  }
0x42: {  	_ =	shalt  }
0x43: {  	_ =	shalt  }
0x44: {  	_ =	shalt  }
0x45: {  	_ =	shalt  }
0x46: {  	_ =	shalt  }
0x47: {  	_ =	shalt  }
0x48: {  	_ =	shalt  }
0x49: {  	_ =	shalt  }
0x4a: {  	_ =	shalt  }
0x4b: {  	_ =	shalt  }
0x4c: {  	_ =	shalt  }
0x4d: {  	_ =	shalt  }
0x4e: {  	_ =	shalt  }
0x4f: {  	_ =	shalt  }
0x50: {  	_ =	shalt  }
0x51: {  	_ =	shalt  }
0x52: {  	_ =	shalt  }
0x53: {  	_ =	shalt  }
0x54: {  	_ =	shalt  }
0x55: {  	_ =	shalt  }
0x56: {  	_ =	shalt  }
0x57: {  	_ =	shalt  }
0x58: {  	_ =	shalt  }
0x59: {  	_ =	shalt  }
0x5a: {  	_ =	shalt  }
0x5b: {  	_ =	shalt  }
0x5c: {  	_ =	shalt  }
0x5d: {  	_ =	shalt  }
0x5e: {  	_ =	shalt  }
0x5f: {  	_ =	shalt  }
0x60: {  	_ =	shalt  }
0x61: {  	_ =	shalt  }
0x62: {  	_ =	shalt  }
0x63: {  	_ =	shalt  }
0x64: {  	_ =	shalt  }
0x65: {  	_ =	shalt  }
0x66: {  	_ =	shalt  }
0x67: {  	_ =	shalt  }
0x68: {  	_ =	shalt  }
0x69: {  	_ =	shalt  }
0x6a: {  	_ =	shalt  }
0x6b: {  	_ =	shalt  }
0x6c: {  	_ =	shalt  }
0x6d: {  	_ =	shalt  }
0x6e: {  	_ =	shalt  }
0x6f: {  	_ =	shalt  }
0x70: {  	_ =	shalt  }
0x71: {  	_ =	shalt  }
0x72: {  	_ =	shalt  }
0x73: {  	_ =	shalt  }
0x74: {  	_ =	shalt  }
0x75: {  	_ =	shalt  }
0x76: {  	_ =	shalt  }
0x77: {  	_ =	shalt  }
0x78: {  	_ =	shalt  }
0x79: {  	_ =	shalt  }
0x7a: {  	_ =	shalt  }
0x7b: {  	_ =	shalt  }
0x7c: {  	_ =	shalt  }
0x7d: {  	_ =	shalt  }
0x7e: {  	_ =	shalt  }
0x7f: {  	_ =	shalt  }
0x80: {  	_ =	shalt  }
0x81: {  	_ =	shalt  }
0x82: {  	_ =	shalt  }
0x83: {  	_ =	shalt  }
0x84: {  	_ =	shalt  }
0x85: {  	_ =	shalt  }
0x86: {  	_ =	shalt  }
0x87: {  	_ =	shalt  }
.Lfunc_end0:
.L_simem_size_0:
called_computation_lowered:
.L_overlay_start_0:
0x88: {  	s2 =	sld [smem:$0x3FD9]  }
0x89: {  	s3 =	sld [smem:$0x3FFE];
	_ =	sdelay $0x1  }
0x8a: {  	s1 =	srdreg.scid  }
0x8b: {  	s0 =	sand.u32 $0x1, s1  }
0x8c: {  	s17 =	sshll.u32 s0, $0xA;
	s2 =	sadd.s32 s3, s2  }
0x8d: {  	s2 =	sadd.s32 s2, s17  }
0x8e: {  	[smem:$0x3FC0] =	sst s2  }
0x8f: {  	_ = 	snop  }
0x90: {  	s2 =	sld [smem:$0x3FD0];
	(tm) =	ssettm $0x1  }
0x91: {  	s18 =	sld [smem:$0x3FFB];
	_ =	sdelay $0x3  }
0x92: {  	_ =	strace s18  }
0x93: {  	s3 =	sld [smem:$0x3FFC];
	_ =	sdelay $0x3  }
0x94: {  	_ =	strace s3  }
0x95: {  	s3 =	sld [smem:$0x3FFD];
	_ =	sdelay $0x3  }
0x96: {  	_ =	strace s3  }
0x97: {  	_ =	strace $0x8FFFFFFF  }
0x98: {  	s19 =	sld [smem:$0x3FDB];
	_ =	sdelay $0x1  }
0x99: {  	s4 =	simm.s32 $_scs_section_size  }
0x9a: {  	s5 =	simm.s32 $_size__tile_overlayer_lowered;
	s6 =	simm.s32 $_tile_overlayer_lowered  }
0x9b: {  	s22 =	simm.s32 $0x1BFF;
	s21 =	sshll.u32 s6, $0x1;
	s3 =	sadd.s32 s4, s19  }
0x9c: {  	s7 =	simm.s32 $0x0;
	s20 =	sshll.u32 s5, $0x1;
	s5 =	sadd.s32 s21, s3  }
0x9d: {  	[timem:s7], [sflag:s22] =	dma.local [hbm:s5], s20  }
0x9e: {  	_ =	swait.ge [sflag:s22], s20  }
0x9f: {  	s4 =	ssub.s32 $0x0, s20;
	[sflag:s22] =	ssyncset.done $0x0  }
0xa0: {  	[sflag:s22] =	ssyncadd.s32 s4;
	_ =	sdelay $0x1  }
0xa1: {  	s23 =	simm.s32 $0x1B8B  }
0xa2: {  	_ =	swait.ge [sflag:s23], $0x1  }
0xa3: {  	[sflag:s23] =	ssyncset.done $0x0  }
0xa4: {  	s25 =	simm.s32 $0x1B8E;
	s24 =	sld [smem:$0x3FFE];
	[sflag:s23] =	ssyncadd.s32 $0xFFFFFFFF  }
0xa5: {  	s26 =	simm.s32 $execute0_lowered;
	[smem:$0x3FD2] =	sst s25  }
0xa6: {  	s5 =	sshll.u32 s26, $0x1;
	_ =	strace $0x80000049;
	[dreg:$0x1] =	wrdreg $0xFFFFFFFF  }
0xa7: {  	s28 =	simm.s32 $_size_execute0_lowered;
	s3 =	sadd.s32 s3, s5;
	[dreg:$0x0] =	wrdreg $0x0  }
0xa8: {  	s5 =	sshll.u32 s28, $0x1;
	[dreg:$0x2] =	wrdreg s3  }
0xa9: {  	[dreg:$0x3] =	wrdreg s5  }
0xaa: {  	[dreg:$0x4] =	wrdreg $0xC0  }
0xab: {  	_ =	task [dreg:s7], $0x5FFFF  }
0xac: {  	[dreg:$0x1] =	wrdreg $0xFFFFFFFF  }
0xad: {  	[dreg:$0x0] =	wrdreg $0x60  }
0xae: {  	[dreg:$0x2] =	wrdreg s24  }
0xaf: {  	[dreg:$0x3] =	wrdreg s2  }
0xb0: {  	[dreg:$0x4] =	wrdreg $0x120000  }
0xb1: {  	[dreg:$0x5] =	wrdreg $0x9  }
0xb2: {  	_ =	task.clear_ibuf [dreg:s7], $0x6FFFF;
	_ =	strace $0x90000049  }
0xb3: {  	s29 =	simm.s32 $0x9;
	_ =	strace $0x8000004B  }
0xb4: {  	_ =	swait.ge [sflag:s29], $0x1  }
0xb5: {  	[sflag:s29] =	ssyncadd.s32 $0xFFFFFFFF  }
0xb6: {  	_ =	strace $0x9000004B  }
0xb7: {  	_ =	sfence  }
0xb8: {  	s30 =	sld [smem:$0x0];
	_ =	sdelay $0x2  }
0xb9: {  	s31 =	sshll.u32 s1, $0xD;
	s1 =	sshrl.u32 s1, $0x2  }
0xba: {  	s3 =	sand.u32 $0x4000, s31;
	s1 =	sadd.s32 s1, s30  }
0xbb: {  	s0 =	sor.u32 s3, s0;
	s1 =	sshll.u32 s1, $0x11  }
0xbc: {  	s0 =	sor.u32 s1, s0  }
0xbd: {  	s0 =	sadd.s32 $0x8F2B, s0  }
0xbe: {  	[sflag:s0] =	ssyncadd.remote.s32 $0x1  }
0xbf: {  	_ =	sfence.sel $0xFFFF  }
0xc0: {  	[dreg:$0x0] =	wrdreg $0xFFFFFFFF;
	(pc) =	sbr.abs _section_cstart, $3  }
0xc1: {  	[dreg:$0x1] =	wrdreg $0xFFFFFFFF  }
0xc2: {  	_ =	task.clear_ibuf [dreg:s7], $0x2FFFF;
	_ =	strace $0x9FFFFFFF  }
0xc3: {  	(tm) =	ssettm $0x7FFFFFFF  }
tec
execute0_lowered:
.L_overlay_start_1:
0x0: {  	(tag) =	ssettag $0x1  }
0x1: {  	s6 =	rddreg [dreg:$0x0]  }
0x2: {  	s2 =	rddreg [dreg:$0x1]  }
0x3: {  	s0 =	srdreg.scid;
	s3 =	rddreg [dreg:$0x2]  }
0x4: {  	s1 =	rddreg [dreg:$0x3];
	s7 =	sand.u32 $0x1, s0  }
0x5: {  	s4 =	simm.s32 $0x0;
	s0 =	stileid.u32;
	s5 =	smul.u32 $0x28000, s7  }
0x6: {  	s18 =	simm.s32 $0xA000;
	s19 =	simm.s32 $0xE000;
	s8 =	smul.u32 $0x2800, s0  }
0x7: {  	s20 =	simm.s32 $0x1;
	s21 =	simm.s32 $0x2;
	s26 =	smul.u32 $0x180000, s7  }
0x8: {  	s22 =	simm.s32 $0x3;
	[smem:$0x7FF] =	sst s4;
	s9 =	smul.u32 $0xC000, s0  }
0x9: {  	s23 =	simm.s32 $0x0;
	_ =	strace $0x8000004A;
	s28 =	smul.u32 $0x31000, s0  }
0xa: {  	s7 =	ssub.s32 $0x2, s7;
	s12 =	smul.u32 $0x30000, s0;
	s31 =	sshll.u32 s0, $0x6  }
0xb: {  	s11 =	sshrl.u32 s7, $0x1;
	s5 =	sadd.s32 s8, s5;
	s8 =	sadd.s32 s9, s26  }
0xc: {  	s11 =	ssub.s32 s7, s11;
	s29 =	sshrl.u32 s28, $0x2;
	s30 =	sshrl.u32 s12, $0x2  }
0xd: {  	s12 =	sor.u32 $0x1C04, s31;
	s5 =	sshrl.u32 s5, $0x3;
	s8 =	sshrl.u32 s8, $0x3  }
0xe: {  	s14 =	sadd.s32 s29, s3;
	s10 =	sadd.s32 s5, s6;
	s5 =	sadd.s32 $0xB800, s6  }
0xf: {  	s13 =	sadd.s32 s8, s6;
	s16 =	sadd.s32 $0xC000, s14;
	s8 =	sadd.s32 s30, s3  }
0x10: {  	s15 =	sadd.s32 $0x4000, s14;
	s17 =	sadd.s32 $0x8000, s14;
	s6 =	sadd.s32 $0x1800, s10  }
0x11: {  	s7 =	sadd.s32 $0xC000, s13;
	s9 =	sadd.s32 $0x24000, s13;
	s10 =	smax.u32 s11, $0x1  }
0x12: {  	s11 =	simm.s32 $0x4;
	s13 =	sshrl.u32 s14, $0x3;
	s14 =	sshrl.u32 s15, $0x3  }
0x13: {  	s15 =	sshrl.u32 s17, $0x3;
	s16 =	sshrl.u32 s16, $0x3;
	s17 =	simm.s32 $0x80  }
.LBB2_1:
0x14: {  	[tilespmem:s4], [sflag:$0x4] =	stream.linear.gather [hbm4b:s6+s4], $0x2800, $0x38;
	[tilespmem:$0x1E400] =	vst v63  }
0x15: {  	_ =	swait.ge [sflag:s11], $0x2800  }
0x16: {  	[sflag:s11] =	ssyncset.done $0x0  }
0x17: {  	s25 =	simm.s32 $0x0;
	[sflag:s11] =	ssyncadd.s32 $0xFFFFD800  }
0x18: {  	v3 =	vld [tilespmem:s25+$0x70]  }
0x19: {  	v6 =	vld [tilespmem:s25+$0x0]  }
0x1a: {  	v7 =	vld [tilespmem:s25+$0x10]  }
0x1b: {  	v1 =	vld [tilespmem:s25+$0x20]  }
0x1c: {  	v0 =	vld [tilespmem:s25+$0x30]  }
0x1d: {  	v2 =	vld [tilespmem:s25+$0x40];
	_ =	sdelay $0x2  }
0x1e: {  	v5 =	vshra.s32 v3, $0xE;
	v21 =	vand.u32 $0x3FFF, v3  }
0x1f: {  	v22 =	vshra.s32 v6, $0xE;
	v23 =	vshra.s32 v7, $0xE;
	v26 =	vshra.s32 v1, $0xE  }
0x20: {  	v12 =	vshra.s32 v0, $0xE;
	v11 =	vshra.s32 v2, $0xE;
	v8 =	vand.u32 $0x7F, v5  }
0x21: {  	vm0 =	vlt.s32 v5, $0x1800;
	v9 =	vadd.s32 $0xFFFFE800, v5;
	vm1 =	vgt.s32 v5, $0x17FF  }
0x22: {  	v13 =	vand.u32 $0x7F, v23;
	v14 =	vand.u32 $0x7F, v26;
	v15 =	vand.u32 $0x7F, v12  }
0x23: {  	v17 =	vand.u32 $0x7F, v11;
	v25 =	vadd.s32 $0xFFFFE800, v22;
	vm9 =	vlt.s32 v22, $0x1800  }
0x24: {  	vm10 =	vgt.s32 v22, $0x17FF;
	v29 =	vadd.s32 $0xFFFFE800, v23;
	vm11 =	vlt.s32 v23, $0x1800  }
0x25: {  	v4 =	vld [tilespmem:s25+$0x60];
	vm12 =	vgt.s32 v23, $0x17FF;
	v30 =	vadd.s32 $0xFFFFE800, v26;
	vm13 =	vlt.s32 v26, $0x1800  }
0x26: {  	v3 =	vld [tilespmem:s25+$0x50];
	vm14 =	vgt.s32 v26, $0x17FF;
	v20 =	vadd.s32 $0xFFFFE800, v12;
	vm8 =	vlt.s32 v12, $0x1800  }
0x27: {  	vm6 =	vgt.s32 v12, $0x17FF;
	vm7 =	vlt.s32 v11, $0x1800;
	vm5 =	vgt.s32 v11, $0x17FF  }
0x28: {  	v8 =	vor.u32 $0x1800, v8;
	v27 =	vor.u32 $0x1800, v13;
	v28 =	vor.u32 $0x1800, v14  }
0x29: {  	v16 =	vor.u32 $0x1800, v15;
	v15 =	vor.u32 $0x1800, v17;
	v18 =	vsel vm1, v9, v8  }
0x2a: {  	[tilespmem:s25+$0x2870] =	vst v21;
	v9 =	vand.u32 $0x7F, v22;
	v23 =	vsel vm11, v23, v27;
	v21 =	vsel vm14, v30, v28  }
0x2b: {  	v24 =	vor.u32 $0x1800, v9;
	v9 =	vshra.s32 v4, $0xE;
	v10 =	vshra.s32 v3, $0xE  }
0x2c: {  	[tilespmem:s25+$0x7870] =	vst v18;
	v19 =	vand.u32 $0x7F, v9;
	v18 =	vadd.s32 $0xFFFFE800, v9;
	vm4 =	vlt.s32 v9, $0x1800  }
0x2d: {  	vm2 =	vgt.s32 v9, $0x17FF;
	v22 =	vsel vm9, v22, v24;
	v25 =	vsel vm10, v25, v24  }
0x2e: {  	v24 =	vsel vm12, v29, v27;
	v13 =	vand.u32 $0x7F, v10;
	v17 =	vadd.s32 $0xFFFFE800, v10  }
0x2f: {  	vm3 =	vlt.s32 v10, $0x1800;
	vm1 =	vgt.s32 v10, $0x17FF;
	[tilespmem:s25+$0x5000] =	vst v22;
	v22 =	vsel vm13, v26, v28  }
0x30: {  	s24 =	simm.s32 $0x80;
	s26 =	simm.s32 $0x400;
	v14 =	vor.u32 $0x1800, v13;
	v13 =	vor.u32 $0x1800, v19;
	v19 =	vadd.s32 $0xFFFFE800, v11  }
.LBB2_2:
0x31: {  	p0 =	seq.s32 s26, $0x9E00;
	v26 =	vld [tilespmem:s24+$0x70];
	[tilespmem:s25+$0x7800] =	vst v25;
	v12 =	vsel vm8, v12, v16;
	v16 =	vsel vm6, v20, v16;
	v11 =	vsel vm7, v11, v15  }
0x32: {  	v15 =	vsel vm5, v19, v15;
	v10 =	vsel vm3, v10, v14;
	v14 =	vsel vm1, v17, v14;
	v20 =	vld [tilespmem:s24+$0x0];
	[tilespmem:s25+$0x5010] =	vst v23  }
0x33: {  	v19 =	vsel vm4, v9, v13;
	v13 =	vsel vm2, v18, v13;
	v18 =	vsel vm0, v5, v8;
	v17 =	vld [tilespmem:s24+$0x10];
	[tilespmem:s25+$0x7810] =	vst v24  }
0x34: {  	v25 =	vand.u32 $0x3FFF, v1;
	v23 =	vand.u32 $0x3FFF, v6;
	v24 =	vand.u32 $0x3FFF, v7;
	v1 =	vld [tilespmem:s24+$0x20];
	[tilespmem:s25+$0x5020] =	vst v22  }
0x35: {  	v27 =	vand.u32 $0x3FFF, v3;
	v22 =	vand.u32 $0x3FFF, v2;
	[tilespmem:s25+$0x7820] =	vst v21;
	v21 =	vand.u32 $0x3FFF, v0;
	v0 =	vld [tilespmem:s24+$0x30]  }
0x36: {  	v28 =	vand.u32 $0x3FFF, v4;
	v2 =	vld [tilespmem:s24+$0x40];
	v5 =	vshra.s32 v26, $0xE;
	v26 =	vand.u32 $0x3FFF, v26;
	[tilespmem:s25+$0x5030] =	vst v12  }
0x37: {  	v29 =	vshra.s32 v20, $0xE;
	v3 =	vld [tilespmem:s24+$0x50];
	v12 =	vand.u32 $0x7F, v5;
	vm0 =	vlt.s32 v5, $0x1800;
	[tilespmem:s25+$0x7830] =	vst v16;
	v6 =	vmovc v20  }
0x38: {  	v9 =	vadd.s32 $0xFFFFE800, v5;
	vm1 =	vgt.s32 v5, $0x17FF;
	v4 =	vld [tilespmem:s24+$0x60];
	v8 =	vor.u32 $0x1800, v12;
	[tilespmem:s25+$0x5040] =	vst v11;
	v7 =	vmovc v17  }
0x39: {  	v30 =	vshra.s32 v7, $0xE;
	v31 =	vshra.s32 v1, $0xE;
	v9 =	vsel vm1, v9, v8;
	[tilespmem:s25+$0x7840] =	vst v15  }
0x3a: {  	v15 =	vand.u32 $0x7F, v29;
	v16 =	vand.u32 $0x7F, v30;
	v12 =	vshra.s32 v0, $0xE;
	[tilespmem:s24+$0x7870] =	vst v9  }
0x3b: {  	v17 =	vand.u32 $0x7F, v31;
	v20 =	vand.u32 $0x7F, v12;
	v11 =	vshra.s32 v2, $0xE;
	[tilespmem:s25+$0x5050] =	vst v10  }
0x3c: {  	v32 =	vor.u32 $0x1800, v15;
	v15 =	vand.u32 $0x7F, v11;
	v10 =	vshra.s32 v3, $0xE;
	[tilespmem:s25+$0x7850] =	vst v14  }
0x3d: {  	v33 =	vor.u32 $0x1800, v16;
	v14 =	vand.u32 $0x7F, v10;
	v9 =	vshra.s32 v4, $0xE;
	[tilespmem:s25+$0x5060] =	vst v19  }
0x3e: {  	v34 =	vor.u32 $0x1800, v17;
	v16 =	vor.u32 $0x1800, v20;
	v17 =	vand.u32 $0x7F, v9;
	[tilespmem:s25+$0x7860] =	vst v13  }
0x3f: {  	v15 =	vor.u32 $0x1800, v15;
	v14 =	vor.u32 $0x1800, v14;
	v13 =	vor.u32 $0x1800, v17;
	[tilespmem:s25+$0x5070] =	vst v18  }
0x40: {  	v35 =	vadd.s32 $0xFFFFE800, v29;
	vm10 =	vlt.s32 v29, $0x1800;
	vm11 =	vgt.s32 v29, $0x17FF;
	[tilespmem:s25+$0x2800] =	vst v23  }
0x41: {  	v36 =	vadd.s32 $0xFFFFE800, v30;
	vm14 =	vlt.s32 v30, $0x1800;
	vm9 =	vgt.s32 v30, $0x17FF;
	[tilespmem:s25+$0x2810] =	vst v24  }
0x42: {  	v37 =	vadd.s32 $0xFFFFE800, v31;
	vm12 =	vlt.s32 v31, $0x1800;
	vm13 =	vgt.s32 v31, $0x17FF;
	[tilespmem:s25+$0x2820] =	vst v25  }
0x43: {  	vm8 =	vlt.s32 v12, $0x1800;
	vm6 =	vgt.s32 v12, $0x17FF;
	v20 =	vadd.s32 $0xFFFFE800, v12;
	[tilespmem:s25+$0x2830] =	vst v21  }
.Ltmp0:
0x44: {  	vm7 =	vlt.s32 v11, $0x1800;
	vm5 =	vgt.s32 v11, $0x17FF;
	v19 =	vadd.s32 $0xFFFFE800, v11;
	[tilespmem:s25+$0x2840] =	vst v22;
	(pc) =	sbr.rel @!p0 .LBB2_2-.Ltmp0, $4  }
0x45: {  	vm3 =	vlt.s32 v10, $0x1800;
	vm1 =	vgt.s32 v10, $0x17FF;
	v17 =	vadd.s32 $0xFFFFE800, v10;
	[tilespmem:s25+$0x2850] =	vst v27  }
0x46: {  	vm4 =	vlt.s32 v9, $0x1800;
	vm2 =	vgt.s32 v9, $0x17FF;
	v18 =	vadd.s32 $0xFFFFE800, v9;
	[tilespmem:s25+$0x2860] =	vst v28;
	s25 =	smov.u32 s24  }
0x47: {  	v23 =	vsel vm14, v30, v33;
	v25 =	vsel vm11, v35, v32;
	v21 =	vsel vm10, v29, v32;
	[tilespmem:s25+$0x2870] =	vst v26  }
0x48: {  	v24 =	vsel vm9, v36, v33;
	v22 =	vsel vm12, v31, v34;
	s24 =	sshra.s32 s26, $0x2;
	s26 =	sadd.s32 $0x200, s26;
	[tilespmem:s25+$0x5000] =	vst v21;
	v21 =	vsel vm13, v37, v34  }
0x49: {  	v26 =	vld [tilespmem:s24+$0x70];
	[tilespmem:s25+$0x7800] =	vst v25  }
0x4a: {  	v25 =	vld [tilespmem:s24+$0x0];
	[tilespmem:s25+$0x5010] =	vst v23  }
0x4b: {  	v23 =	vld [tilespmem:s24+$0x10];
	[tilespmem:s25+$0x7810] =	vst v24  }
0x4c: {  	v24 =	vld [tilespmem:s24+$0x20];
	[tilespmem:s25+$0x5020] =	vst v22  }
0x4d: {  	v12 =	vsel vm8, v12, v16;
	v22 =	vld [tilespmem:s24+$0x30];
	[tilespmem:s25+$0x7820] =	vst v21  }
0x4e: {  	v59 =	vsel vm6, v20, v16;
	v21 =	vld [tilespmem:s24+$0x40];
	[tilespmem:s25+$0x5030] =	vst v12;
	v60 =	vshra.s32 v26, $0xE  }
0x4f: {  	v11 =	vsel vm7, v11, v15;
	v61 =	vsel vm5, v19, v15;
	v16 =	vld [tilespmem:s24+$0x50];
	[tilespmem:s25+$0x7830] =	vst v59;
	v62 =	vand.u32 $0x7F, v60  }
0x50: {  	v27 =	vadd.s32 $0xFFFFE800, v60;
	vm12 =	vgt.s32 v60, $0x17FF;
	v19 =	vld [tilespmem:s24+$0x60];
	v15 =	vor.u32 $0x1800, v62;
	[tilespmem:s25+$0x5040] =	vst v11  }
0x51: {  	[tilespmem:s25+$0x7840] =	vst v61;
	v63 =	vsel vm12, v27, v15  }
0x52: {  	v10 =	vsel vm3, v10, v14;
	[tilespmem:s24+$0x7870] =	vst v63  }
0x53: {  	v17 =	vsel vm1, v17, v14;
	[tilespmem:s25+$0x5050] =	vst v10  }
0x54: {  	v9 =	vsel vm4, v9, v13;
	[tilespmem:s25+$0x7850] =	vst v17  }
0x55: {  	v18 =	vsel vm2, v18, v13;
	[tilespmem:s25+$0x5060] =	vst v9  }
0x56: {  	v5 =	vsel vm0, v5, v8;
	[tilespmem:s25+$0x7860] =	vst v18  }
0x57: {  	v6 =	vand.u32 $0x3FFF, v6;
	[tilespmem:s25+$0x5070] =	vst v5  }
0x58: {  	v7 =	vand.u32 $0x3FFF, v7;
	[tilespmem:s25+$0x2800] =	vst v6  }
0x59: {  	v1 =	vand.u32 $0x3FFF, v1;
	[tilespmem:s25+$0x2810] =	vst v7  }
0x5a: {  	v0 =	vand.u32 $0x3FFF, v0;
	[tilespmem:s25+$0x2820] =	vst v1  }
0x5b: {  	v2 =	vand.u32 $0x3FFF, v2;
	[tilespmem:s25+$0x2830] =	vst v0  }
0x5c: {  	v3 =	vand.u32 $0x3FFF, v3;
	[tilespmem:s25+$0x2840] =	vst v2  }
0x5d: {  	v4 =	vand.u32 $0x3FFF, v4;
	[tilespmem:s25+$0x2850] =	vst v3  }
0x5e: {  	v26 =	vand.u32 $0x3FFF, v26;
	v57 =	vand.u32 $0x3FFF, v25;
	[tilespmem:s25+$0x2860] =	vst v4  }
0x5f: {  	v28 =	vshra.s32 v23, $0xE;
	v58 =	vand.u32 $0x3FFF, v23;
	v27 =	vshra.s32 v25, $0xE;
	[tilespmem:s24+$0x2870] =	vst v26  }
0x60: {  	v29 =	vshra.s32 v24, $0xE;
	v31 =	vand.u32 $0x7F, v28;
	vm15 =	vlt.s32 v28, $0x1800;
	[tilespmem:s24+$0x2800] =	vst v57  }
0x61: {  	v42 =	vadd.s32 $0xFFFFE800, v28;
	v59 =	vand.u32 $0x3FFF, v24;
	v30 =	vand.u32 $0x7F, v27;
	[tilespmem:s24+$0x2810] =	vst v58  }
0x62: {  	vm13 =	vlt.s32 v27, $0x1800;
	v9 =	vor.u32 $0x1800, v30;
	v61 =	vand.u32 $0x3FFF, v21;
	[tilespmem:s24+$0x2820] =	vst v59  }
0x63: {  	v40 =	vadd.s32 $0xFFFFE800, v27;
	vm14 =	vgt.s32 v27, $0x17FF;
	v6 =	vsel vm13, v27, v9;
	[tilespmem:s24+$0x2840] =	vst v61  }
0x64: {  	vm4 =	vgt.s32 v28, $0x17FF;
	v1 =	vor.u32 $0x1800, v31;
	v4 =	vsel vm14, v40, v9;
	[tilespmem:s24+$0x5000] =	vst v6  }
0x65: {  	v32 =	vshra.s32 v22, $0xE;
	v33 =	vand.u32 $0x7F, v29;
	v7 =	vsel vm15, v28, v1;
	[tilespmem:s24+$0x7800] =	vst v4  }
0x66: {  	vm5 =	vlt.s32 v29, $0x1800;
	v41 =	vor.u32 $0x1800, v33;
	v1 =	vsel vm4, v42, v1;
	[tilespmem:s24+$0x5010] =	vst v7  }
0x67: {  	v43 =	vadd.s32 $0xFFFFE800, v29;
	vm6 =	vgt.s32 v29, $0x17FF;
	v44 =	vsel vm5, v29, v41;
	[tilespmem:s24+$0x7810] =	vst v1  }
0x68: {  	v34 =	vand.u32 $0x7F, v32;
	v35 =	vshra.s32 v21, $0xE;
	v62 =	vand.u32 $0x3FFF, v16;
	[tilespmem:s24+$0x5020] =	vst v44  }
0x69: {  	vm7 =	vlt.s32 v32, $0x1800;
	v0 =	vor.u32 $0x1800, v34;
	v4 =	vsel vm6, v43, v41;
	[tilespmem:s24+$0x2850] =	vst v62  }
0x6a: {  	v46 =	vadd.s32 $0xFFFFE800, v32;
	vm8 =	vgt.s32 v32, $0x17FF;
	v47 =	vsel vm7, v32, v0;
	[tilespmem:s24+$0x7820] =	vst v4  }
0x6b: {  	v36 =	vand.u32 $0x7F, v35;
	vm15 =	vlt.s32 v60, $0x1800;
	v0 =	vsel vm8, v46, v0;
	[tilespmem:s24+$0x5030] =	vst v47  }
0x6c: {  	v37 =	vshra.s32 v16, $0xE;
	vm9 =	vlt.s32 v35, $0x1800;
	v56 =	vsel vm15, v60, v15;
	[tilespmem:s24+$0x7830] =	vst v0  }
0x6d: {  	v48 =	vadd.s32 $0xFFFFE800, v35;
	vm10 =	vgt.s32 v35, $0x17FF;
	v60 =	vand.u32 $0x3FFF, v22;
	[tilespmem:s24+$0x5070] =	vst v56  }
0x6e: {  	v38 =	vand.u32 $0x7F, v37;
	v2 =	vor.u32 $0x1800, v36;
	v63 =	vand.u32 $0x3FFF, v19;
	[tilespmem:s24+$0x2830] =	vst v60  }
0x6f: {  	v39 =	vshra.s32 v19, $0xE;
	vm11 =	vlt.s32 v37, $0x1800;
	v49 =	vsel vm9, v35, v2;
	[tilespmem:s24+$0x2860] =	vst v63  }
0x70: {  	v51 =	vadd.s32 $0xFFFFE800, v37;
	v50 =	vor.u32 $0x1800, v38;
	v2 =	vsel vm10, v48, v2;
	[tilespmem:s24+$0x5040] =	vst v49  }
0x71: {  	vm12 =	vgt.s32 v37, $0x17FF;
	v45 =	vand.u32 $0x7F, v39;
	v52 =	vsel vm11, v37, v50;
	[tilespmem:s24+$0x7840] =	vst v2  }
0x72: {  	vm13 =	vlt.s32 v39, $0x1800;
	v1 =	vor.u32 $0x1800, v45;
	v0 =	vsel vm12, v51, v50;
	[tilespmem:s24+$0x5050] =	vst v52  }
0x73: {  	v53 =	vadd.s32 $0xFFFFE800, v39;
	vm14 =	vgt.s32 v39, $0x17FF;
	v54 =	vsel vm13, v39, v1;
	[tilespmem:s24+$0x7850] =	vst v0  }
0x74: {  	v55 =	vsel vm14, v53, v1;
	[tilespmem:s24+$0x5060] =	vst v54  }
0x75: {  	[tilespmem:s24+$0x7860] =	vst v55  }
0x76: {  	[spmem:s13], [sflag:s12] =	dma.local [hbm:s5], $0x800  }
0x77: {  	_ =	swait.ge [sflag:s11], $0x800  }
0x78: {  	[sflag:s11] =	ssyncset.done $0x0  }
0x79: {  	[sflag:s11] =	ssyncadd.s32 $0xFFFFF800  }
0x7a: {  	[spmem:s14], [sflag:s12] =	dma.local [hbm:s5], $0x800  }
0x7b: {  	_ =	swait.ge [sflag:s11], $0x800  }
0x7c: {  	[sflag:s11] =	ssyncset.done $0x0  }
0x7d: {  	[sflag:s11] =	ssyncadd.s32 $0xFFFFF800  }
0x7e: {  	[spmem:s15], [sflag:s12] =	dma.local [hbm:s5], $0x800  }
0x7f: {  	_ =	swait.ge [sflag:s11], $0x800  }
0x80: {  	[sflag:s11] =	ssyncset.done $0x0  }
0x81: {  	[sflag:s11] =	ssyncadd.s32 $0xFFFFF800  }
0x82: {  	[spmem:s16], [sflag:s12] =	dma.local [hbm:s5], $0x80  }
0x83: {  	_ =	swait.ge [sflag:s11], $0x80  }
0x84: {  	[sflag:s11] =	ssyncset.done $0x0  }
0x85: {  	[sflag:s11] =	ssyncadd.s32 $0xFFFFFF80  }
0x86: {  	s28 =	simm.s32 $0x2800;
	[bflag:$0x0] =	sbarrier.arrive $0xFFFF  }
0x87: {  	[tilespmem:s18], [sflag:$0x1] =	stream.indirect.gather [hbm4b:s2+s17], $0x80, s28, s17, $0xb8;
	[tilespmem:$0x1E400] =	vst v63  }
0x88: {  	s29 =	simm.s32 $0x2880  }
0x89: {  	[tilespmem:s19], [sflag:$0x2] =	stream.indirect.gather [hbm4b:s2+s17], $0x80, s29, s17, $0xb8;
	[tilespmem:$0x1E400] =	vst v63  }
0x8a: {  	_ =	swait.ge [sflag:s20], $0x4000  }
0x8b: {  	[sflag:s20] =	ssyncset.done $0x0  }
0x8c: {  	s30 =	simm.s32 $0x5000;
	[sflag:s20] =	ssyncadd.s32 $0xFFFFC000  }
0x8d: {  	[spmem:s3] =	stream.indirect.scatter.add.f32 [tilespmem:s18], [sflag:$0x3], $0x80, s30, s17, $0xb8;
	[tilespmem:$0x1E400] =	vst v63  }
0x8e: {  	_ =	swait.ge [sflag:s21], $0x4000  }
0x8f: {  	[sflag:s21] =	ssyncset.done $0x0  }
0x90: {  	s31 =	simm.s32 $0x5080;
	[sflag:s21] =	ssyncadd.s32 $0xFFFFC000  }
0x91: {  	[spmem:s3] =	stream.indirect.scatter.add.f32 [tilespmem:s19], [sflag:$0x4], $0x80, s31, s17, $0xb8;
	[tilespmem:$0x1E400] =	vst v63  }
0x92: {  	_ =	swait.ge [sflag:s11], $0x4000  }
0x93: {  	[sflag:s11] =	ssyncset.done $0x0  }
0x94: {  	[sflag:s11] =	ssyncadd.s32 $0xFFFFC000  }
0x95: {  	_ =	swait.ge [sflag:s22], $0x4000  }
0x96: {  	s25 =	simm.s32 $0x800;
	s24 =	simm.s32 $0x100;
	[sflag:s22] =	ssyncset.done $0x0  }
.LBB2_4:
0x97: {  	s26 =	sadd.s32 $0x2800, s24  }
0x98: {  	[sflag:s22] =	ssyncadd.s32 $0xFFFFC000;
	s28 =	smov.u32 s25;
	s29 =	sadd.s32 $0x400, s25  }
0x99: {  	[tilespmem:s18], [sflag:$0x1] =	stream.indirect.gather [hbm4b:s2+s17], $0x80, s26, s17, $0xb8;
	[tilespmem:$0x1E400] =	vst v63  }
0x9a: {  	p0 =	sne.s32 s25, $0x9C00;
	s25 =	sadd.s32 $0x2880, s24  }
0x9b: {  	[tilespmem:s19], [sflag:$0x2] =	stream.indirect.gather [hbm4b:s2+s17], $0x80, s25, s17, $0xb8;
	[tilespmem:$0x1E400] =	vst v63  }
0x9c: {  	_ =	swait.ge [sflag:s20], $0x4000  }
0x9d: {  	[sflag:s20] =	ssyncset.done $0x0  }
0x9e: {  	s25 =	sadd.s32 $0x5000, s24;
	[sflag:s20] =	ssyncadd.s32 $0xFFFFC000  }
0x9f: {  	[spmem:s3] =	stream.indirect.scatter.add.f32 [tilespmem:s18], [sflag:$0x3], $0x80, s25, s17, $0xb8;
	[tilespmem:$0x1E400] =	vst v63  }
0xa0: {  	_ =	swait.ge [sflag:s21], $0x4000  }
0xa1: {  	[sflag:s21] =	ssyncset.done $0x0  }
0xa2: {  	s24 =	sadd.s32 $0x5080, s24;
	[sflag:s21] =	ssyncadd.s32 $0xFFFFC000  }
0xa3: {  	[spmem:s3] =	stream.indirect.scatter.add.f32 [tilespmem:s19], [sflag:$0x4], $0x80, s24, s17, $0xb8;
	[tilespmem:$0x1E400] =	vst v63  }
.Ltmp1:
0xa4: {  	_ =	swait.ge [sflag:s11], $0x4000;
	(pc) =	sbr.rel @p0 .LBB2_4-.Ltmp1, $4  }
0xa5: {  	[sflag:s11] =	ssyncset.done $0x0  }
0xa6: {  	[sflag:s11] =	ssyncadd.s32 $0xFFFFC000  }
0xa7: {  	_ =	swait.ge [sflag:s22], $0x4000  }
0xa8: {  	s25 =	smov.u32 s29;
	s24 =	sshra.s32 s28, $0x2;
	[sflag:s22] =	ssyncset.done $0x0  }
0xa9: {  	s25 =	sadd.s32 $0x2800, s24;
	[sflag:s22] =	ssyncadd.s32 $0xFFFFC000  }
0xaa: {  	[tilespmem:s18], [sflag:$0x1] =	stream.indirect.gather [hbm4b:s2+s17], $0x80, s25, s17, $0xb8;
	[tilespmem:$0x1E400] =	vst v63  }
0xab: {  	s30 =	sadd.s32 $0x2880, s24  }
0xac: {  	[tilespmem:s19], [sflag:$0x2] =	stream.indirect.gather [hbm4b:s2+s17], $0x80, s30, s17, $0xb8;
	[tilespmem:$0x1E400] =	vst v63  }
0xad: {  	_ =	swait.ge [sflag:s20], $0x4000  }
0xae: {  	[sflag:s20] =	ssyncset.done $0x0  }
0xaf: {  	s31 =	sadd.s32 $0x5000, s24;
	[sflag:s20] =	ssyncadd.s32 $0xFFFFC000  }
0xb0: {  	[spmem:s3] =	stream.indirect.scatter.add.f32 [tilespmem:s18], [sflag:$0x3], $0x80, s31, s17, $0xb8;
	[tilespmem:$0x1E400] =	vst v63  }
0xb1: {  	_ =	swait.ge [sflag:s21], $0x4000  }
0xb2: {  	[sflag:s21] =	ssyncset.done $0x0  }
0xb3: {  	s26 =	sadd.s32 $0x5080, s24;
	[sflag:s21] =	ssyncadd.s32 $0xFFFFC000  }
0xb4: {  	[spmem:s3] =	stream.indirect.scatter.add.f32 [tilespmem:s19], [sflag:$0x4], $0x80, s26, s17, $0xb8;
	[tilespmem:$0x1E400] =	vst v63  }
0xb5: {  	_ =	swait.ge [sflag:s11], $0x4000  }
0xb6: {  	[sflag:s11] =	ssyncset.done $0x0  }
0xb7: {  	[sflag:s11] =	ssyncadd.s32 $0xFFFFC000  }
0xb8: {  	_ =	swait.ge [sflag:s22], $0x4000  }
0xb9: {  	[sflag:s22] =	ssyncset.done $0x0  }
0xba: {  	[sflag:s22] =	ssyncadd.s32 $0xFFFFC000  }
0xbb: {  	s24 =	sshrl.u32 s8, $0x3;
	[bflag:$0x0] =	sbarrier.arrive $0xFFFF  }
0xbc: {  	[hbm:s7], [sflag:s12] =	dma.local [spmem:s24], $0x1800  }
0xbd: {  	_ =	swait.ge [sflag:s11], $0x1800  }
0xbe: {  	[sflag:s11] =	ssyncset.done $0x0  }
0xbf: {  	[sflag:s11] =	ssyncadd.s32 $0xFFFFE800  }
0xc0: {  	[bflag:$0x0] =	sbarrier.arrive $0xFFFF  }
0xc1: {  	[spmem:s13], [sflag:s12] =	dma.local [hbm:s5], $0x800  }
0xc2: {  	_ =	swait.ge [sflag:s11], $0x800  }
0xc3: {  	[sflag:s11] =	ssyncset.done $0x0  }
0xc4: {  	[sflag:s11] =	ssyncadd.s32 $0xFFFFF800  }
0xc5: {  	[spmem:s14], [sflag:s12] =	dma.local [hbm:s5], $0x800  }
0xc6: {  	_ =	swait.ge [sflag:s11], $0x800  }
0xc7: {  	[sflag:s11] =	ssyncset.done $0x0  }
0xc8: {  	[sflag:s11] =	ssyncadd.s32 $0xFFFFF800  }
0xc9: {  	[spmem:s15], [sflag:s12] =	dma.local [hbm:s5], $0x800  }
0xca: {  	_ =	swait.ge [sflag:s11], $0x800  }
0xcb: {  	[sflag:s11] =	ssyncset.done $0x0  }
0xcc: {  	[sflag:s11] =	ssyncadd.s32 $0xFFFFF800  }
0xcd: {  	[spmem:s16], [sflag:s12] =	dma.local [hbm:s5], $0x80  }
0xce: {  	_ =	swait.ge [sflag:s11], $0x80  }
0xcf: {  	[sflag:s11] =	ssyncset.done $0x0  }
0xd0: {  	[sflag:s11] =	ssyncadd.s32 $0xFFFFFF80  }
0xd1: {  	s28 =	simm.s32 $0x2800;
	[bflag:$0x0] =	sbarrier.arrive $0xFFFF  }
0xd2: {  	[tilespmem:s18], [sflag:$0x1] =	stream.indirect.gather [hbm4b:s2+s17], $0x80, s28, s17, $0xb8;
	[tilespmem:$0x1E400] =	vst v63  }
0xd3: {  	s29 =	simm.s32 $0x2880  }
0xd4: {  	[tilespmem:s19], [sflag:$0x2] =	stream.indirect.gather [hbm4b:s2+s17], $0x80, s29, s17, $0xb8;
	[tilespmem:$0x1E400] =	vst v63  }
0xd5: {  	_ =	swait.ge [sflag:s20], $0x4000  }
0xd6: {  	[sflag:s20] =	ssyncset.done $0x0  }
0xd7: {  	s30 =	simm.s32 $0x7800;
	[sflag:s20] =	ssyncadd.s32 $0xFFFFC000  }
0xd8: {  	[spmem:s3] =	stream.indirect.scatter.add.f32 [tilespmem:s18], [sflag:$0x3], $0x80, s30, s17, $0xb8;
	[tilespmem:$0x1E400] =	vst v63  }
0xd9: {  	_ =	swait.ge [sflag:s21], $0x4000  }
0xda: {  	[sflag:s21] =	ssyncset.done $0x0  }
0xdb: {  	s31 =	simm.s32 $0x7880;
	[sflag:s21] =	ssyncadd.s32 $0xFFFFC000  }
0xdc: {  	[spmem:s3] =	stream.indirect.scatter.add.f32 [tilespmem:s19], [sflag:$0x4], $0x80, s31, s17, $0xb8;
	[tilespmem:$0x1E400] =	vst v63  }
0xdd: {  	_ =	swait.ge [sflag:s11], $0x4000  }
0xde: {  	[sflag:s11] =	ssyncset.done $0x0  }
0xdf: {  	[sflag:s11] =	ssyncadd.s32 $0xFFFFC000  }
0xe0: {  	_ =	swait.ge [sflag:s22], $0x4000  }
0xe1: {  	s25 =	simm.s32 $0x100;
	s26 =	simm.s32 $0x800;
	[sflag:s22] =	ssyncset.done $0x0  }
.LBB2_6:
0xe2: {  	s28 =	sadd.s32 $0x2800, s25  }
0xe3: {  	[sflag:s22] =	ssyncadd.s32 $0xFFFFC000;
	s29 =	smov.u32 s26;
	s30 =	sadd.s32 $0x400, s26  }
0xe4: {  	[tilespmem:s18], [sflag:$0x1] =	stream.indirect.gather [hbm4b:s2+s17], $0x80, s28, s17, $0xb8;
	[tilespmem:$0x1E400] =	vst v63  }
0xe5: {  	p0 =	sne.s32 s26, $0x9C00;
	s26 =	sadd.s32 $0x2880, s25  }
0xe6: {  	[tilespmem:s19], [sflag:$0x2] =	stream.indirect.gather [hbm4b:s2+s17], $0x80, s26, s17, $0xb8;
	[tilespmem:$0x1E400] =	vst v63  }
0xe7: {  	_ =	swait.ge [sflag:s20], $0x4000  }
0xe8: {  	[sflag:s20] =	ssyncset.done $0x0  }
0xe9: {  	s26 =	sadd.s32 $0x7800, s25;
	[sflag:s20] =	ssyncadd.s32 $0xFFFFC000  }
0xea: {  	[spmem:s3] =	stream.indirect.scatter.add.f32 [tilespmem:s18], [sflag:$0x3], $0x80, s26, s17, $0xb8;
	[tilespmem:$0x1E400] =	vst v63  }
0xeb: {  	_ =	swait.ge [sflag:s21], $0x4000  }
0xec: {  	[sflag:s21] =	ssyncset.done $0x0  }
0xed: {  	s25 =	sadd.s32 $0x7880, s25;
	[sflag:s21] =	ssyncadd.s32 $0xFFFFC000  }
0xee: {  	[spmem:s3] =	stream.indirect.scatter.add.f32 [tilespmem:s19], [sflag:$0x4], $0x80, s25, s17, $0xb8;
	[tilespmem:$0x1E400] =	vst v63  }
.Ltmp2:
0xef: {  	_ =	swait.ge [sflag:s11], $0x4000;
	(pc) =	sbr.rel @p0 .LBB2_6-.Ltmp2, $4  }
0xf0: {  	[sflag:s11] =	ssyncset.done $0x0  }
0xf1: {  	[sflag:s11] =	ssyncadd.s32 $0xFFFFC000  }
0xf2: {  	_ =	swait.ge [sflag:s22], $0x4000  }
0xf3: {  	s26 =	smov.u32 s30;
	s25 =	sshra.s32 s29, $0x2;
	[sflag:s22] =	ssyncset.done $0x0  }
0xf4: {  	s26 =	sadd.s32 $0x2800, s25;
	[sflag:s22] =	ssyncadd.s32 $0xFFFFC000  }
0xf5: {  	[tilespmem:s18], [sflag:$0x1] =	stream.indirect.gather [hbm4b:s2+s17], $0x80, s26, s17, $0xb8;
	[tilespmem:$0x1E400] =	vst v63  }
0xf6: {  	s29 =	sadd.s32 $0x2880, s25  }
0xf7: {  	[tilespmem:s19], [sflag:$0x2] =	stream.indirect.gather [hbm4b:s2+s17], $0x80, s29, s17, $0xb8;
	[tilespmem:$0x1E400] =	vst v63  }
0xf8: {  	_ =	swait.ge [sflag:s20], $0x4000  }
0xf9: {  	[sflag:s20] =	ssyncset.done $0x0  }
0xfa: {  	s30 =	sadd.s32 $0x7800, s25;
	[sflag:s20] =	ssyncadd.s32 $0xFFFFC000  }
0xfb: {  	[spmem:s3] =	stream.indirect.scatter.add.f32 [tilespmem:s18], [sflag:$0x3], $0x80, s30, s17, $0xb8;
	[tilespmem:$0x1E400] =	vst v63  }
0xfc: {  	_ =	swait.ge [sflag:s21], $0x4000  }
0xfd: {  	[sflag:s21] =	ssyncset.done $0x0  }
0xfe: {  	s31 =	sadd.s32 $0x7880, s25;
	[sflag:s21] =	ssyncadd.s32 $0xFFFFC000  }
0xff: {  	[spmem:s3] =	stream.indirect.scatter.add.f32 [tilespmem:s19], [sflag:$0x4], $0x80, s31, s17, $0xb8;
	[tilespmem:$0x1E400] =	vst v63  }
0x100: {  	_ =	swait.ge [sflag:s11], $0x4000  }
0x101: {  	[sflag:s11] =	ssyncset.done $0x0  }
0x102: {  	[sflag:s11] =	ssyncadd.s32 $0xFFFFC000  }
0x103: {  	_ =	swait.ge [sflag:s22], $0x4000  }
0x104: {  	[sflag:s22] =	ssyncset.done $0x0  }
0x105: {  	s23 =	sadd.s32 $0x1, s23;
	[sflag:s22] =	ssyncadd.s32 $0xFFFFC000  }
0x106: {  	p0 =	sne.s32 s23, s10;
	[bflag:$0x0] =	sbarrier.arrive $0xFFFF  }
0x107: {  	[hbm:s9], [sflag:s12] =	dma.local [spmem:s24], $0x1800  }
.Ltmp3:
0x108: {  	_ =	swait.ge [sflag:s11], $0x1800;
	(pc) =	sbr.rel @p0 .LBB2_1-.Ltmp3, $3  }
0x109: {  	[sflag:s11] =	ssyncset.done $0x0  }
0x10a: {  	[sflag:s11] =	ssyncadd.s32 $0xFFFFE800  }
0x10b: {  	[bflag:$0x0] =	sbarrier.arrive $0xFFFF;
	_ =	sdelay $0x1  }
0x10c: {  	_ =	sfence.sel $0x180000  }
0x10d: {  	[bflag:$0x0] =	sbarrier.arrive $0xFFFF  }
0x10e: {  	p0 =	sne.s32 s0, $0x0;
	_ =	strace $0x9000004A  }
0x10f: {  	s0 =	sadd.s32 @!p0 $0x100000, s1;
	[bflag:$0x2] =	sbarrier.arrive $0xFFFF  }
0x110: {  	[sflag:s0] =	ssyncadd.tile.s32 @!p0 $0x1;
	_ =	shalt  }
.Lfunc_end2:
_tile_overlayer_lowered:
.L_overlay_start_2:
0x111: {  	(tag) =	ssettag $0x2  }
0x112: {  	s0 =	rddreg [dreg:$0x0];
	s2 =	stileid.u32  }
0x113: {  	s1 =	rddreg [dreg:$0x1];
	p0 =	sne.s32 s2, $0x0  }
0x114: {  	s3 =	rddreg [dreg:$0x2];
	[bflag:$0x3] =	sbarrier.arrive $0xFFFF;
	s2 =	simm.s32 @!p0 $0x1C04  }
0x115: {  	[timem:s3], [sflag:s2] =	dma.local @!p0 [hbm:s0], s1  }
0x116: {  	s0 =	simm.s32 @!p0 $0x4  }
0x117: {  	_ =	swait.ge @!p0 [sflag:s0], s1  }
0x118: {  	s1 =	ssub.s32 @!p0 $0x0, s1;
	[sflag:s0] =	ssyncset.done @!p0 $0x0  }
0x119: {  	[sflag:s0] =	ssyncadd.s32 @!p0 s1  }
0x11a: {  	[bflag:$0x3] =	sbarrier.arrive $0xFFFF  }
0x11b: {  	_ =	shalt  }

// kernel: kernel.5.cloned.1.call-start
scs
__scs_entry_jumppad:
0x0: {  	(pc) =	sbr.rel $0x88, $3  }
0x1: {  	(tag) =	ssettag $0x0;
	lr =	simm.s32 $0x1  }
0x2: {  	[smem:$0x3F99] =	sst lr;
	_ =	strace $0xD0000000  }
0x3: {  	_ = 	snop  }
0x4: {  	_ = 	snop  }
0x5: {  	_ = 	snop  }
0x6: {  	_ = 	snop  }
0x7: {  	_ = 	snop  }
__scs_overlays_trampoline_lowered:
0x8: {  	[smem:$0x3FA8] =	sst s0  }
0x9: {  	[smem:$0x3FA9] =	sst s1  }
0xa: {  	[smem:$0x3FAA] =	sst s2  }
0xb: {  	[smem:$0x3FAB] =	sst s3  }
0xc: {  	[smem:$0x3FAC] =	sst s4  }
0xd: {  	[smem:$0x3FAD] =	sst s5  }
0xe: {  	[smem:$0x3FAE] =	sst s6  }
0xf: {  	[smem:$0x3FAF] =	sst s7  }
0x10: {  	[smem:$0x3FB0] =	sst s8  }
0x11: {  	[smem:$0x3FB1] =	sst s9;
	s0 =	simm.s32 @!p0 $0x0  }
0x12: {  	s1 =	sld [smem:$0x3F97];
	s0 =	simm.s32 @p0 $0x1  }
0x13: {  	[smem:$0x3FB2] =	sst s0;
	s0 =	simm.s32 @!p1 $0x0  }
0x14: {  	s2 =	sld [smem:$0x3F96];
	s0 =	simm.s32 @p1 $0x1  }
0x15: {  	[smem:$0x3FB3] =	sst s0;
	s0 =	simm.s32 @!p2 $0x0  }
0x16: {  	s3 =	sld [smem:$0x3FDB];
	s0 =	simm.s32 @p2 $0x1  }
0x17: {  	s4 =	simm.s32 $0x1BF5;
	[smem:$0x3FB5] =	sst s0  }
0x18: {  	s0 =	sld [smem:$0x3F98];
	_ =	swait.ge [sflag:s4], $0x0  }
0x19: {  	s7 =	sld [smem:$0x3F99]  }
0x1a: {  	s8 =	sadd.s32 $0xFFFFE003, lr  }
0x1b: {  	s9 =	sadd.s32 $0xFFFFFEF7, lr;
	s5 =	simm.s32 $0xFFFFFFFF;
	p2 =	slt.u32 s8, $0xFFFFF086  }
0x1c: {  	p1 =	slt.u32 s9, $0xF7A;
	s5 =	simm.s32 @!p2 $0x0  }
0x1d: {  	s5 =	simm.s32 @p1 $0x1;
	p0 =	seq.s32 s7, s2  }
0x1e: {  	s7 =	smul.u32 @!p0 $0xF7A, s2;
	p2 =	seq.s32 @!p0 s5, $0x0  }
0x1f: {  	s9 =	smul.u32 $0xF7A, s1;
	s8 =	simm.s32 @!p0 $0x1BF5;
	p2 =	por !p2, p0  }
0x20: {  	[sflag:s8] =	ssyncset.s32 @!p0 $0xFFFFF086;
	s6 =	sadd.s32 @!p0 s3, s7;
	s7 =	simm.s32 @!p0 $0x108  }
0x21: {  	s3 =	sadd.s32 s3, s9;
	s6 =	sadd.s32 @!p0 $0x88, s6;
	s7 =	simm.s32 @p2 $0x1082  }
0x22: {  	[simem:s7], [sflag:s8] =	dma.local @!p0 [hbm:s6], $0xF7A  }
0x23: {  	s9 =	sor.u32 $0xD0000000, s2;
	s6 =	simm.s32 $0x108;
	_ =	swait.ge @!p0 [sflag:s8], $0x0  }
0x24: {  	s3 =	sadd.s32 $0x88, s3;
	s6 =	simm.s32 @!p1 $0x1082;
	[sflag:s4] =	ssyncset.s32 $0xFFFFF086  }
0x25: {  	[simem:s6], [sflag:s4] =	dma.local [hbm:s3], $0xF7A  }
0x26: {  	[smem:$0x3F99] =	sst s1;
	(tag) =	ssettag s2;
	_ =	strace s9  }
0x27: {  	s1 =	sld [smem:$0x3FA9]  }
0x28: {  	s2 =	sld [smem:$0x3FAA]  }
0x29: {  	s4 =	sld [smem:$0x3FAC]  }
0x2a: {  	p0 =	seq.s32 s5, $0x0;
	s5 =	sld [smem:$0x3FAD]  }
0x2b: {  	s6 =	sld [smem:$0x3FAE]  }
0x2c: {  	s7 =	sld [smem:$0x3FAF]  }
0x2d: {  	s3 =	simm.s32 $0x108;
	s8 =	sld [smem:$0x3FB0]  }
0x2e: {  	s3 =	simm.s32 @!p0 $0x1082;
	s9 =	sld [smem:$0x3FB1]  }
0x2f: {  	lr =	sadd.s32 s0, s3;
	s0 =	sld [smem:$0x3FA8]  }
0x30: {  	s3 =	sld [smem:$0x3FAB]  }
0x31: {  	[smem:$0x3FB4] =	sst s10  }
0x32: {  	s10 =	sld [smem:$0x3FB2];
	_ =	sdelay $0x3  }
0x33: {  	p0 =	seq.s32 s10, $0x1;
	s10 =	sld [smem:$0x3FB4];
	_ =	sdelay $0x3  }
0x34: {  	[smem:$0x3FB4] =	sst s10  }
0x35: {  	s10 =	sld [smem:$0x3FB3];
	_ =	sdelay $0x3  }
0x36: {  	p1 =	seq.s32 s10, $0x1;
	s10 =	sld [smem:$0x3FB4];
	_ =	sdelay $0x3  }
0x37: {  	[smem:$0x3FB4] =	sst s10  }
0x38: {  	s10 =	sld [smem:$0x3FB5]  }
0x39: {  	_ = 	snop;
	(pc) =	sbr.ind lr, $3  }
0x3a: {  	_ = 	snop  }
0x3b: {  	_ = 	snop  }
0x3c: {  	p2 =	seq.s32 s10, $0x1;
	s10 =	sld [smem:$0x3FB4]  }
0x3d: {  	_ =	shalt  }
0x3e: {  	_ =	shalt  }
0x3f: {  	_ =	shalt  }
0x40: {  	_ =	shalt  }
0x41: {  	_ =	shalt  }
0x42: {  	_ =	shalt  }
0x43: {  	_ =	shalt  }
0x44: {  	_ =	shalt  }
0x45: {  	_ =	shalt  }
0x46: {  	_ =	shalt  }
0x47: {  	_ =	shalt  }
0x48: {  	_ =	shalt  }
0x49: {  	_ =	shalt  }
0x4a: {  	_ =	shalt  }
0x4b: {  	_ =	shalt  }
0x4c: {  	_ =	shalt  }
0x4d: {  	_ =	shalt  }
0x4e: {  	_ =	shalt  }
0x4f: {  	_ =	shalt  }
0x50: {  	_ =	shalt  }
0x51: {  	_ =	shalt  }
0x52: {  	_ =	shalt  }
0x53: {  	_ =	shalt  }
0x54: {  	_ =	shalt  }
0x55: {  	_ =	shalt  }
0x56: {  	_ =	shalt  }
0x57: {  	_ =	shalt  }
0x58: {  	_ =	shalt  }
0x59: {  	_ =	shalt  }
0x5a: {  	_ =	shalt  }
0x5b: {  	_ =	shalt  }
0x5c: {  	_ =	shalt  }
0x5d: {  	_ =	shalt  }
0x5e: {  	_ =	shalt  }
0x5f: {  	_ =	shalt  }
0x60: {  	_ =	shalt  }
0x61: {  	_ =	shalt  }
0x62: {  	_ =	shalt  }
0x63: {  	_ =	shalt  }
0x64: {  	_ =	shalt  }
0x65: {  	_ =	shalt  }
0x66: {  	_ =	shalt  }
0x67: {  	_ =	shalt  }
0x68: {  	_ =	shalt  }
0x69: {  	_ =	shalt  }
0x6a: {  	_ =	shalt  }
0x6b: {  	_ =	shalt  }
0x6c: {  	_ =	shalt  }
0x6d: {  	_ =	shalt  }
0x6e: {  	_ =	shalt  }
0x6f: {  	_ =	shalt  }
0x70: {  	_ =	shalt  }
0x71: {  	_ =	shalt  }
0x72: {  	_ =	shalt  }
0x73: {  	_ =	shalt  }
0x74: {  	_ =	shalt  }
0x75: {  	_ =	shalt  }
0x76: {  	_ =	shalt  }
0x77: {  	_ =	shalt  }
0x78: {  	_ =	shalt  }
0x79: {  	_ =	shalt  }
0x7a: {  	_ =	shalt  }
0x7b: {  	_ =	shalt  }
0x7c: {  	_ =	shalt  }
0x7d: {  	_ =	shalt  }
0x7e: {  	_ =	shalt  }
0x7f: {  	_ =	shalt  }
0x80: {  	_ =	shalt  }
0x81: {  	_ =	shalt  }
0x82: {  	_ =	shalt  }
0x83: {  	_ =	shalt  }
0x84: {  	_ =	shalt  }
0x85: {  	_ =	shalt  }
0x86: {  	_ =	shalt  }
0x87: {  	_ =	shalt  }
.Lfunc_end0:
.L_simem_size_0:
called_computation.1_lowered:
.L_overlay_start_0:
0x88: {  	s2 =	sld [smem:$0x3FD9]  }
0x89: {  	s3 =	sld [smem:$0x3FFE];
	_ =	sdelay $0x1  }
0x8a: {  	s1 =	srdreg.scid  }
0x8b: {  	s0 =	sand.u32 $0x1, s1  }
0x8c: {  	s17 =	sshll.u32 s0, $0xA;
	s2 =	sadd.s32 s3, s2  }
0x8d: {  	s2 =	sadd.s32 s2, s17  }
0x8e: {  	[smem:$0x3FC0] =	sst s2  }
0x8f: {  	_ = 	snop  }
0x90: {  	s2 =	sld [smem:$0x3FD0];
	(tm) =	ssettm $0x1  }
0x91: {  	s18 =	sld [smem:$0x3FFB];
	_ =	sdelay $0x3  }
0x92: {  	_ =	strace s18  }
0x93: {  	s3 =	sld [smem:$0x3FFC];
	_ =	sdelay $0x3  }
0x94: {  	_ =	strace s3  }
0x95: {  	s3 =	sld [smem:$0x3FFD];
	_ =	sdelay $0x3  }
0x96: {  	_ =	strace s3  }
0x97: {  	_ =	strace $0x8FFFFFFF  }
0x98: {  	s19 =	sld [smem:$0x3FDB];
	_ =	sdelay $0x1  }
0x99: {  	s4 =	simm.s32 $_scs_section_size  }
0x9a: {  	s5 =	simm.s32 $_size__tile_overlayer_lowered;
	s6 =	simm.s32 $_tile_overlayer_lowered  }
0x9b: {  	s22 =	simm.s32 $0x1BFF;
	s21 =	sshll.u32 s6, $0x1;
	s3 =	sadd.s32 s4, s19  }
0x9c: {  	s7 =	simm.s32 $0x0;
	s20 =	sshll.u32 s5, $0x1;
	s5 =	sadd.s32 s21, s3  }
0x9d: {  	[timem:s7], [sflag:s22] =	dma.local [hbm:s5], s20  }
0x9e: {  	_ =	swait.ge [sflag:s22], s20  }
0x9f: {  	s4 =	ssub.s32 $0x0, s20;
	[sflag:s22] =	ssyncset.done $0x0  }
0xa0: {  	[sflag:s22] =	ssyncadd.s32 s4;
	_ =	sdelay $0x1  }
0xa1: {  	s23 =	simm.s32 $0x1B8B  }
0xa2: {  	_ =	swait.ge [sflag:s23], $0x1  }
0xa3: {  	[sflag:s23] =	ssyncset.done $0x0  }
0xa4: {  	s25 =	simm.s32 $0x1B8E;
	s24 =	sld [smem:$0x3FFE];
	[sflag:s23] =	ssyncadd.s32 $0xFFFFFFFF  }
0xa5: {  	s26 =	simm.s32 $execute0_lowered;
	[smem:$0x3FD2] =	sst s25  }
0xa6: {  	s5 =	sshll.u32 s26, $0x1;
	_ =	strace $0x80000046;
	[dreg:$0x1] =	wrdreg $0xFFFFFFFF  }
0xa7: {  	s28 =	simm.s32 $_size_execute0_lowered;
	s3 =	sadd.s32 s3, s5;
	[dreg:$0x0] =	wrdreg $0x0  }
0xa8: {  	s5 =	sshll.u32 s28, $0x1;
	[dreg:$0x2] =	wrdreg s3  }
0xa9: {  	[dreg:$0x3] =	wrdreg s5  }
0xaa: {  	[dreg:$0x4] =	wrdreg $0xC0  }
0xab: {  	_ =	task [dreg:s7], $0x5FFFF  }
0xac: {  	[dreg:$0x1] =	wrdreg $0xFFFFFFFF  }
0xad: {  	[dreg:$0x0] =	wrdreg $0x60  }
0xae: {  	[dreg:$0x2] =	wrdreg s24  }
0xaf: {  	[dreg:$0x3] =	wrdreg s2  }
0xb0: {  	[dreg:$0x4] =	wrdreg $0x120000  }
0xb1: {  	[dreg:$0x5] =	wrdreg $0x9  }
0xb2: {  	_ =	task.clear_ibuf [dreg:s7], $0x6FFFF;
	_ =	strace $0x90000046  }
0xb3: {  	s29 =	simm.s32 $0x9;
	_ =	strace $0x80000048  }
0xb4: {  	_ =	swait.ge [sflag:s29], $0x1  }
0xb5: {  	[sflag:s29] =	ssyncadd.s32 $0xFFFFFFFF  }
0xb6: {  	_ =	strace $0x90000048  }
0xb7: {  	_ =	sfence  }
0xb8: {  	s30 =	sld [smem:$0x0];
	_ =	sdelay $0x2  }
0xb9: {  	s31 =	sshll.u32 s1, $0xD;
	s1 =	sshrl.u32 s1, $0x2  }
0xba: {  	s3 =	sand.u32 $0x4000, s31;
	s1 =	sadd.s32 s1, s30  }
0xbb: {  	s0 =	sor.u32 s3, s0;
	s1 =	sshll.u32 s1, $0x11  }
0xbc: {  	s0 =	sor.u32 s1, s0  }
0xbd: {  	s0 =	sadd.s32 $0x8F2B, s0  }
0xbe: {  	[sflag:s0] =	ssyncadd.remote.s32 $0x1  }
0xbf: {  	_ =	sfence.sel $0xFFFF  }
0xc0: {  	[dreg:$0x0] =	wrdreg $0xFFFFFFFF;
	(pc) =	sbr.abs _section_cstart, $3  }
0xc1: {  	[dreg:$0x1] =	wrdreg $0xFFFFFFFF  }
0xc2: {  	_ =	task.clear_ibuf [dreg:s7], $0x2FFFF;
	_ =	strace $0x9FFFFFFF  }
0xc3: {  	(tm) =	ssettm $0x7FFFFFFF  }
tec
execute0_lowered:
.L_overlay_start_1:
0x0: {  	(tag) =	ssettag $0x1  }
0x1: {  	s6 =	rddreg [dreg:$0x0]  }
0x2: {  	s2 =	rddreg [dreg:$0x1]  }
0x3: {  	s0 =	srdreg.scid;
	s3 =	rddreg [dreg:$0x2]  }
0x4: {  	s1 =	rddreg [dreg:$0x3];
	s7 =	sand.u32 $0x1, s0  }
0x5: {  	s4 =	simm.s32 $0x0;
	s0 =	stileid.u32;
	s5 =	smul.u32 $0x28000, s7  }
0x6: {  	s18 =	simm.s32 $0xA000;
	s19 =	simm.s32 $0xE000;
	s8 =	smul.u32 $0x2800, s0  }
0x7: {  	s20 =	simm.s32 $0x1;
	s21 =	simm.s32 $0x2;
	s26 =	smul.u32 $0x180000, s7  }
0x8: {  	s22 =	simm.s32 $0x3;
	[smem:$0x7FF] =	sst s4;
	s9 =	smul.u32 $0xC000, s0  }
0x9: {  	s23 =	simm.s32 $0x0;
	_ =	strace $0x80000047;
	s28 =	smul.u32 $0x31000, s0  }
0xa: {  	s7 =	ssub.s32 $0x2, s7;
	s12 =	smul.u32 $0x30000, s0;
	s31 =	sshll.u32 s0, $0x6  }
0xb: {  	s11 =	sshrl.u32 s7, $0x1;
	s5 =	sadd.s32 s8, s5;
	s8 =	sadd.s32 s9, s26  }
0xc: {  	s11 =	ssub.s32 s7, s11;
	s29 =	sshrl.u32 s28, $0x2;
	s30 =	sshrl.u32 s12, $0x2  }
0xd: {  	s12 =	sor.u32 $0x1C04, s31;
	s5 =	sshrl.u32 s5, $0x3;
	s8 =	sshrl.u32 s8, $0x3  }
0xe: {  	s14 =	sadd.s32 s29, s3;
	s10 =	sadd.s32 s5, s6;
	s5 =	sadd.s32 $0xB800, s6  }
0xf: {  	s13 =	sadd.s32 s8, s6;
	s16 =	sadd.s32 $0xC000, s14;
	s8 =	sadd.s32 s30, s3  }
0x10: {  	s15 =	sadd.s32 $0x4000, s14;
	s17 =	sadd.s32 $0x8000, s14;
	s6 =	sadd.s32 $0x1800, s10  }
0x11: {  	s7 =	sadd.s32 $0xC000, s13;
	s9 =	sadd.s32 $0x24000, s13;
	s10 =	smax.u32 s11, $0x1  }
0x12: {  	s11 =	simm.s32 $0x4;
	s13 =	sshrl.u32 s14, $0x3;
	s14 =	sshrl.u32 s15, $0x3  }
0x13: {  	s15 =	sshrl.u32 s17, $0x3;
	s16 =	sshrl.u32 s16, $0x3;
	s17 =	simm.s32 $0x80  }
.LBB2_1:
0x14: {  	[tilespmem:s4], [sflag:$0x4] =	stream.linear.gather [hbm4b:s6+s4], $0x2800, $0x38;
	[tilespmem:$0x1E400] =	vst v63  }
0x15: {  	_ =	swait.ge [sflag:s11], $0x2800  }
0x16: {  	[sflag:s11] =	ssyncset.done $0x0  }
0x17: {  	s25 =	simm.s32 $0x0;
	[sflag:s11] =	ssyncadd.s32 $0xFFFFD800  }
0x18: {  	v3 =	vld [tilespmem:s25+$0x70]  }
0x19: {  	v6 =	vld [tilespmem:s25+$0x0]  }
0x1a: {  	v7 =	vld [tilespmem:s25+$0x10]  }
0x1b: {  	v1 =	vld [tilespmem:s25+$0x20]  }
0x1c: {  	v0 =	vld [tilespmem:s25+$0x30]  }
0x1d: {  	v2 =	vld [tilespmem:s25+$0x40];
	_ =	sdelay $0x2  }
0x1e: {  	v5 =	vshra.s32 v3, $0xE;
	v21 =	vand.u32 $0x3FFF, v3  }
0x1f: {  	v22 =	vshra.s32 v6, $0xE;
	v23 =	vshra.s32 v7, $0xE;
	v26 =	vshra.s32 v1, $0xE  }
0x20: {  	v12 =	vshra.s32 v0, $0xE;
	v11 =	vshra.s32 v2, $0xE;
	v8 =	vand.u32 $0x7F, v5  }
0x21: {  	vm0 =	vlt.s32 v5, $0x1800;
	v9 =	vadd.s32 $0xFFFFE800, v5;
	vm1 =	vgt.s32 v5, $0x17FF  }
0x22: {  	v13 =	vand.u32 $0x7F, v23;
	v14 =	vand.u32 $0x7F, v26;
	v15 =	vand.u32 $0x7F, v12  }
0x23: {  	v17 =	vand.u32 $0x7F, v11;
	v25 =	vadd.s32 $0xFFFFE800, v22;
	vm9 =	vlt.s32 v22, $0x1800  }
0x24: {  	vm10 =	vgt.s32 v22, $0x17FF;
	v29 =	vadd.s32 $0xFFFFE800, v23;
	vm11 =	vlt.s32 v23, $0x1800  }
0x25: {  	v4 =	vld [tilespmem:s25+$0x60];
	vm12 =	vgt.s32 v23, $0x17FF;
	v30 =	vadd.s32 $0xFFFFE800, v26;
	vm13 =	vlt.s32 v26, $0x1800  }
0x26: {  	v3 =	vld [tilespmem:s25+$0x50];
	vm14 =	vgt.s32 v26, $0x17FF;
	v20 =	vadd.s32 $0xFFFFE800, v12;
	vm8 =	vlt.s32 v12, $0x1800  }
0x27: {  	vm6 =	vgt.s32 v12, $0x17FF;
	vm7 =	vlt.s32 v11, $0x1800;
	vm5 =	vgt.s32 v11, $0x17FF  }
0x28: {  	v8 =	vor.u32 $0x1800, v8;
	v27 =	vor.u32 $0x1800, v13;
	v28 =	vor.u32 $0x1800, v14  }
0x29: {  	v16 =	vor.u32 $0x1800, v15;
	v15 =	vor.u32 $0x1800, v17;
	v18 =	vsel vm1, v9, v8  }
0x2a: {  	[tilespmem:s25+$0x2870] =	vst v21;
	v9 =	vand.u32 $0x7F, v22;
	v23 =	vsel vm11, v23, v27;
	v21 =	vsel vm14, v30, v28  }
0x2b: {  	v24 =	vor.u32 $0x1800, v9;
	v9 =	vshra.s32 v4, $0xE;
	v10 =	vshra.s32 v3, $0xE  }
0x2c: {  	[tilespmem:s25+$0x7870] =	vst v18;
	v19 =	vand.u32 $0x7F, v9;
	v18 =	vadd.s32 $0xFFFFE800, v9;
	vm4 =	vlt.s32 v9, $0x1800  }
0x2d: {  	vm2 =	vgt.s32 v9, $0x17FF;
	v22 =	vsel vm9, v22, v24;
	v25 =	vsel vm10, v25, v24  }
0x2e: {  	v24 =	vsel vm12, v29, v27;
	v13 =	vand.u32 $0x7F, v10;
	v17 =	vadd.s32 $0xFFFFE800, v10  }
0x2f: {  	vm3 =	vlt.s32 v10, $0x1800;
	vm1 =	vgt.s32 v10, $0x17FF;
	[tilespmem:s25+$0x5000] =	vst v22;
	v22 =	vsel vm13, v26, v28  }
0x30: {  	s24 =	simm.s32 $0x80;
	s26 =	simm.s32 $0x400;
	v14 =	vor.u32 $0x1800, v13;
	v13 =	vor.u32 $0x1800, v19;
	v19 =	vadd.s32 $0xFFFFE800, v11  }
.LBB2_2:
0x31: {  	p0 =	seq.s32 s26, $0x9E00;
	v26 =	vld [tilespmem:s24+$0x70];
	[tilespmem:s25+$0x7800] =	vst v25;
	v12 =	vsel vm8, v12, v16;
	v16 =	vsel vm6, v20, v16;
	v11 =	vsel vm7, v11, v15  }
0x32: {  	v15 =	vsel vm5, v19, v15;
	v10 =	vsel vm3, v10, v14;
	v14 =	vsel vm1, v17, v14;
	v20 =	vld [tilespmem:s24+$0x0];
	[tilespmem:s25+$0x5010] =	vst v23  }
0x33: {  	v19 =	vsel vm4, v9, v13;
	v13 =	vsel vm2, v18, v13;
	v18 =	vsel vm0, v5, v8;
	v17 =	vld [tilespmem:s24+$0x10];
	[tilespmem:s25+$0x7810] =	vst v24  }
0x34: {  	v25 =	vand.u32 $0x3FFF, v1;
	v23 =	vand.u32 $0x3FFF, v6;
	v24 =	vand.u32 $0x3FFF, v7;
	v1 =	vld [tilespmem:s24+$0x20];
	[tilespmem:s25+$0x5020] =	vst v22  }
0x35: {  	v27 =	vand.u32 $0x3FFF, v3;
	v22 =	vand.u32 $0x3FFF, v2;
	[tilespmem:s25+$0x7820] =	vst v21;
	v21 =	vand.u32 $0x3FFF, v0;
	v0 =	vld [tilespmem:s24+$0x30]  }
0x36: {  	v28 =	vand.u32 $0x3FFF, v4;
	v2 =	vld [tilespmem:s24+$0x40];
	v5 =	vshra.s32 v26, $0xE;
	v26 =	vand.u32 $0x3FFF, v26;
	[tilespmem:s25+$0x5030] =	vst v12  }
0x37: {  	v29 =	vshra.s32 v20, $0xE;
	v3 =	vld [tilespmem:s24+$0x50];
	v12 =	vand.u32 $0x7F, v5;
	vm0 =	vlt.s32 v5, $0x1800;
	[tilespmem:s25+$0x7830] =	vst v16;
	v6 =	vmovc v20  }
0x38: {  	v9 =	vadd.s32 $0xFFFFE800, v5;
	vm1 =	vgt.s32 v5, $0x17FF;
	v4 =	vld [tilespmem:s24+$0x60];
	v8 =	vor.u32 $0x1800, v12;
	[tilespmem:s25+$0x5040] =	vst v11;
	v7 =	vmovc v17  }
0x39: {  	v30 =	vshra.s32 v7, $0xE;
	v31 =	vshra.s32 v1, $0xE;
	v9 =	vsel vm1, v9, v8;
	[tilespmem:s25+$0x7840] =	vst v15  }
0x3a: {  	v15 =	vand.u32 $0x7F, v29;
	v16 =	vand.u32 $0x7F, v30;
	v12 =	vshra.s32 v0, $0xE;
	[tilespmem:s24+$0x7870] =	vst v9  }
0x3b: {  	v17 =	vand.u32 $0x7F, v31;
	v20 =	vand.u32 $0x7F, v12;
	v11 =	vshra.s32 v2, $0xE;
	[tilespmem:s25+$0x5050] =	vst v10  }
0x3c: {  	v32 =	vor.u32 $0x1800, v15;
	v15 =	vand.u32 $0x7F, v11;
	v10 =	vshra.s32 v3, $0xE;
	[tilespmem:s25+$0x7850] =	vst v14  }
0x3d: {  	v33 =	vor.u32 $0x1800, v16;
	v14 =	vand.u32 $0x7F, v10;
	v9 =	vshra.s32 v4, $0xE;
	[tilespmem:s25+$0x5060] =	vst v19  }
0x3e: {  	v34 =	vor.u32 $0x1800, v17;
	v16 =	vor.u32 $0x1800, v20;
	v17 =	vand.u32 $0x7F, v9;
	[tilespmem:s25+$0x7860] =	vst v13  }
0x3f: {  	v15 =	vor.u32 $0x1800, v15;
	v14 =	vor.u32 $0x1800, v14;
	v13 =	vor.u32 $0x1800, v17;
	[tilespmem:s25+$0x5070] =	vst v18  }
0x40: {  	v35 =	vadd.s32 $0xFFFFE800, v29;
	vm10 =	vlt.s32 v29, $0x1800;
	vm11 =	vgt.s32 v29, $0x17FF;
	[tilespmem:s25+$0x2800] =	vst v23  }
0x41: {  	v36 =	vadd.s32 $0xFFFFE800, v30;
	vm14 =	vlt.s32 v30, $0x1800;
	vm9 =	vgt.s32 v30, $0x17FF;
	[tilespmem:s25+$0x2810] =	vst v24  }
0x42: {  	v37 =	vadd.s32 $0xFFFFE800, v31;
	vm12 =	vlt.s32 v31, $0x1800;
	vm13 =	vgt.s32 v31, $0x17FF;
	[tilespmem:s25+$0x2820] =	vst v25  }
0x43: {  	vm8 =	vlt.s32 v12, $0x1800;
	vm6 =	vgt.s32 v12, $0x17FF;
	v20 =	vadd.s32 $0xFFFFE800, v12;
	[tilespmem:s25+$0x2830] =	vst v21  }
.Ltmp0:
0x44: {  	vm7 =	vlt.s32 v11, $0x1800;
	vm5 =	vgt.s32 v11, $0x17FF;
	v19 =	vadd.s32 $0xFFFFE800, v11;
	[tilespmem:s25+$0x2840] =	vst v22;
	(pc) =	sbr.rel @!p0 .LBB2_2-.Ltmp0, $4  }
0x45: {  	vm3 =	vlt.s32 v10, $0x1800;
	vm1 =	vgt.s32 v10, $0x17FF;
	v17 =	vadd.s32 $0xFFFFE800, v10;
	[tilespmem:s25+$0x2850] =	vst v27  }
0x46: {  	vm4 =	vlt.s32 v9, $0x1800;
	vm2 =	vgt.s32 v9, $0x17FF;
	v18 =	vadd.s32 $0xFFFFE800, v9;
	[tilespmem:s25+$0x2860] =	vst v28;
	s25 =	smov.u32 s24  }
0x47: {  	v23 =	vsel vm14, v30, v33;
	v25 =	vsel vm11, v35, v32;
	v21 =	vsel vm10, v29, v32;
	[tilespmem:s25+$0x2870] =	vst v26  }
0x48: {  	v24 =	vsel vm9, v36, v33;
	v22 =	vsel vm12, v31, v34;
	s24 =	sshra.s32 s26, $0x2;
	s26 =	sadd.s32 $0x200, s26;
	[tilespmem:s25+$0x5000] =	vst v21;
	v21 =	vsel vm13, v37, v34  }
0x49: {  	v26 =	vld [tilespmem:s24+$0x70];
	[tilespmem:s25+$0x7800] =	vst v25  }
0x4a: {  	v25 =	vld [tilespmem:s24+$0x0];
	[tilespmem:s25+$0x5010] =	vst v23  }
0x4b: {  	v23 =	vld [tilespmem:s24+$0x10];
	[tilespmem:s25+$0x7810] =	vst v24  }
0x4c: {  	v24 =	vld [tilespmem:s24+$0x20];
	[tilespmem:s25+$0x5020] =	vst v22  }
0x4d: {  	v12 =	vsel vm8, v12, v16;
	v22 =	vld [tilespmem:s24+$0x30];
	[tilespmem:s25+$0x7820] =	vst v21  }
0x4e: {  	v59 =	vsel vm6, v20, v16;
	v21 =	vld [tilespmem:s24+$0x40];
	[tilespmem:s25+$0x5030] =	vst v12;
	v60 =	vshra.s32 v26, $0xE  }
0x4f: {  	v11 =	vsel vm7, v11, v15;
	v61 =	vsel vm5, v19, v15;
	v16 =	vld [tilespmem:s24+$0x50];
	[tilespmem:s25+$0x7830] =	vst v59;
	v62 =	vand.u32 $0x7F, v60  }
0x50: {  	v27 =	vadd.s32 $0xFFFFE800, v60;
	vm12 =	vgt.s32 v60, $0x17FF;
	v19 =	vld [tilespmem:s24+$0x60];
	v15 =	vor.u32 $0x1800, v62;
	[tilespmem:s25+$0x5040] =	vst v11  }
0x51: {  	[tilespmem:s25+$0x7840] =	vst v61;
	v63 =	vsel vm12, v27, v15  }
0x52: {  	v10 =	vsel vm3, v10, v14;
	[tilespmem:s24+$0x7870] =	vst v63  }
0x53: {  	v17 =	vsel vm1, v17, v14;
	[tilespmem:s25+$0x5050] =	vst v10  }
0x54: {  	v9 =	vsel vm4, v9, v13;
	[tilespmem:s25+$0x7850] =	vst v17  }
0x55: {  	v18 =	vsel vm2, v18, v13;
	[tilespmem:s25+$0x5060] =	vst v9  }
0x56: {  	v5 =	vsel vm0, v5, v8;
	[tilespmem:s25+$0x7860] =	vst v18  }
0x57: {  	v6 =	vand.u32 $0x3FFF, v6;
	[tilespmem:s25+$0x5070] =	vst v5  }
0x58: {  	v7 =	vand.u32 $0x3FFF, v7;
	[tilespmem:s25+$0x2800] =	vst v6  }
0x59: {  	v1 =	vand.u32 $0x3FFF, v1;
	[tilespmem:s25+$0x2810] =	vst v7  }
0x5a: {  	v0 =	vand.u32 $0x3FFF, v0;
	[tilespmem:s25+$0x2820] =	vst v1  }
0x5b: {  	v2 =	vand.u32 $0x3FFF, v2;
	[tilespmem:s25+$0x2830] =	vst v0  }
0x5c: {  	v3 =	vand.u32 $0x3FFF, v3;
	[tilespmem:s25+$0x2840] =	vst v2  }
0x5d: {  	v4 =	vand.u32 $0x3FFF, v4;
	[tilespmem:s25+$0x2850] =	vst v3  }
0x5e: {  	v26 =	vand.u32 $0x3FFF, v26;
	v57 =	vand.u32 $0x3FFF, v25;
	[tilespmem:s25+$0x2860] =	vst v4  }
0x5f: {  	v28 =	vshra.s32 v23, $0xE;
	v58 =	vand.u32 $0x3FFF, v23;
	v27 =	vshra.s32 v25, $0xE;
	[tilespmem:s24+$0x2870] =	vst v26  }
0x60: {  	v29 =	vshra.s32 v24, $0xE;
	v31 =	vand.u32 $0x7F, v28;
	vm15 =	vlt.s32 v28, $0x1800;
	[tilespmem:s24+$0x2800] =	vst v57  }
0x61: {  	v42 =	vadd.s32 $0xFFFFE800, v28;
	v59 =	vand.u32 $0x3FFF, v24;
	v30 =	vand.u32 $0x7F, v27;
	[tilespmem:s24+$0x2810] =	vst v58  }
0x62: {  	vm13 =	vlt.s32 v27, $0x1800;
	v9 =	vor.u32 $0x1800, v30;
	v61 =	vand.u32 $0x3FFF, v21;
	[tilespmem:s24+$0x2820] =	vst v59  }
0x63: {  	v40 =	vadd.s32 $0xFFFFE800, v27;
	vm14 =	vgt.s32 v27, $0x17FF;
	v6 =	vsel vm13, v27, v9;
	[tilespmem:s24+$0x2840] =	vst v61  }
0x64: {  	vm4 =	vgt.s32 v28, $0x17FF;
	v1 =	vor.u32 $0x1800, v31;
	v4 =	vsel vm14, v40, v9;
	[tilespmem:s24+$0x5000] =	vst v6  }
0x65: {  	v32 =	vshra.s32 v22, $0xE;
	v33 =	vand.u32 $0x7F, v29;
	v7 =	vsel vm15, v28, v1;
	[tilespmem:s24+$0x7800] =	vst v4  }
0x66: {  	vm5 =	vlt.s32 v29, $0x1800;
	v41 =	vor.u32 $0x1800, v33;
	v1 =	vsel vm4, v42, v1;
	[tilespmem:s24+$0x5010] =	vst v7  }
0x67: {  	v43 =	vadd.s32 $0xFFFFE800, v29;
	vm6 =	vgt.s32 v29, $0x17FF;
	v44 =	vsel vm5, v29, v41;
	[tilespmem:s24+$0x7810] =	vst v1  }
0x68: {  	v34 =	vand.u32 $0x7F, v32;
	v35 =	vshra.s32 v21, $0xE;
	v62 =	vand.u32 $0x3FFF, v16;
	[tilespmem:s24+$0x5020] =	vst v44  }
0x69: {  	vm7 =	vlt.s32 v32, $0x1800;
	v0 =	vor.u32 $0x1800, v34;
	v4 =	vsel vm6, v43, v41;
	[tilespmem:s24+$0x2850] =	vst v62  }
0x6a: {  	v46 =	vadd.s32 $0xFFFFE800, v32;
	vm8 =	vgt.s32 v32, $0x17FF;
	v47 =	vsel vm7, v32, v0;
	[tilespmem:s24+$0x7820] =	vst v4  }
0x6b: {  	v36 =	vand.u32 $0x7F, v35;
	vm15 =	vlt.s32 v60, $0x1800;
	v0 =	vsel vm8, v46, v0;
	[tilespmem:s24+$0x5030] =	vst v47  }
0x6c: {  	v37 =	vshra.s32 v16, $0xE;
	vm9 =	vlt.s32 v35, $0x1800;
	v56 =	vsel vm15, v60, v15;
	[tilespmem:s24+$0x7830] =	vst v0  }
0x6d: {  	v48 =	vadd.s32 $0xFFFFE800, v35;
	vm10 =	vgt.s32 v35, $0x17FF;
	v60 =	vand.u32 $0x3FFF, v22;
	[tilespmem:s24+$0x5070] =	vst v56  }
0x6e: {  	v38 =	vand.u32 $0x7F, v37;
	v2 =	vor.u32 $0x1800, v36;
	v63 =	vand.u32 $0x3FFF, v19;
	[tilespmem:s24+$0x2830] =	vst v60  }
0x6f: {  	v39 =	vshra.s32 v19, $0xE;
	vm11 =	vlt.s32 v37, $0x1800;
	v49 =	vsel vm9, v35, v2;
	[tilespmem:s24+$0x2860] =	vst v63  }
0x70: {  	v51 =	vadd.s32 $0xFFFFE800, v37;
	v50 =	vor.u32 $0x1800, v38;
	v2 =	vsel vm10, v48, v2;
	[tilespmem:s24+$0x5040] =	vst v49  }
0x71: {  	vm12 =	vgt.s32 v37, $0x17FF;
	v45 =	vand.u32 $0x7F, v39;
	v52 =	vsel vm11, v37, v50;
	[tilespmem:s24+$0x7840] =	vst v2  }
0x72: {  	vm13 =	vlt.s32 v39, $0x1800;
	v1 =	vor.u32 $0x1800, v45;
	v0 =	vsel vm12, v51, v50;
	[tilespmem:s24+$0x5050] =	vst v52  }
0x73: {  	v53 =	vadd.s32 $0xFFFFE800, v39;
	vm14 =	vgt.s32 v39, $0x17FF;
	v54 =	vsel vm13, v39, v1;
	[tilespmem:s24+$0x7850] =	vst v0  }
0x74: {  	v55 =	vsel vm14, v53, v1;
	[tilespmem:s24+$0x5060] =	vst v54  }
0x75: {  	[tilespmem:s24+$0x7860] =	vst v55  }
0x76: {  	[spmem:s13], [sflag:s12] =	dma.local [hbm:s5], $0x800  }
0x77: {  	_ =	swait.ge [sflag:s11], $0x800  }
0x78: {  	[sflag:s11] =	ssyncset.done $0x0  }
0x79: {  	[sflag:s11] =	ssyncadd.s32 $0xFFFFF800  }
0x7a: {  	[spmem:s14], [sflag:s12] =	dma.local [hbm:s5], $0x800  }
0x7b: {  	_ =	swait.ge [sflag:s11], $0x800  }
0x7c: {  	[sflag:s11] =	ssyncset.done $0x0  }
0x7d: {  	[sflag:s11] =	ssyncadd.s32 $0xFFFFF800  }
0x7e: {  	[spmem:s15], [sflag:s12] =	dma.local [hbm:s5], $0x800  }
0x7f: {  	_ =	swait.ge [sflag:s11], $0x800  }
0x80: {  	[sflag:s11] =	ssyncset.done $0x0  }
0x81: {  	[sflag:s11] =	ssyncadd.s32 $0xFFFFF800  }
0x82: {  	[spmem:s16], [sflag:s12] =	dma.local [hbm:s5], $0x80  }
0x83: {  	_ =	swait.ge [sflag:s11], $0x80  }
0x84: {  	[sflag:s11] =	ssyncset.done $0x0  }
0x85: {  	[sflag:s11] =	ssyncadd.s32 $0xFFFFFF80  }
0x86: {  	s28 =	simm.s32 $0x2800;
	[bflag:$0x0] =	sbarrier.arrive $0xFFFF  }
0x87: {  	[tilespmem:s18], [sflag:$0x1] =	stream.indirect.gather [hbm4b:s2+s17], $0x80, s28, s17, $0xb8;
	[tilespmem:$0x1E400] =	vst v63  }
0x88: {  	s29 =	simm.s32 $0x2880  }
0x89: {  	[tilespmem:s19], [sflag:$0x2] =	stream.indirect.gather [hbm4b:s2+s17], $0x80, s29, s17, $0xb8;
	[tilespmem:$0x1E400] =	vst v63  }
0x8a: {  	_ =	swait.ge [sflag:s20], $0x4000  }
0x8b: {  	[sflag:s20] =	ssyncset.done $0x0  }
0x8c: {  	s30 =	simm.s32 $0x5000;
	[sflag:s20] =	ssyncadd.s32 $0xFFFFC000  }
0x8d: {  	[spmem:s3] =	stream.indirect.scatter.add.f32 [tilespmem:s18], [sflag:$0x3], $0x80, s30, s17, $0xb8;
	[tilespmem:$0x1E400] =	vst v63  }
0x8e: {  	_ =	swait.ge [sflag:s21], $0x4000  }
0x8f: {  	[sflag:s21] =	ssyncset.done $0x0  }
0x90: {  	s31 =	simm.s32 $0x5080;
	[sflag:s21] =	ssyncadd.s32 $0xFFFFC000  }
0x91: {  	[spmem:s3] =	stream.indirect.scatter.add.f32 [tilespmem:s19], [sflag:$0x4], $0x80, s31, s17, $0xb8;
	[tilespmem:$0x1E400] =	vst v63  }
0x92: {  	_ =	swait.ge [sflag:s11], $0x4000  }
0x93: {  	[sflag:s11] =	ssyncset.done $0x0  }
0x94: {  	[sflag:s11] =	ssyncadd.s32 $0xFFFFC000  }
0x95: {  	_ =	swait.ge [sflag:s22], $0x4000  }
0x96: {  	s25 =	simm.s32 $0x800;
	s24 =	simm.s32 $0x100;
	[sflag:s22] =	ssyncset.done $0x0  }
.LBB2_4:
0x97: {  	s26 =	sadd.s32 $0x2800, s24  }
0x98: {  	[sflag:s22] =	ssyncadd.s32 $0xFFFFC000;
	s28 =	smov.u32 s25;
	s29 =	sadd.s32 $0x400, s25  }
0x99: {  	[tilespmem:s18], [sflag:$0x1] =	stream.indirect.gather [hbm4b:s2+s17], $0x80, s26, s17, $0xb8;
	[tilespmem:$0x1E400] =	vst v63  }
0x9a: {  	p0 =	sne.s32 s25, $0x9C00;
	s25 =	sadd.s32 $0x2880, s24  }
0x9b: {  	[tilespmem:s19], [sflag:$0x2] =	stream.indirect.gather [hbm4b:s2+s17], $0x80, s25, s17, $0xb8;
	[tilespmem:$0x1E400] =	vst v63  }
0x9c: {  	_ =	swait.ge [sflag:s20], $0x4000  }
0x9d: {  	[sflag:s20] =	ssyncset.done $0x0  }
0x9e: {  	s25 =	sadd.s32 $0x5000, s24;
	[sflag:s20] =	ssyncadd.s32 $0xFFFFC000  }
0x9f: {  	[spmem:s3] =	stream.indirect.scatter.add.f32 [tilespmem:s18], [sflag:$0x3], $0x80, s25, s17, $0xb8;
	[tilespmem:$0x1E400] =	vst v63  }
0xa0: {  	_ =	swait.ge [sflag:s21], $0x4000  }
0xa1: {  	[sflag:s21] =	ssyncset.done $0x0  }
0xa2: {  	s24 =	sadd.s32 $0x5080, s24;
	[sflag:s21] =	ssyncadd.s32 $0xFFFFC000  }
0xa3: {  	[spmem:s3] =	stream.indirect.scatter.add.f32 [tilespmem:s19], [sflag:$0x4], $0x80, s24, s17, $0xb8;
	[tilespmem:$0x1E400] =	vst v63  }
.Ltmp1:
0xa4: {  	_ =	swait.ge [sflag:s11], $0x4000;
	(pc) =	sbr.rel @p0 .LBB2_4-.Ltmp1, $4  }
0xa5: {  	[sflag:s11] =	ssyncset.done $0x0  }
0xa6: {  	[sflag:s11] =	ssyncadd.s32 $0xFFFFC000  }
0xa7: {  	_ =	swait.ge [sflag:s22], $0x4000  }
0xa8: {  	s25 =	smov.u32 s29;
	s24 =	sshra.s32 s28, $0x2;
	[sflag:s22] =	ssyncset.done $0x0  }
0xa9: {  	s25 =	sadd.s32 $0x2800, s24;
	[sflag:s22] =	ssyncadd.s32 $0xFFFFC000  }
0xaa: {  	[tilespmem:s18], [sflag:$0x1] =	stream.indirect.gather [hbm4b:s2+s17], $0x80, s25, s17, $0xb8;
	[tilespmem:$0x1E400] =	vst v63  }
0xab: {  	s30 =	sadd.s32 $0x2880, s24  }
0xac: {  	[tilespmem:s19], [sflag:$0x2] =	stream.indirect.gather [hbm4b:s2+s17], $0x80, s30, s17, $0xb8;
	[tilespmem:$0x1E400] =	vst v63  }
0xad: {  	_ =	swait.ge [sflag:s20], $0x4000  }
0xae: {  	[sflag:s20] =	ssyncset.done $0x0  }
0xaf: {  	s31 =	sadd.s32 $0x5000, s24;
	[sflag:s20] =	ssyncadd.s32 $0xFFFFC000  }
0xb0: {  	[spmem:s3] =	stream.indirect.scatter.add.f32 [tilespmem:s18], [sflag:$0x3], $0x80, s31, s17, $0xb8;
	[tilespmem:$0x1E400] =	vst v63  }
0xb1: {  	_ =	swait.ge [sflag:s21], $0x4000  }
0xb2: {  	[sflag:s21] =	ssyncset.done $0x0  }
0xb3: {  	s26 =	sadd.s32 $0x5080, s24;
	[sflag:s21] =	ssyncadd.s32 $0xFFFFC000  }
0xb4: {  	[spmem:s3] =	stream.indirect.scatter.add.f32 [tilespmem:s19], [sflag:$0x4], $0x80, s26, s17, $0xb8;
	[tilespmem:$0x1E400] =	vst v63  }
0xb5: {  	_ =	swait.ge [sflag:s11], $0x4000  }
0xb6: {  	[sflag:s11] =	ssyncset.done $0x0  }
0xb7: {  	[sflag:s11] =	ssyncadd.s32 $0xFFFFC000  }
0xb8: {  	_ =	swait.ge [sflag:s22], $0x4000  }
0xb9: {  	[sflag:s22] =	ssyncset.done $0x0  }
0xba: {  	[sflag:s22] =	ssyncadd.s32 $0xFFFFC000  }
0xbb: {  	s24 =	sshrl.u32 s8, $0x3;
	[bflag:$0x0] =	sbarrier.arrive $0xFFFF  }
0xbc: {  	[hbm:s7], [sflag:s12] =	dma.local [spmem:s24], $0x1800  }
0xbd: {  	_ =	swait.ge [sflag:s11], $0x1800  }
0xbe: {  	[sflag:s11] =	ssyncset.done $0x0  }
0xbf: {  	[sflag:s11] =	ssyncadd.s32 $0xFFFFE800  }
0xc0: {  	[bflag:$0x0] =	sbarrier.arrive $0xFFFF  }
0xc1: {  	[spmem:s13], [sflag:s12] =	dma.local [hbm:s5], $0x800  }
0xc2: {  	_ =	swait.ge [sflag:s11], $0x800  }
0xc3: {  	[sflag:s11] =	ssyncset.done $0x0  }
0xc4: {  	[sflag:s11] =	ssyncadd.s32 $0xFFFFF800  }
0xc5: {  	[spmem:s14], [sflag:s12] =	dma.local [hbm:s5], $0x800  }
0xc6: {  	_ =	swait.ge [sflag:s11], $0x800  }
0xc7: {  	[sflag:s11] =	ssyncset.done $0x0  }
0xc8: {  	[sflag:s11] =	ssyncadd.s32 $0xFFFFF800  }
0xc9: {  	[spmem:s15], [sflag:s12] =	dma.local [hbm:s5], $0x800  }
0xca: {  	_ =	swait.ge [sflag:s11], $0x800  }
0xcb: {  	[sflag:s11] =	ssyncset.done $0x0  }
0xcc: {  	[sflag:s11] =	ssyncadd.s32 $0xFFFFF800  }
0xcd: {  	[spmem:s16], [sflag:s12] =	dma.local [hbm:s5], $0x80  }
0xce: {  	_ =	swait.ge [sflag:s11], $0x80  }
0xcf: {  	[sflag:s11] =	ssyncset.done $0x0  }
0xd0: {  	[sflag:s11] =	ssyncadd.s32 $0xFFFFFF80  }
0xd1: {  	s28 =	simm.s32 $0x2800;
	[bflag:$0x0] =	sbarrier.arrive $0xFFFF  }
0xd2: {  	[tilespmem:s18], [sflag:$0x1] =	stream.indirect.gather [hbm4b:s2+s17], $0x80, s28, s17, $0xb8;
	[tilespmem:$0x1E400] =	vst v63  }
0xd3: {  	s29 =	simm.s32 $0x2880  }
0xd4: {  	[tilespmem:s19], [sflag:$0x2] =	stream.indirect.gather [hbm4b:s2+s17], $0x80, s29, s17, $0xb8;
	[tilespmem:$0x1E400] =	vst v63  }
0xd5: {  	_ =	swait.ge [sflag:s20], $0x4000  }
0xd6: {  	[sflag:s20] =	ssyncset.done $0x0  }
0xd7: {  	s30 =	simm.s32 $0x7800;
	[sflag:s20] =	ssyncadd.s32 $0xFFFFC000  }
0xd8: {  	[spmem:s3] =	stream.indirect.scatter.add.f32 [tilespmem:s18], [sflag:$0x3], $0x80, s30, s17, $0xb8;
	[tilespmem:$0x1E400] =	vst v63  }
0xd9: {  	_ =	swait.ge [sflag:s21], $0x4000  }
0xda: {  	[sflag:s21] =	ssyncset.done $0x0  }
0xdb: {  	s31 =	simm.s32 $0x7880;
	[sflag:s21] =	ssyncadd.s32 $0xFFFFC000  }
0xdc: {  	[spmem:s3] =	stream.indirect.scatter.add.f32 [tilespmem:s19], [sflag:$0x4], $0x80, s31, s17, $0xb8;
	[tilespmem:$0x1E400] =	vst v63  }
0xdd: {  	_ =	swait.ge [sflag:s11], $0x4000  }
0xde: {  	[sflag:s11] =	ssyncset.done $0x0  }
0xdf: {  	[sflag:s11] =	ssyncadd.s32 $0xFFFFC000  }
0xe0: {  	_ =	swait.ge [sflag:s22], $0x4000  }
0xe1: {  	s25 =	simm.s32 $0x100;
	s26 =	simm.s32 $0x800;
	[sflag:s22] =	ssyncset.done $0x0  }
.LBB2_6:
0xe2: {  	s28 =	sadd.s32 $0x2800, s25  }
0xe3: {  	[sflag:s22] =	ssyncadd.s32 $0xFFFFC000;
	s29 =	smov.u32 s26;
	s30 =	sadd.s32 $0x400, s26  }
0xe4: {  	[tilespmem:s18], [sflag:$0x1] =	stream.indirect.gather [hbm4b:s2+s17], $0x80, s28, s17, $0xb8;
	[tilespmem:$0x1E400] =	vst v63  }
0xe5: {  	p0 =	sne.s32 s26, $0x9C00;
	s26 =	sadd.s32 $0x2880, s25  }
0xe6: {  	[tilespmem:s19], [sflag:$0x2] =	stream.indirect.gather [hbm4b:s2+s17], $0x80, s26, s17, $0xb8;
	[tilespmem:$0x1E400] =	vst v63  }
0xe7: {  	_ =	swait.ge [sflag:s20], $0x4000  }
0xe8: {  	[sflag:s20] =	ssyncset.done $0x0  }
0xe9: {  	s26 =	sadd.s32 $0x7800, s25;
	[sflag:s20] =	ssyncadd.s32 $0xFFFFC000  }
0xea: {  	[spmem:s3] =	stream.indirect.scatter.add.f32 [tilespmem:s18], [sflag:$0x3], $0x80, s26, s17, $0xb8;
	[tilespmem:$0x1E400] =	vst v63  }
0xeb: {  	_ =	swait.ge [sflag:s21], $0x4000  }
0xec: {  	[sflag:s21] =	ssyncset.done $0x0  }
0xed: {  	s25 =	sadd.s32 $0x7880, s25;
	[sflag:s21] =	ssyncadd.s32 $0xFFFFC000  }
0xee: {  	[spmem:s3] =	stream.indirect.scatter.add.f32 [tilespmem:s19], [sflag:$0x4], $0x80, s25, s17, $0xb8;
	[tilespmem:$0x1E400] =	vst v63  }
.Ltmp2:
0xef: {  	_ =	swait.ge [sflag:s11], $0x4000;
	(pc) =	sbr.rel @p0 .LBB2_6-.Ltmp2, $4  }
0xf0: {  	[sflag:s11] =	ssyncset.done $0x0  }
0xf1: {  	[sflag:s11] =	ssyncadd.s32 $0xFFFFC000  }
0xf2: {  	_ =	swait.ge [sflag:s22], $0x4000  }
0xf3: {  	s26 =	smov.u32 s30;
	s25 =	sshra.s32 s29, $0x2;
	[sflag:s22] =	ssyncset.done $0x0  }
0xf4: {  	s26 =	sadd.s32 $0x2800, s25;
	[sflag:s22] =	ssyncadd.s32 $0xFFFFC000  }
0xf5: {  	[tilespmem:s18], [sflag:$0x1] =	stream.indirect.gather [hbm4b:s2+s17], $0x80, s26, s17, $0xb8;
	[tilespmem:$0x1E400] =	vst v63  }
0xf6: {  	s29 =	sadd.s32 $0x2880, s25  }
0xf7: {  	[tilespmem:s19], [sflag:$0x2] =	stream.indirect.gather [hbm4b:s2+s17], $0x80, s29, s17, $0xb8;
	[tilespmem:$0x1E400] =	vst v63  }
0xf8: {  	_ =	swait.ge [sflag:s20], $0x4000  }
0xf9: {  	[sflag:s20] =	ssyncset.done $0x0  }
0xfa: {  	s30 =	sadd.s32 $0x7800, s25;
	[sflag:s20] =	ssyncadd.s32 $0xFFFFC000  }
0xfb: {  	[spmem:s3] =	stream.indirect.scatter.add.f32 [tilespmem:s18], [sflag:$0x3], $0x80, s30, s17, $0xb8;
	[tilespmem:$0x1E400] =	vst v63  }
0xfc: {  	_ =	swait.ge [sflag:s21], $0x4000  }
0xfd: {  	[sflag:s21] =	ssyncset.done $0x0  }
0xfe: {  	s31 =	sadd.s32 $0x7880, s25;
	[sflag:s21] =	ssyncadd.s32 $0xFFFFC000  }
0xff: {  	[spmem:s3] =	stream.indirect.scatter.add.f32 [tilespmem:s19], [sflag:$0x4], $0x80, s31, s17, $0xb8;
	[tilespmem:$0x1E400] =	vst v63  }
0x100: {  	_ =	swait.ge [sflag:s11], $0x4000  }
0x101: {  	[sflag:s11] =	ssyncset.done $0x0  }
0x102: {  	[sflag:s11] =	ssyncadd.s32 $0xFFFFC000  }
0x103: {  	_ =	swait.ge [sflag:s22], $0x4000  }
0x104: {  	[sflag:s22] =	ssyncset.done $0x0  }
0x105: {  	s23 =	sadd.s32 $0x1, s23;
	[sflag:s22] =	ssyncadd.s32 $0xFFFFC000  }
0x106: {  	p0 =	sne.s32 s23, s10;
	[bflag:$0x0] =	sbarrier.arrive $0xFFFF  }
0x107: {  	[hbm:s9], [sflag:s12] =	dma.local [spmem:s24], $0x1800  }
.Ltmp3:
0x108: {  	_ =	swait.ge [sflag:s11], $0x1800;
	(pc) =	sbr.rel @p0 .LBB2_1-.Ltmp3, $3  }
0x109: {  	[sflag:s11] =	ssyncset.done $0x0  }
0x10a: {  	[sflag:s11] =	ssyncadd.s32 $0xFFFFE800  }
0x10b: {  	[bflag:$0x0] =	sbarrier.arrive $0xFFFF;
	_ =	sdelay $0x1  }
0x10c: {  	_ =	sfence.sel $0x180000  }
0x10d: {  	[bflag:$0x0] =	sbarrier.arrive $0xFFFF  }
0x10e: {  	p0 =	sne.s32 s0, $0x0;
	_ =	strace $0x90000047  }
0x10f: {  	s0 =	sadd.s32 @!p0 $0x100000, s1;
	[bflag:$0x2] =	sbarrier.arrive $0xFFFF  }
0x110: {  	[sflag:s0] =	ssyncadd.tile.s32 @!p0 $0x1;
	_ =	shalt  }
.Lfunc_end2:
_tile_overlayer_lowered:
.L_overlay_start_2:
0x111: {  	(tag) =	ssettag $0x2  }
0x112: {  	s0 =	rddreg [dreg:$0x0];
	s2 =	stileid.u32  }
0x113: {  	s1 =	rddreg [dreg:$0x1];
	p0 =	sne.s32 s2, $0x0  }
0x114: {  	s3 =	rddreg [dreg:$0x2];
	[bflag:$0x3] =	sbarrier.arrive $0xFFFF;
	s2 =	simm.s32 @!p0 $0x1C04  }
0x115: {  	[timem:s3], [sflag:s2] =	dma.local @!p0 [hbm:s0], s1  }
0x116: {  	s0 =	simm.s32 @!p0 $0x4  }
0x117: {  	_ =	swait.ge @!p0 [sflag:s0], s1  }
0x118: {  	s1 =	ssub.s32 @!p0 $0x0, s1;
	[sflag:s0] =	ssyncset.done @!p0 $0x0  }
0x119: {  	[sflag:s0] =	ssyncadd.s32 @!p0 s1  }
0x11a: {  	[bflag:$0x3] =	sbarrier.arrive $0xFFFF  }
0x11b: {  	_ =	shalt  }

</sc_bundles>
